<compile_context>
chip_gen: v7x
topology: tpu7x:2x2x1
jax: 0.10.2.dev20260603
libtpu: 0.0.44.dev20260713+nightly
codegen_flags: <defaults>
</compile_context>

<pallas_src>
import functools

import jax
import jax.numpy as jnp
from jax import lax
from jax.experimental import pallas as pl
from jax.experimental.pallas import tpu as pltpu
from jax.experimental.pallas import tpu_sc as plsc

N_NODES = 10000
D_FEAT = 128
N_EDGES = 320000

NC = 2
NS = 16
NW = NC * NS
N_PAD = 10240
RPT = N_PAD // NS
PAD_ROW = N_PAD - 8

CHUNK = 80
EDGES_PER_TILE = N_EDGES // NW
NCHUNK = EDGES_PER_TILE // CHUNK
HIST_W = 16

CH_S = 80
NCH_P = 25
NPIECE = 5
NBUF = 3

_mesh = plsc.VectorSubcoreMesh(
    core_axis_name="c", subcore_axis_name="s", num_cores=NC, num_subcores=NS)


def _fill_rows(buf, rows, width, value):
  v16 = jnp.full((16,), value, jnp.float32)

  def body(i, _):
    for g in range(width // 16):
      buf[i, pl.ds(g * 16, 16)] = v16
    return 0

  lax.fori_loop(0, rows, body, 0)


@functools.partial(
    pl.kernel,
    out_type=jax.ShapeDtypeStruct((NC, N_PAD, HIST_W), jnp.float32),
    mesh=_mesh,
    scratch_types=[
        pltpu.VMEM((NCHUNK, CHUNK), jnp.int32),
        pltpu.VMEM((CHUNK, HIST_W), jnp.float32),
        pltpu.VMEM_SHARED((N_PAD, HIST_W), jnp.float32),
    ],
    compiler_params=pltpu.CompilerParams(use_tc_tiling_on_sc=False),
)
def _hist_kernel(row_hbm, out_hbm, idx_v, ones_v, hist_sh):
  c = lax.axis_index("c")
  s = lax.axis_index("s")
  t = c * NS + s

  _fill_rows(ones_v, CHUNK, HIST_W, 0.0)
  for j in range(RPT // CHUNK):
    pltpu.sync_copy(ones_v, hist_sh.at[pl.ds(s * RPT + j * CHUNK, CHUNK)])
  _fill_rows(ones_v, CHUNK, HIST_W, 1.0)
  plsc.subcore_barrier()

  pltpu.sync_copy(row_hbm.at[t], idx_v)

  def body(j, _):
    pltpu.sync_copy(ones_v, hist_sh.at[idx_v.at[j]], add=True)
    return 0

  lax.fori_loop(0, NCHUNK, body, 0)
  plsc.subcore_barrier()

  pltpu.sync_copy(hist_sh.at[pl.ds(s * RPT, RPT)],
                  out_hbm.at[c, pl.ds(s * RPT, RPT)])


def _scale_body(wh_ref, f_ref, o_ref):
  rs = wh_ref[0] + wh_ref[1]
  d = jnp.where(rs > 0, lax.rsqrt(rs), jnp.zeros_like(rs))
  o_ref[...] = f_ref[...] * d[:, 0:1]


def _scale_features(wh, feats):
  n = feats.shape[0]
  bk = 1000
  grid = n // bk
  return pl.pallas_call(
      _scale_body,
      out_shape=jax.ShapeDtypeStruct(feats.shape, feats.dtype),
      grid=(grid,),
      in_specs=[
          pl.BlockSpec((NC, bk, HIST_W), lambda i: (0, i, 0)),
          pl.BlockSpec((bk, D_FEAT), lambda i: (i, 0)),
      ],
      out_specs=pl.BlockSpec((bk, D_FEAT), lambda i: (i, 0)),
  )(wh, feats)


@functools.partial(
    pl.kernel,
    out_type=jax.ShapeDtypeStruct((NC, N_PAD, D_FEAT), jnp.float32),
    mesh=_mesh,
    scratch_types=[
        pltpu.VMEM((NCH_P, CH_S), jnp.int32),
        pltpu.VMEM((NCH_P, CH_S), jnp.int32),
        [pltpu.VMEM((CH_S, D_FEAT), jnp.float32) for _ in range(NBUF)],
        pltpu.VMEM_SHARED((N_PAD, D_FEAT), jnp.float32),
        [pltpu.SemaphoreType.DMA for _ in range(NBUF)],
        [pltpu.SemaphoreType.DMA for _ in range(NBUF)],
    ],
    compiler_params=pltpu.CompilerParams(use_tc_tiling_on_sc=False),
)
def _spmm_kernel(feat_hbm, row_hbm, col_hbm, out_hbm,
                 rowi_v, coli_v, gbufs, acc_sh, gsems, ssems):
  gbuf0 = gbufs[0]
  c = lax.axis_index("c")
  s = lax.axis_index("s")
  t = c * NS + s

  _fill_rows(gbuf0, CH_S, D_FEAT, 0.0)
  for j in range(RPT // CH_S):
    pltpu.sync_copy(gbuf0, acc_sh.at[pl.ds(s * RPT + j * CH_S, CH_S)])
  plsc.subcore_barrier()

  for p in range(NPIECE):
    pltpu.sync_copy(row_hbm.at[t, p], rowi_v)
    pltpu.sync_copy(col_hbm.at[t, p], coli_v)

    pltpu.async_copy(feat_hbm.at[coli_v.at[0]], gbufs[0], gsems[0])
    pltpu.async_copy(feat_hbm.at[coli_v.at[1]], gbufs[1], gsems[1])

    def step(j, k):
      buf, gs, ss = gbufs[k], gsems[k], ssems[k]
      kn = (k + 2) % NBUF
      pltpu.make_async_copy(feat_hbm.at[coli_v.at[j]], buf, gs).wait()
      pltpu.async_copy(buf, acc_sh.at[rowi_v.at[j]], ss, add=True)

      @pl.when(j >= 1)
      def _():
        pltpu.make_async_copy(gbufs[kn], acc_sh.at[rowi_v.at[j]],
                              ssems[kn]).wait()

      @pl.when(j + 2 < NCH_P)
      def _():
        pltpu.async_copy(feat_hbm.at[coli_v.at[j + 2]], gbufs[kn], gsems[kn])

    def body(j, _):
      for k in range(NBUF):
        @pl.when(j % NBUF == k)
        def _(k=k):
          step(j, k)

      return 0

    lax.fori_loop(0, NCH_P, body, 0)

    pltpu.make_async_copy(gbufs[(NCH_P - 1) % NBUF],
                          acc_sh.at[rowi_v.at[0]],
                          ssems[(NCH_P - 1) % NBUF]).wait()

  plsc.subcore_barrier()

  pltpu.sync_copy(acc_sh.at[pl.ds(s * RPT, RPT)],
                  out_hbm.at[c, pl.ds(s * RPT, RPT)])


def _final_body(p_ref, wh_ref, o_ref):
  rs = wh_ref[0] + wh_ref[1]
  d = jnp.where(rs > 0, lax.rsqrt(rs), jnp.zeros_like(rs))
  o_ref[...] = (p_ref[0] + p_ref[1]) * d[:, 0:1]


def _final_combine(parts, wh):
  n = N_NODES
  bk = 1000
  grid = n // bk
  return pl.pallas_call(
      _final_body,
      out_shape=jax.ShapeDtypeStruct((n, D_FEAT), jnp.float32),
      grid=(grid,),
      in_specs=[
          pl.BlockSpec((NC, bk, D_FEAT), lambda i: (0, i, 0)),
          pl.BlockSpec((NC, bk, HIST_W), lambda i: (0, i, 0)),
      ],
      out_specs=pl.BlockSpec((bk, D_FEAT), lambda i: (i, 0)),
  )(parts, wh)


def kernel(features, edge_index):
  ei = edge_index.astype(jnp.int32)
  row3 = ei[0].reshape(NW, NCHUNK, CHUNK)
  row4 = ei[0].reshape(NW, NPIECE, NCH_P, CH_S)
  col4 = ei[1].reshape(NW, NPIECE, NCH_P, CH_S)
  wh = _hist_kernel(row3)
  fs = _scale_features(wh, features)
  parts = _spmm_kernel(fs, row4, col4)
  return _final_combine(parts, wh)

# --- scband reference (transcript-rebuilt; emitter-appended) ---
"""Pipeline reference for scband-gcn-layer-39049842655471 (READ-ONLY COPY).

The authoritative reference and input builder live on the scoring server;
editing this copy changes nothing except your own understanding.
"""

import jax, jax.numpy as jnp
import numpy as np

N_NODES = 10000
N_EDGES = 320000
D_FEAT = 128


def setup_inputs(seed: int = 0) -> dict:
    key = jax.random.key(seed)
    k1, k2 = jax.random.split(key)
    features = jax.random.normal(k1, (N_NODES, D_FEAT), dtype=jnp.float32)
    edge_index = jax.random.randint(k2, (2, N_EDGES), 0, N_NODES, dtype=jnp.int64)
    return {"features": features, "edge_index": edge_index}


def reference(features, edge_index):
    # Faithful translation of GCN_layer.forward with a scipy COO adjacency
    # (all-ones edge weights) represented as edge_index [2, E].
    # Steps: symmetric normalization D^-1/2 A D^-1/2, then sparse @ dense.
    N = features.shape[0]
    row = edge_index[0]
    col = edge_index[1]
    ones = jnp.ones(row.shape[0], dtype=features.dtype)
    # rowsum = A.sum(1)
    rowsum = jnp.zeros((N,), dtype=features.dtype).at[row].add(ones)
    # d_inv_sqrt = rowsum ** -0.5, with inf -> 0
    d_inv_sqrt = jnp.where(rowsum > 0, rowsum ** -0.5, jnp.zeros_like(rowsum))
    # normalized edge values: d_inv_sqrt[row] * 1.0 * d_inv_sqrt[col]
    vals = d_inv_sqrt[row] * d_inv_sqrt[col]
    # sparse.mm(adj_norm, features): out[r] += vals[e] * features[c]
    msgs = features[col] * vals[:, None]
    out = jnp.zeros_like(features).at[row].add(msgs)
    return out

if __name__ == "__main__":
    import jax
    _d = setup_inputs()
    print(jax.jit(kernel)(*tuple(_d.values())))

</pallas_src>

<mosaic_0001>
#map = affine_map<(d0, d1) -> (0, 0, 0)>
module attributes {stable_mosaic.version = 14 : i64} {
  func.func @_hist_kernel(%arg0: i32, %arg1: i32, %arg2: memref<32x125x80xi32, #tpu.memory_space<hbm>>, %arg3: memref<2x10240x16xf32, #tpu.memory_space<hbm>>, %arg4: memref<125x80xi32, #tpu.memory_space<vmem>>, %arg5: memref<80x16xf32, #tpu.memory_space<vmem>>, %arg6: memref<10240x16xf32, #tpu.memory_space<vmem_shared>>) attributes {dimension_semantics = [#tpu.dimension_semantics<core_parallel>, #tpu.dimension_semantics<subcore_parallel>], iteration_bounds = array<i64: 2, 16>, scalar_prefetch = 0 : i64, scratch_operands = 3 : i64, tpu.core_type = #tpu.core_type<sc_vector_subcore>, window_params = [{transform_indices = #map}, {transform_indices = #map}]} {
    %mul3A = arith.constant 16 : i32
    %mul3A_0 = arith.muli %arg0, %mul3A : i32
    %add3A = arith.addi %mul3A_0, %arg1 : i32
    %broadcast_in_dim3A = arith.constant 0.000000e+00 : f32
    %broadcast_in_dim3A_1 = vector.broadcast %broadcast_in_dim3A : f32 to vector<16xf32>
    %scan3A = arith.constant 0 : i32
    %scan3A_2 = arith.constant 0 : i32
    %scan3A_3 = arith.constant 80 : i32
    %scan3A_4 = arith.addi %scan3A_2, %scan3A_3 : i32
    %scan3A_5 = arith.constant 1 : i32
    %scan3A_6 = scf.for %scan3A_61 = %scan3A_2 to %scan3A_4 step %scan3A_5 iter_args(%scan3A_62 = %scan3A) -> (i32)  : i32 {
      %swap3A = arith.index_cast %scan3A_61 : i32 to index
      %swap3A_63 = arith.constant 0 : index
      %swap3A_64 = tpu.vector_load %arg5[%swap3A, %swap3A_63] {strides = array<i32>} : memref<80x16xf32, #tpu.memory_space<vmem>>, vector<1x16xf32>,
      %swap3A_65 = vector.shape_cast %swap3A_64 : vector<1x16xf32> to vector<16xf32>
      %swap3A_66 = vector.shape_cast %broadcast_in_dim3A_1 : vector<16xf32> to vector<1x16xf32>
      tpu.vector_store %arg5[%swap3A, %swap3A_63], %swap3A_66 {strides = array<i32>} : memref<80x16xf32, #tpu.memory_space<vmem>>, vector<1x16xf32>,
      %scan3A_67 = arith.constant 0 : i32
      scf.yield %scan3A_67 : i32
    }
    %scan3A_7 = arith.constant 80 : i32
    %mul3A_8 = arith.constant 640 : i32
    %mul3A_9 = arith.muli %arg1, %mul3A_8 : i32
    %add3A_10 = arith.constant 0 : i32
    %add3A_11 = arith.addi %mul3A_9, %add3A_10 : i32
    "tpu.region"() ({
      %run_scoped3A = tpu.sem_alloc : memref<!tpu.dma_semaphore, #tpu.memory_space<semaphore_mem>>
      %dma_start3A = arith.constant 0 : i32
      %dma_start3A_61 = tpu.memref_slice %arg6[%add3A_11, %dma_start3A] : memref<10240x16xf32, #tpu.memory_space<vmem_shared>> -> memref<80x16xf32, #tpu.memory_space<vmem_shared>>
      %dma_start3A_62 = arith.constant 0 : i32
      %dma_start3A_63 = tpu.memref_slice %arg6[%add3A_11, %dma_start3A_62] : memref<10240x16xf32, #tpu.memory_space<vmem_shared>> -> memref<80x16xf32, #tpu.memory_space<vmem_shared>>
      tpu.enqueue_dma source(%arg5 : memref<80x16xf32, #tpu.memory_space<vmem>>) target(%dma_start3A_63 : memref<80x16xf32, #tpu.memory_space<vmem_shared>>) target_semaphore(%run_scoped3A : memref<!tpu.dma_semaphore, #tpu.memory_space<semaphore_mem>>)
      %dma_wait3A = arith.constant 0 : i32
      %dma_wait3A_64 = tpu.memref_slice %arg6[%add3A_11, %dma_wait3A] : memref<10240x16xf32, #tpu.memory_space<vmem_shared>> -> memref<80x16xf32, #tpu.memory_space<vmem_shared>>
      %dma_wait3A_65 = arith.constant 0 : i32
      %dma_wait3A_66 = tpu.memref_slice %arg6[%add3A_11, %dma_wait3A_65] : memref<10240x16xf32, #tpu.memory_space<vmem_shared>> -> memref<80x16xf32, #tpu.memory_space<vmem_shared>>
      tpu.wait_dma2 semaphore(%run_scoped3A : memref<!tpu.dma_semaphore, #tpu.memory_space<semaphore_mem>>) src(%arg5 : memref<80x16xf32, #tpu.memory_space<vmem>>) dst(%dma_wait3A_66 : memref<80x16xf32, #tpu.memory_space<vmem_shared>>)
      tpu.yield
    }) : () -> ()
    %mul3A_12 = arith.constant 640 : i32
    %mul3A_13 = arith.muli %arg1, %mul3A_12 : i32
    %add3A_14 = arith.constant 80 : i32
    %add3A_15 = arith.addi %mul3A_13, %add3A_14 : i32
    "tpu.region"() ({
      %run_scoped3A = tpu.sem_alloc : memref<!tpu.dma_semaphore, #tpu.memory_space<semaphore_mem>>
      %dma_start3A = arith.constant 0 : i32
      %dma_start3A_61 = tpu.memref_slice %arg6[%add3A_15, %dma_start3A] : memref<10240x16xf32, #tpu.memory_space<vmem_shared>> -> memref<80x16xf32, #tpu.memory_space<vmem_shared>>
      %dma_start3A_62 = arith.constant 0 : i32
      %dma_start3A_63 = tpu.memref_slice %arg6[%add3A_15, %dma_start3A_62] : memref<10240x16xf32, #tpu.memory_space<vmem_shared>> -> memref<80x16xf32, #tpu.memory_space<vmem_shared>>
      tpu.enqueue_dma source(%arg5 : memref<80x16xf32, #tpu.memory_space<vmem>>) target(%dma_start3A_63 : memref<80x16xf32, #tpu.memory_space<vmem_shared>>) target_semaphore(%run_scoped3A : memref<!tpu.dma_semaphore, #tpu.memory_space<semaphore_mem>>)
      %dma_wait3A = arith.constant 0 : i32
      %dma_wait3A_64 = tpu.memref_slice %arg6[%add3A_15, %dma_wait3A] : memref<10240x16xf32, #tpu.memory_space<vmem_shared>> -> memref<80x16xf32, #tpu.memory_space<vmem_shared>>
      %dma_wait3A_65 = arith.constant 0 : i32
      %dma_wait3A_66 = tpu.memref_slice %arg6[%add3A_15, %dma_wait3A_65] : memref<10240x16xf32, #tpu.memory_space<vmem_shared>> -> memref<80x16xf32, #tpu.memory_space<vmem_shared>>
      tpu.wait_dma2 semaphore(%run_scoped3A : memref<!tpu.dma_semaphore, #tpu.memory_space<semaphore_mem>>) src(%arg5 : memref<80x16xf32, #tpu.memory_space<vmem>>) dst(%dma_wait3A_66 : memref<80x16xf32, #tpu.memory_space<vmem_shared>>)
      tpu.yield
    }) : () -> ()
    %mul3A_16 = arith.constant 640 : i32
    %mul3A_17 = arith.muli %arg1, %mul3A_16 : i32
    %add3A_18 = arith.constant 160 : i32
    %add3A_19 = arith.addi %mul3A_17, %add3A_18 : i32
    "tpu.region"() ({
      %run_scoped3A = tpu.sem_alloc : memref<!tpu.dma_semaphore, #tpu.memory_space<semaphore_mem>>
      %dma_start3A = arith.constant 0 : i32
      %dma_start3A_61 = tpu.memref_slice %arg6[%add3A_19, %dma_start3A] : memref<10240x16xf32, #tpu.memory_space<vmem_shared>> -> memref<80x16xf32, #tpu.memory_space<vmem_shared>>
      %dma_start3A_62 = arith.constant 0 : i32
      %dma_start3A_63 = tpu.memref_slice %arg6[%add3A_19, %dma_start3A_62] : memref<10240x16xf32, #tpu.memory_space<vmem_shared>> -> memref<80x16xf32, #tpu.memory_space<vmem_shared>>
      tpu.enqueue_dma source(%arg5 : memref<80x16xf32, #tpu.memory_space<vmem>>) target(%dma_start3A_63 : memref<80x16xf32, #tpu.memory_space<vmem_shared>>) target_semaphore(%run_scoped3A : memref<!tpu.dma_semaphore, #tpu.memory_space<semaphore_mem>>)
      %dma_wait3A = arith.constant 0 : i32
      %dma_wait3A_64 = tpu.memref_slice %arg6[%add3A_19, %dma_wait3A] : memref<10240x16xf32, #tpu.memory_space<vmem_shared>> -> memref<80x16xf32, #tpu.memory_space<vmem_shared>>
      %dma_wait3A_65 = arith.constant 0 : i32
      %dma_wait3A_66 = tpu.memref_slice %arg6[%add3A_19, %dma_wait3A_65] : memref<10240x16xf32, #tpu.memory_space<vmem_shared>> -> memref<80x16xf32, #tpu.memory_space<vmem_shared>>
      tpu.wait_dma2 semaphore(%run_scoped3A : memref<!tpu.dma_semaphore, #tpu.memory_space<semaphore_mem>>) src(%arg5 : memref<80x16xf32, #tpu.memory_space<vmem>>) dst(%dma_wait3A_66 : memref<80x16xf32, #tpu.memory_space<vmem_shared>>)
      tpu.yield
    }) : () -> ()
    %mul3A_20 = arith.constant 640 : i32
    %mul3A_21 = arith.muli %arg1, %mul3A_20 : i32
    %add3A_22 = arith.constant 240 : i32
    %add3A_23 = arith.addi %mul3A_21, %add3A_22 : i32
    "tpu.region"() ({
      %run_scoped3A = tpu.sem_alloc : memref<!tpu.dma_semaphore, #tpu.memory_space<semaphore_mem>>
      %dma_start3A = arith.constant 0 : i32
      %dma_start3A_61 = tpu.memref_slice %arg6[%add3A_23, %dma_start3A] : memref<10240x16xf32, #tpu.memory_space<vmem_shared>> -> memref<80x16xf32, #tpu.memory_space<vmem_shared>>
      %dma_start3A_62 = arith.constant 0 : i32
      %dma_start3A_63 = tpu.memref_slice %arg6[%add3A_23, %dma_start3A_62] : memref<10240x16xf32, #tpu.memory_space<vmem_shared>> -> memref<80x16xf32, #tpu.memory_space<vmem_shared>>
      tpu.enqueue_dma source(%arg5 : memref<80x16xf32, #tpu.memory_space<vmem>>) target(%dma_start3A_63 : memref<80x16xf32, #tpu.memory_space<vmem_shared>>) target_semaphore(%run_scoped3A : memref<!tpu.dma_semaphore, #tpu.memory_space<semaphore_mem>>)
      %dma_wait3A = arith.constant 0 : i32
      %dma_wait3A_64 = tpu.memref_slice %arg6[%add3A_23, %dma_wait3A] : memref<10240x16xf32, #tpu.memory_space<vmem_shared>> -> memref<80x16xf32, #tpu.memory_space<vmem_shared>>
      %dma_wait3A_65 = arith.constant 0 : i32
      %dma_wait3A_66 = tpu.memref_slice %arg6[%add3A_23, %dma_wait3A_65] : memref<10240x16xf32, #tpu.memory_space<vmem_shared>> -> memref<80x16xf32, #tpu.memory_space<vmem_shared>>
      tpu.wait_dma2 semaphore(%run_scoped3A : memref<!tpu.dma_semaphore, #tpu.memory_space<semaphore_mem>>) src(%arg5 : memref<80x16xf32, #tpu.memory_space<vmem>>) dst(%dma_wait3A_66 : memref<80x16xf32, #tpu.memory_space<vmem_shared>>)
      tpu.yield
    }) : () -> ()
    %mul3A_24 = arith.constant 640 : i32
    %mul3A_25 = arith.muli %arg1, %mul3A_24 : i32
    %add3A_26 = arith.constant 320 : i32
    %add3A_27 = arith.addi %mul3A_25, %add3A_26 : i32
    "tpu.region"() ({
      %run_scoped3A = tpu.sem_alloc : memref<!tpu.dma_semaphore, #tpu.memory_space<semaphore_mem>>
      %dma_start3A = arith.constant 0 : i32
      %dma_start3A_61 = tpu.memref_slice %arg6[%add3A_27, %dma_start3A] : memref<10240x16xf32, #tpu.memory_space<vmem_shared>> -> memref<80x16xf32, #tpu.memory_space<vmem_shared>>
      %dma_start3A_62 = arith.constant 0 : i32
      %dma_start3A_63 = tpu.memref_slice %arg6[%add3A_27, %dma_start3A_62] : memref<10240x16xf32, #tpu.memory_space<vmem_shared>> -> memref<80x16xf32, #tpu.memory_space<vmem_shared>>
      tpu.enqueue_dma source(%arg5 : memref<80x16xf32, #tpu.memory_space<vmem>>) target(%dma_start3A_63 : memref<80x16xf32, #tpu.memory_space<vmem_shared>>) target_semaphore(%run_scoped3A : memref<!tpu.dma_semaphore, #tpu.memory_space<semaphore_mem>>)
      %dma_wait3A = arith.constant 0 : i32
      %dma_wait3A_64 = tpu.memref_slice %arg6[%add3A_27, %dma_wait3A] : memref<10240x16xf32, #tpu.memory_space<vmem_shared>> -> memref<80x16xf32, #tpu.memory_space<vmem_shared>>
      %dma_wait3A_65 = arith.constant 0 : i32
      %dma_wait3A_66 = tpu.memref_slice %arg6[%add3A_27, %dma_wait3A_65] : memref<10240x16xf32, #tpu.memory_space<vmem_shared>> -> memref<80x16xf32, #tpu.memory_space<vmem_shared>>
      tpu.wait_dma2 semaphore(%run_scoped3A : memref<!tpu.dma_semaphore, #tpu.memory_space<semaphore_mem>>) src(%arg5 : memref<80x16xf32, #tpu.memory_space<vmem>>) dst(%dma_wait3A_66 : memref<80x16xf32, #tpu.memory_space<vmem_shared>>)
      tpu.yield
    }) : () -> ()
    %mul3A_28 = arith.constant 640 : i32
    %mul3A_29 = arith.muli %arg1, %mul3A_28 : i32
    %add3A_30 = arith.constant 400 : i32
    %add3A_31 = arith.addi %mul3A_29, %add3A_30 : i32
    "tpu.region"() ({
      %run_scoped3A = tpu.sem_alloc : memref<!tpu.dma_semaphore, #tpu.memory_space<semaphore_mem>>
      %dma_start3A = arith.constant 0 : i32
      %dma_start3A_61 = tpu.memref_slice %arg6[%add3A_31, %dma_start3A] : memref<10240x16xf32, #tpu.memory_space<vmem_shared>> -> memref<80x16xf32, #tpu.memory_space<vmem_shared>>
      %dma_start3A_62 = arith.constant 0 : i32
      %dma_start3A_63 = tpu.memref_slice %arg6[%add3A_31, %dma_start3A_62] : memref<10240x16xf32, #tpu.memory_space<vmem_shared>> -> memref<80x16xf32, #tpu.memory_space<vmem_shared>>
      tpu.enqueue_dma source(%arg5 : memref<80x16xf32, #tpu.memory_space<vmem>>) target(%dma_start3A_63 : memref<80x16xf32, #tpu.memory_space<vmem_shared>>) target_semaphore(%run_scoped3A : memref<!tpu.dma_semaphore, #tpu.memory_space<semaphore_mem>>)
      %dma_wait3A = arith.constant 0 : i32
      %dma_wait3A_64 = tpu.memref_slice %arg6[%add3A_31, %dma_wait3A] : memref<10240x16xf32, #tpu.memory_space<vmem_shared>> -> memref<80x16xf32, #tpu.memory_space<vmem_shared>>
      %dma_wait3A_65 = arith.constant 0 : i32
      %dma_wait3A_66 = tpu.memref_slice %arg6[%add3A_31, %dma_wait3A_65] : memref<10240x16xf32, #tpu.memory_space<vmem_shared>> -> memref<80x16xf32, #tpu.memory_space<vmem_shared>>
      tpu.wait_dma2 semaphore(%run_scoped3A : memref<!tpu.dma_semaphore, #tpu.memory_space<semaphore_mem>>) src(%arg5 : memref<80x16xf32, #tpu.memory_space<vmem>>) dst(%dma_wait3A_66 : memref<80x16xf32, #tpu.memory_space<vmem_shared>>)
      tpu.yield
    }) : () -> ()
    %mul3A_32 = arith.constant 640 : i32
    %mul3A_33 = arith.muli %arg1, %mul3A_32 : i32
    %add3A_34 = arith.constant 480 : i32
    %add3A_35 = arith.addi %mul3A_33, %add3A_34 : i32
    "tpu.region"() ({
      %run_scoped3A = tpu.sem_alloc : memref<!tpu.dma_semaphore, #tpu.memory_space<semaphore_mem>>
      %dma_start3A = arith.constant 0 : i32
      %dma_start3A_61 = tpu.memref_slice %arg6[%add3A_35, %dma_start3A] : memref<10240x16xf32, #tpu.memory_space<vmem_shared>> -> memref<80x16xf32, #tpu.memory_space<vmem_shared>>
      %dma_start3A_62 = arith.constant 0 : i32
      %dma_start3A_63 = tpu.memref_slice %arg6[%add3A_35, %dma_start3A_62] : memref<10240x16xf32, #tpu.memory_space<vmem_shared>> -> memref<80x16xf32, #tpu.memory_space<vmem_shared>>
      tpu.enqueue_dma source(%arg5 : memref<80x16xf32, #tpu.memory_space<vmem>>) target(%dma_start3A_63 : memref<80x16xf32, #tpu.memory_space<vmem_shared>>) target_semaphore(%run_scoped3A : memref<!tpu.dma_semaphore, #tpu.memory_space<semaphore_mem>>)
      %dma_wait3A = arith.constant 0 : i32
      %dma_wait3A_64 = tpu.memref_slice %arg6[%add3A_35, %dma_wait3A] : memref<10240x16xf32, #tpu.memory_space<vmem_shared>> -> memref<80x16xf32, #tpu.memory_space<vmem_shared>>
      %dma_wait3A_65 = arith.constant 0 : i32
      %dma_wait3A_66 = tpu.memref_slice %arg6[%add3A_35, %dma_wait3A_65] : memref<10240x16xf32, #tpu.memory_space<vmem_shared>> -> memref<80x16xf32, #tpu.memory_space<vmem_shared>>
      tpu.wait_dma2 semaphore(%run_scoped3A : memref<!tpu.dma_semaphore, #tpu.memory_space<semaphore_mem>>) src(%arg5 : memref<80x16xf32, #tpu.memory_space<vmem>>) dst(%dma_wait3A_66 : memref<80x16xf32, #tpu.memory_space<vmem_shared>>)
      tpu.yield
    }) : () -> ()
    %mul3A_36 = arith.constant 640 : i32
    %mul3A_37 = arith.muli %arg1, %mul3A_36 : i32
    %add3A_38 = arith.constant 560 : i32
    %add3A_39 = arith.addi %mul3A_37, %add3A_38 : i32
    "tpu.region"() ({
      %run_scoped3A = tpu.sem_alloc : memref<!tpu.dma_semaphore, #tpu.memory_space<semaphore_mem>>
      %dma_start3A = arith.constant 0 : i32
      %dma_start3A_61 = tpu.memref_slice %arg6[%add3A_39, %dma_start3A] : memref<10240x16xf32, #tpu.memory_space<vmem_shared>> -> memref<80x16xf32, #tpu.memory_space<vmem_shared>>
      %dma_start3A_62 = arith.constant 0 : i32
      %dma_start3A_63 = tpu.memref_slice %arg6[%add3A_39, %dma_start3A_62] : memref<10240x16xf32, #tpu.memory_space<vmem_shared>> -> memref<80x16xf32, #tpu.memory_space<vmem_shared>>
      tpu.enqueue_dma source(%arg5 : memref<80x16xf32, #tpu.memory_space<vmem>>) target(%dma_start3A_63 : memref<80x16xf32, #tpu.memory_space<vmem_shared>>) target_semaphore(%run_scoped3A : memref<!tpu.dma_semaphore, #tpu.memory_space<semaphore_mem>>)
      %dma_wait3A = arith.constant 0 : i32
      %dma_wait3A_64 = tpu.memref_slice %arg6[%add3A_39, %dma_wait3A] : memref<10240x16xf32, #tpu.memory_space<vmem_shared>> -> memref<80x16xf32, #tpu.memory_space<vmem_shared>>
      %dma_wait3A_65 = arith.constant 0 : i32
      %dma_wait3A_66 = tpu.memref_slice %arg6[%add3A_39, %dma_wait3A_65] : memref<10240x16xf32, #tpu.memory_space<vmem_shared>> -> memref<80x16xf32, #tpu.memory_space<vmem_shared>>
      tpu.wait_dma2 semaphore(%run_scoped3A : memref<!tpu.dma_semaphore, #tpu.memory_space<semaphore_mem>>) src(%arg5 : memref<80x16xf32, #tpu.memory_space<vmem>>) dst(%dma_wait3A_66 : memref<80x16xf32, #tpu.memory_space<vmem_shared>>)
      tpu.yield
    }) : () -> ()
    %broadcast_in_dim3A_40 = arith.constant 1.000000e+00 : f32
    %broadcast_in_dim3A_41 = vector.broadcast %broadcast_in_dim3A_40 : f32 to vector<16xf32>
    %scan3A_42 = arith.constant 0 : i32
    %scan3A_43 = arith.constant 0 : i32
    %scan3A_44 = arith.constant 80 : i32
    %scan3A_45 = arith.addi %scan3A_43, %scan3A_44 : i32
    %scan3A_46 = arith.constant 1 : i32
    %scan3A_47 = scf.for %scan3A_61 = %scan3A_43 to %scan3A_45 step %scan3A_46 iter_args(%scan3A_62 = %scan3A_42) -> (i32)  : i32 {
      %swap3A = arith.index_cast %scan3A_61 : i32 to index
      %swap3A_63 = arith.constant 0 : index
      %swap3A_64 = tpu.vector_load %arg5[%swap3A, %swap3A_63] {strides = array<i32>} : memref<80x16xf32, #tpu.memory_space<vmem>>, vector<1x16xf32>,
      %swap3A_65 = vector.shape_cast %swap3A_64 : vector<1x16xf32> to vector<16xf32>
      %swap3A_66 = vector.shape_cast %broadcast_in_dim3A_41 : vector<16xf32> to vector<1x16xf32>
      tpu.vector_store %arg5[%swap3A, %swap3A_63], %swap3A_66 {strides = array<i32>} : memref<80x16xf32, #tpu.memory_space<vmem>>, vector<1x16xf32>,
      %scan3A_67 = arith.constant 0 : i32
      scf.yield %scan3A_67 : i32
    }
    %scan3A_48 = arith.constant 80 : i32
    %barrier3A = arith.constant 0 : index
    tpu.barrier barrier_id(%barrier3A)
    "tpu.region"() ({
      %run_scoped3A = tpu.sem_alloc : memref<!tpu.dma_semaphore, #tpu.memory_space<semaphore_mem>>
      %dma_start3A = arith.constant 0 : i32
      %dma_start3A_61 = arith.constant 0 : i32
      %dma_start3A_62 = tpu.memref_slice %arg2[%add3A, %dma_start3A, %dma_start3A_61] : memref<32x125x80xi32, #tpu.memory_space<hbm>> -> memref<1x125x80xi32, #tpu.memory_space<hbm>>
      %dma_start3A_63 = tpu.memref_squeeze %dma_start3A_62 : memref<1x125x80xi32, #tpu.memory_space<hbm>> -> memref<125x80xi32, #tpu.memory_space<hbm>>
      %dma_start3A_64 = arith.constant 0 : i32
      %dma_start3A_65 = arith.constant 0 : i32
      %dma_start3A_66 = tpu.memref_slice %arg2[%add3A, %dma_start3A_64, %dma_start3A_65] : memref<32x125x80xi32, #tpu.memory_space<hbm>> -> memref<1x125x80xi32, #tpu.memory_space<hbm>>
      %dma_start3A_67 = tpu.memref_squeeze %dma_start3A_66 : memref<1x125x80xi32, #tpu.memory_space<hbm>> -> memref<125x80xi32, #tpu.memory_space<hbm>>
      tpu.enqueue_dma source(%dma_start3A_67 : memref<125x80xi32, #tpu.memory_space<hbm>>) target(%arg4 : memref<125x80xi32, #tpu.memory_space<vmem>>) target_semaphore(%run_scoped3A : memref<!tpu.dma_semaphore, #tpu.memory_space<semaphore_mem>>)
      %dma_wait3A = arith.constant 0 : i32
      %dma_wait3A_68 = arith.constant 0 : i32
      %dma_wait3A_69 = tpu.memref_slice %arg2[%add3A, %dma_wait3A, %dma_wait3A_68] : memref<32x125x80xi32, #tpu.memory_space<hbm>> -> memref<1x125x80xi32, #tpu.memory_space<hbm>>
      %dma_wait3A_70 = tpu.memref_squeeze %dma_wait3A_69 : memref<1x125x80xi32, #tpu.memory_space<hbm>> -> memref<125x80xi32, #tpu.memory_space<hbm>>
      %dma_wait3A_71 = arith.constant 0 : i32
      %dma_wait3A_72 = arith.constant 0 : i32
      %dma_wait3A_73 = tpu.memref_slice %arg2[%add3A, %dma_wait3A_71, %dma_wait3A_72] : memref<32x125x80xi32, #tpu.memory_space<hbm>> -> memref<1x125x80xi32, #tpu.memory_space<hbm>>
      %dma_wait3A_74 = tpu.memref_squeeze %dma_wait3A_73 : memref<1x125x80xi32, #tpu.memory_space<hbm>> -> memref<125x80xi32, #tpu.memory_space<hbm>>
      tpu.wait_dma2 semaphore(%run_scoped3A : memref<!tpu.dma_semaphore, #tpu.memory_space<semaphore_mem>>) src(%dma_wait3A_74 : memref<125x80xi32, #tpu.memory_space<hbm>>) dst(%arg4 : memref<125x80xi32, #tpu.memory_space<vmem>>)
      tpu.yield
    }) : () -> ()
    %scan3A_49 = arith.constant 0 : i32
    %scan3A_50 = arith.constant 0 : i32
    %scan3A_51 = arith.constant 125 : i32
    %scan3A_52 = arith.addi %scan3A_50, %scan3A_51 : i32
    %scan3A_53 = arith.constant 1 : i32
    %scan3A_54 = scf.for %scan3A_61 = %scan3A_50 to %scan3A_52 step %scan3A_53 iter_args(%scan3A_62 = %scan3A_49) -> (i32)  : i32 {
      "tpu.region"() ({
        %run_scoped3A = tpu.sem_alloc : memref<!tpu.dma_semaphore, #tpu.memory_space<semaphore_mem>>
        %dma_start3A = arith.constant 0 : i32
        %dma_start3A_64 = tpu.memref_slice %arg4[%scan3A_61, %dma_start3A] : memref<125x80xi32, #tpu.memory_space<vmem>> -> memref<1x80xi32, #tpu.memory_space<vmem>>
        %dma_start3A_65 = tpu.memref_squeeze %dma_start3A_64 : memref<1x80xi32, #tpu.memory_space<vmem>> -> memref<80xi32, #tpu.memory_space<vmem>>
        %dma_start3A_66 = arith.constant 0 : i32
        %dma_start3A_67 = arith.constant 0 : i32
        %dma_start3A_68 = tpu.memref_slice %arg6[%dma_start3A_66, %dma_start3A_67] : memref<10240x16xf32, #tpu.memory_space<vmem_shared>> -> memref<10240x16xf32, #tpu.memory_space<vmem_shared>>
        tpu.enqueue_indirect_dma source(%arg5 : memref<80x16xf32, #tpu.memory_space<vmem>>) target(%dma_start3A_68 : memref<10240x16xf32, #tpu.memory_space<vmem_shared>>) offsets(%dma_start3A_65 : memref<80xi32, #tpu.memory_space<vmem>>) semaphore(%run_scoped3A : memref<!tpu.dma_semaphore, #tpu.memory_space<semaphore_mem>>) {add = true}
        %dma_wait3A = arith.constant 0 : i32
        %dma_wait3A_69 = tpu.memref_slice %arg4[%scan3A_61, %dma_wait3A] : memref<125x80xi32, #tpu.memory_space<vmem>> -> memref<1x80xi32, #tpu.memory_space<vmem>>
        %dma_wait3A_70 = tpu.memref_squeeze %dma_wait3A_69 : memref<1x80xi32, #tpu.memory_space<vmem>> -> memref<80xi32, #tpu.memory_space<vmem>>
        %dma_wait3A_71 = arith.constant 0 : i32
        %dma_wait3A_72 = arith.constant 0 : i32
        %dma_wait3A_73 = tpu.memref_slice %arg6[%dma_wait3A_71, %dma_wait3A_72] : memref<10240x16xf32, #tpu.memory_space<vmem_shared>> -> memref<10240x16xf32, #tpu.memory_space<vmem_shared>>
        tpu.wait_indirect_dma semaphore(%run_scoped3A : memref<!tpu.dma_semaphore, #tpu.memory_space<semaphore_mem>>) src(%arg5 : memref<80x16xf32, #tpu.memory_space<vmem>>) dst(%dma_wait3A_73 : memref<10240x16xf32, #tpu.memory_space<vmem_shared>>)
        tpu.yield
      }) : () -> ()
      %scan3A_63 = arith.constant 0 : i32
      scf.yield %scan3A_63 : i32
    }
    %scan3A_55 = arith.constant 125 : i32
    %barrier3A_56 = arith.constant 0 : index
    tpu.barrier barrier_id(%barrier3A_56)
    %mul3A_57 = arith.constant 640 : i32
    %mul3A_58 = arith.muli %arg1, %mul3A_57 : i32
    %mul3A_59 = arith.constant 640 : i32
    %mul3A_60 = arith.muli %arg1, %mul3A_59 : i32
    "tpu.region"() ({
      %run_scoped3A = tpu.sem_alloc : memref<!tpu.dma_semaphore, #tpu.memory_space<semaphore_mem>>
      %dma_start3A = arith.constant 0 : i32
      %dma_start3A_61 = tpu.memref_slice %arg3[%arg0, %mul3A_60, %dma_start3A] : memref<2x10240x16xf32, #tpu.memory_space<hbm>> -> memref<1x640x16xf32, #tpu.memory_space<hbm>>
      %dma_start3A_62 = tpu.memref_squeeze %dma_start3A_61 : memref<1x640x16xf32, #tpu.memory_space<hbm>> -> memref<640x16xf32, #tpu.memory_space<hbm>>
      %dma_start3A_63 = arith.constant 0 : i32
      %dma_start3A_64 = tpu.memref_slice %arg6[%mul3A_58, %dma_start3A_63] : memref<10240x16xf32, #tpu.memory_space<vmem_shared>> -> memref<640x16xf32, #tpu.memory_space<vmem_shared>>
      tpu.enqueue_dma source(%dma_start3A_64 : memref<640x16xf32, #tpu.memory_space<vmem_shared>>) target(%dma_start3A_62 : memref<640x16xf32, #tpu.memory_space<hbm>>) target_semaphore(%run_scoped3A : memref<!tpu.dma_semaphore, #tpu.memory_space<semaphore_mem>>)
      %dma_wait3A = arith.constant 0 : i32
      %dma_wait3A_65 = tpu.memref_slice %arg3[%arg0, %mul3A_60, %dma_wait3A] : memref<2x10240x16xf32, #tpu.memory_space<hbm>> -> memref<1x640x16xf32, #tpu.memory_space<hbm>>
      %dma_wait3A_66 = tpu.memref_squeeze %dma_wait3A_65 : memref<1x640x16xf32, #tpu.memory_space<hbm>> -> memref<640x16xf32, #tpu.memory_space<hbm>>
      %dma_wait3A_67 = arith.constant 0 : i32
      %dma_wait3A_68 = tpu.memref_slice %arg6[%mul3A_58, %dma_wait3A_67] : memref<10240x16xf32, #tpu.memory_space<vmem_shared>> -> memref<640x16xf32, #tpu.memory_space<vmem_shared>>
      tpu.wait_dma2 semaphore(%run_scoped3A : memref<!tpu.dma_semaphore, #tpu.memory_space<semaphore_mem>>) src(%dma_wait3A_68 : memref<640x16xf32, #tpu.memory_space<vmem_shared>>) dst(%dma_wait3A_66 : memref<640x16xf32, #tpu.memory_space<hbm>>)
      tpu.yield
    }) : () -> ()
    return
  }
}

#map = affine_map<(d0, d1) -> (0, 0)>
#map1 = affine_map<(d0, d1) -> (0, 0, 0, 0)>
#map2 = affine_map<(d0, d1) -> (0, 0, 0)>
module attributes {stable_mosaic.version = 14 : i64} {
  func.func @_spmm_kernel(%arg0: i32, %arg1: i32, %arg2: memref<10000x128xf32, #tpu.memory_space<hbm>>, %arg3: memref<32x5x25x80xi32, #tpu.memory_space<hbm>>, %arg4: memref<32x5x25x80xi32, #tpu.memory_space<hbm>>, %arg5: memref<2x10240x128xf32, #tpu.memory_space<hbm>>, %arg6: memref<25x80xi32, #tpu.memory_space<vmem>>, %arg7: memref<25x80xi32, #tpu.memory_space<vmem>>, %arg8: memref<80x128xf32, #tpu.memory_space<vmem>>, %arg9: memref<80x128xf32, #tpu.memory_space<vmem>>, %arg10: memref<80x128xf32, #tpu.memory_space<vmem>>, %arg11: memref<10240x128xf32, #tpu.memory_space<vmem_shared>>, %arg12: memref<!tpu.dma_semaphore, #tpu.memory_space<semaphore_mem>>, %arg13: memref<!tpu.dma_semaphore, #tpu.memory_space<semaphore_mem>>, %arg14: memref<!tpu.dma_semaphore, #tpu.memory_space<semaphore_mem>>, %arg15: memref<!tpu.dma_semaphore, #tpu.memory_space<semaphore_mem>>, %arg16: memref<!tpu.dma_semaphore, #tpu.memory_space<semaphore_mem>>, %arg17: memref<!tpu.dma_semaphore, #tpu.memory_space<semaphore_mem>>) attributes {dimension_semantics = [#tpu.dimension_semantics<core_parallel>, #tpu.dimension_semantics<subcore_parallel>], iteration_bounds = array<i64: 2, 16>, scalar_prefetch = 0 : i64, scratch_operands = 12 : i64, tpu.core_type = #tpu.core_type<sc_vector_subcore>, window_params = [{transform_indices = #map}, {transform_indices = #map1}, {transform_indices = #map1}, {transform_indices = #map2}]} {
    %mul3A = arith.constant 16 : i32
    %mul3A_0 = arith.muli %arg0, %mul3A : i32
    %add3A = arith.addi %mul3A_0, %arg1 : i32
    %broadcast_in_dim3A = arith.constant 0.000000e+00 : f32
    %broadcast_in_dim3A_1 = vector.broadcast %broadcast_in_dim3A : f32 to vector<16xf32>
    %scan3A = arith.constant 0 : i32
    %scan3A_2 = arith.constant 0 : i32
    %scan3A_3 = arith.constant 80 : i32
    %scan3A_4 = arith.addi %scan3A_2, %scan3A_3 : i32
    %scan3A_5 = arith.constant 1 : i32
    %scan3A_6 = scf.for %scan3A_192 = %scan3A_2 to %scan3A_4 step %scan3A_5 iter_args(%scan3A_193 = %scan3A) -> (i32)  : i32 {
      %swap3A = arith.index_cast %scan3A_192 : i32 to index
      %swap3A_194 = arith.constant 0 : index
      %swap3A_195 = tpu.vector_load %arg8[%swap3A, %swap3A_194] {strides = array<i32>} : memref<80x128xf32, #tpu.memory_space<vmem>>, vector<1x16xf32>,
      %swap3A_196 = vector.shape_cast %swap3A_195 : vector<1x16xf32> to vector<16xf32>
      %swap3A_197 = vector.shape_cast %broadcast_in_dim3A_1 : vector<16xf32> to vector<1x16xf32>
      tpu.vector_store %arg8[%swap3A, %swap3A_194], %swap3A_197 {strides = array<i32>} : memref<80x128xf32, #tpu.memory_space<vmem>>, vector<1x16xf32>,
      %swap3A_198 = arith.index_cast %scan3A_192 : i32 to index
      %swap3A_199 = arith.constant 16 : index
      %swap3A_200 = tpu.vector_load %arg8[%swap3A_198, %swap3A_199] {strides = array<i32>} : memref<80x128xf32, #tpu.memory_space<vmem>>, vector<1x16xf32>,
      %swap3A_201 = vector.shape_cast %swap3A_200 : vector<1x16xf32> to vector<16xf32>
      %swap3A_202 = vector.shape_cast %broadcast_in_dim3A_1 : vector<16xf32> to vector<1x16xf32>
      tpu.vector_store %arg8[%swap3A_198, %swap3A_199], %swap3A_202 {strides = array<i32>} : memref<80x128xf32, #tpu.memory_space<vmem>>, vector<1x16xf32>,
      %swap3A_203 = arith.index_cast %scan3A_192 : i32 to index
      %swap3A_204 = arith.constant 32 : index
      %swap3A_205 = tpu.vector_load %arg8[%swap3A_203, %swap3A_204] {strides = array<i32>} : memref<80x128xf32, #tpu.memory_space<vmem>>, vector<1x16xf32>,
      %swap3A_206 = vector.shape_cast %swap3A_205 : vector<1x16xf32> to vector<16xf32>
      %swap3A_207 = vector.shape_cast %broadcast_in_dim3A_1 : vector<16xf32> to vector<1x16xf32>
      tpu.vector_store %arg8[%swap3A_203, %swap3A_204], %swap3A_207 {strides = array<i32>} : memref<80x128xf32, #tpu.memory_space<vmem>>, vector<1x16xf32>,
      %swap3A_208 = arith.index_cast %scan3A_192 : i32 to index
      %swap3A_209 = arith.constant 48 : index
      %swap3A_210 = tpu.vector_load %arg8[%swap3A_208, %swap3A_209] {strides = array<i32>} : memref<80x128xf32, #tpu.memory_space<vmem>>, vector<1x16xf32>,
      %swap3A_211 = vector.shape_cast %swap3A_210 : vector<1x16xf32> to vector<16xf32>
      %swap3A_212 = vector.shape_cast %broadcast_in_dim3A_1 : vector<16xf32> to vector<1x16xf32>
      tpu.vector_store %arg8[%swap3A_208, %swap3A_209], %swap3A_212 {strides = array<i32>} : memref<80x128xf32, #tpu.memory_space<vmem>>, vector<1x16xf32>,
      %swap3A_213 = arith.index_cast %scan3A_192 : i32 to index
      %swap3A_214 = arith.constant 64 : index
      %swap3A_215 = tpu.vector_load %arg8[%swap3A_213, %swap3A_214] {strides = array<i32>} : memref<80x128xf32, #tpu.memory_space<vmem>>, vector<1x16xf32>,
      %swap3A_216 = vector.shape_cast %swap3A_215 : vector<1x16xf32> to vector<16xf32>
      %swap3A_217 = vector.shape_cast %broadcast_in_dim3A_1 : vector<16xf32> to vector<1x16xf32>
      tpu.vector_store %arg8[%swap3A_213, %swap3A_214], %swap3A_217 {strides = array<i32>} : memref<80x128xf32, #tpu.memory_space<vmem>>, vector<1x16xf32>,
      %swap3A_218 = arith.index_cast %scan3A_192 : i32 to index
      %swap3A_219 = arith.constant 80 : index
      %swap3A_220 = tpu.vector_load %arg8[%swap3A_218, %swap3A_219] {strides = array<i32>} : memref<80x128xf32, #tpu.memory_space<vmem>>, vector<1x16xf32>,
      %swap3A_221 = vector.shape_cast %swap3A_220 : vector<1x16xf32> to vector<16xf32>
      %swap3A_222 = vector.shape_cast %broadcast_in_dim3A_1 : vector<16xf32> to vector<1x16xf32>
      tpu.vector_store %arg8[%swap3A_218, %swap3A_219], %swap3A_222 {strides = array<i32>} : memref<80x128xf32, #tpu.memory_space<vmem>>, vector<1x16xf32>,
      %swap3A_223 = arith.index_cast %scan3A_192 : i32 to index
      %swap3A_224 = arith.constant 96 : index
      %swap3A_225 = tpu.vector_load %arg8[%swap3A_223, %swap3A_224] {strides = array<i32>} : memref<80x128xf32, #tpu.memory_space<vmem>>, vector<1x16xf32>,
      %swap3A_226 = vector.shape_cast %swap3A_225 : vector<1x16xf32> to vector<16xf32>
      %swap3A_227 = vector.shape_cast %broadcast_in_dim3A_1 : vector<16xf32> to vector<1x16xf32>
      tpu.vector_store %arg8[%swap3A_223, %swap3A_224], %swap3A_227 {strides = array<i32>} : memref<80x128xf32, #tpu.memory_space<vmem>>, vector<1x16xf32>,
      %swap3A_228 = arith.index_cast %scan3A_192 : i32 to index
      %swap3A_229 = arith.constant 112 : index
      %swap3A_230 = tpu.vector_load %arg8[%swap3A_228, %swap3A_229] {strides = array<i32>} : memref<80x128xf32, #tpu.memory_space<vmem>>, vector<1x16xf32>,
      %swap3A_231 = vector.shape_cast %swap3A_230 : vector<1x16xf32> to vector<16xf32>
      %swap3A_232 = vector.shape_cast %broadcast_in_dim3A_1 : vector<16xf32> to vector<1x16xf32>
      tpu.vector_store %arg8[%swap3A_228, %swap3A_229], %swap3A_232 {strides = array<i32>} : memref<80x128xf32, #tpu.memory_space<vmem>>, vector<1x16xf32>,
      %scan3A_233 = arith.constant 0 : i32
      scf.yield %scan3A_233 : i32
    }
    %scan3A_7 = arith.constant 80 : i32
    %mul3A_8 = arith.constant 640 : i32
    %mul3A_9 = arith.muli %arg1, %mul3A_8 : i32
    %add3A_10 = arith.constant 0 : i32
    %add3A_11 = arith.addi %mul3A_9, %add3A_10 : i32
    "tpu.region"() ({
      %run_scoped3A_192 = tpu.sem_alloc : memref<!tpu.dma_semaphore, #tpu.memory_space<semaphore_mem>>
      %dma_start3A_193 = arith.constant 0 : i32
      %dma_start3A_194 = tpu.memref_slice %arg11[%add3A_11, %dma_start3A_193] : memref<10240x128xf32, #tpu.memory_space<vmem_shared>> -> memref<80x128xf32, #tpu.memory_space<vmem_shared>>
      %dma_start3A_195 = arith.constant 0 : i32
      %dma_start3A_196 = tpu.memref_slice %arg11[%add3A_11, %dma_start3A_195] : memref<10240x128xf32, #tpu.memory_space<vmem_shared>> -> memref<80x128xf32, #tpu.memory_space<vmem_shared>>
      tpu.enqueue_dma source(%arg8 : memref<80x128xf32, #tpu.memory_space<vmem>>) target(%dma_start3A_196 : memref<80x128xf32, #tpu.memory_space<vmem_shared>>) target_semaphore(%run_scoped3A_192 : memref<!tpu.dma_semaphore, #tpu.memory_space<semaphore_mem>>)
      %dma_wait3A_197 = arith.constant 0 : i32
      %dma_wait3A_198 = tpu.memref_slice %arg11[%add3A_11, %dma_wait3A_197] : memref<10240x128xf32, #tpu.memory_space<vmem_shared>> -> memref<80x128xf32, #tpu.memory_space<vmem_shared>>
      %dma_wait3A_199 = arith.constant 0 : i32
      %dma_wait3A_200 = tpu.memref_slice %arg11[%add3A_11, %dma_wait3A_199] : memref<10240x128xf32, #tpu.memory_space<vmem_shared>> -> memref<80x128xf32, #tpu.memory_space<vmem_shared>>
      tpu.wait_dma2 semaphore(%run_scoped3A_192 : memref<!tpu.dma_semaphore, #tpu.memory_space<semaphore_mem>>) src(%arg8 : memref<80x128xf32, #tpu.memory_space<vmem>>) dst(%dma_wait3A_200 : memref<80x128xf32, #tpu.memory_space<vmem_shared>>)
      tpu.yield
    }) : () -> ()
    %mul3A_12 = arith.constant 640 : i32
    %mul3A_13 = arith.muli %arg1, %mul3A_12 : i32
    %add3A_14 = arith.constant 80 : i32
    %add3A_15 = arith.addi %mul3A_13, %add3A_14 : i32
    "tpu.region"() ({
      %run_scoped3A_192 = tpu.sem_alloc : memref<!tpu.dma_semaphore, #tpu.memory_space<semaphore_mem>>
      %dma_start3A_193 = arith.constant 0 : i32
      %dma_start3A_194 = tpu.memref_slice %arg11[%add3A_15, %dma_start3A_193] : memref<10240x128xf32, #tpu.memory_space<vmem_shared>> -> memref<80x128xf32, #tpu.memory_space<vmem_shared>>
      %dma_start3A_195 = arith.constant 0 : i32
      %dma_start3A_196 = tpu.memref_slice %arg11[%add3A_15, %dma_start3A_195] : memref<10240x128xf32, #tpu.memory_space<vmem_shared>> -> memref<80x128xf32, #tpu.memory_space<vmem_shared>>
      tpu.enqueue_dma source(%arg8 : memref<80x128xf32, #tpu.memory_space<vmem>>) target(%dma_start3A_196 : memref<80x128xf32, #tpu.memory_space<vmem_shared>>) target_semaphore(%run_scoped3A_192 : memref<!tpu.dma_semaphore, #tpu.memory_space<semaphore_mem>>)
      %dma_wait3A_197 = arith.constant 0 : i32
      %dma_wait3A_198 = tpu.memref_slice %arg11[%add3A_15, %dma_wait3A_197] : memref<10240x128xf32, #tpu.memory_space<vmem_shared>> -> memref<80x128xf32, #tpu.memory_space<vmem_shared>>
      %dma_wait3A_199 = arith.constant 0 : i32
      %dma_wait3A_200 = tpu.memref_slice %arg11[%add3A_15, %dma_wait3A_199] : memref<10240x128xf32, #tpu.memory_space<vmem_shared>> -> memref<80x128xf32, #tpu.memory_space<vmem_shared>>
      tpu.wait_dma2 semaphore(%run_scoped3A_192 : memref<!tpu.dma_semaphore, #tpu.memory_space<semaphore_mem>>) src(%arg8 : memref<80x128xf32, #tpu.memory_space<vmem>>) dst(%dma_wait3A_200 : memref<80x128xf32, #tpu.memory_space<vmem_shared>>)
      tpu.yield
    }) : () -> ()
    %mul3A_16 = arith.constant 640 : i32
    %mul3A_17 = arith.muli %arg1, %mul3A_16 : i32
    %add3A_18 = arith.constant 160 : i32
    %add3A_19 = arith.addi %mul3A_17, %add3A_18 : i32
    "tpu.region"() ({
      %run_scoped3A_192 = tpu.sem_alloc : memref<!tpu.dma_semaphore, #tpu.memory_space<semaphore_mem>>
      %dma_start3A_193 = arith.constant 0 : i32
      %dma_start3A_194 = tpu.memref_slice %arg11[%add3A_19, %dma_start3A_193] : memref<10240x128xf32, #tpu.memory_space<vmem_shared>> -> memref<80x128xf32, #tpu.memory_space<vmem_shared>>
      %dma_start3A_195 = arith.constant 0 : i32
      %dma_start3A_196 = tpu.memref_slice %arg11[%add3A_19, %dma_start3A_195] : memref<10240x128xf32, #tpu.memory_space<vmem_shared>> -> memref<80x128xf32, #tpu.memory_space<vmem_shared>>
      tpu.enqueue_dma source(%arg8 : memref<80x128xf32, #tpu.memory_space<vmem>>) target(%dma_start3A_196 : memref<80x128xf32, #tpu.memory_space<vmem_shared>>) target_semaphore(%run_scoped3A_192 : memref<!tpu.dma_semaphore, #tpu.memory_space<semaphore_mem>>)
      %dma_wait3A_197 = arith.constant 0 : i32
      %dma_wait3A_198 = tpu.memref_slice %arg11[%add3A_19, %dma_wait3A_197] : memref<10240x128xf32, #tpu.memory_space<vmem_shared>> -> memref<80x128xf32, #tpu.memory_space<vmem_shared>>
      %dma_wait3A_199 = arith.constant 0 : i32
      %dma_wait3A_200 = tpu.memref_slice %arg11[%add3A_19, %dma_wait3A_199] : memref<10240x128xf32, #tpu.memory_space<vmem_shared>> -> memref<80x128xf32, #tpu.memory_space<vmem_shared>>
      tpu.wait_dma2 semaphore(%run_scoped3A_192 : memref<!tpu.dma_semaphore, #tpu.memory_space<semaphore_mem>>) src(%arg8 : memref<80x128xf32, #tpu.memory_space<vmem>>) dst(%dma_wait3A_200 : memref<80x128xf32, #tpu.memory_space<vmem_shared>>)
      tpu.yield
    }) : () -> ()
    %mul3A_20 = arith.constant 640 : i32
    %mul3A_21 = arith.muli %arg1, %mul3A_20 : i32
    %add3A_22 = arith.constant 240 : i32
    %add3A_23 = arith.addi %mul3A_21, %add3A_22 : i32
    "tpu.region"() ({
      %run_scoped3A_192 = tpu.sem_alloc : memref<!tpu.dma_semaphore, #tpu.memory_space<semaphore_mem>>
      %dma_start3A_193 = arith.constant 0 : i32
      %dma_start3A_194 = tpu.memref_slice %arg11[%add3A_23, %dma_start3A_193] : memref<10240x128xf32, #tpu.memory_space<vmem_shared>> -> memref<80x128xf32, #tpu.memory_space<vmem_shared>>
      %dma_start3A_195 = arith.constant 0 : i32
      %dma_start3A_196 = tpu.memref_slice %arg11[%add3A_23, %dma_start3A_195] : memref<10240x128xf32, #tpu.memory_space<vmem_shared>> -> memref<80x128xf32, #tpu.memory_space<vmem_shared>>
      tpu.enqueue_dma source(%arg8 : memref<80x128xf32, #tpu.memory_space<vmem>>) target(%dma_start3A_196 : memref<80x128xf32, #tpu.memory_space<vmem_shared>>) target_semaphore(%run_scoped3A_192 : memref<!tpu.dma_semaphore, #tpu.memory_space<semaphore_mem>>)
      %dma_wait3A_197 = arith.constant 0 : i32
      %dma_wait3A_198 = tpu.memref_slice %arg11[%add3A_23, %dma_wait3A_197] : memref<10240x128xf32, #tpu.memory_space<vmem_shared>> -> memref<80x128xf32, #tpu.memory_space<vmem_shared>>
      %dma_wait3A_199 = arith.constant 0 : i32
      %dma_wait3A_200 = tpu.memref_slice %arg11[%add3A_23, %dma_wait3A_199] : memref<10240x128xf32, #tpu.memory_space<vmem_shared>> -> memref<80x128xf32, #tpu.memory_space<vmem_shared>>
      tpu.wait_dma2 semaphore(%run_scoped3A_192 : memref<!tpu.dma_semaphore, #tpu.memory_space<semaphore_mem>>) src(%arg8 : memref<80x128xf32, #tpu.memory_space<vmem>>) dst(%dma_wait3A_200 : memref<80x128xf32, #tpu.memory_space<vmem_shared>>)
      tpu.yield
    }) : () -> ()
    %mul3A_24 = arith.constant 640 : i32
    %mul3A_25 = arith.muli %arg1, %mul3A_24 : i32
    %add3A_26 = arith.constant 320 : i32
    %add3A_27 = arith.addi %mul3A_25, %add3A_26 : i32
    "tpu.region"() ({
      %run_scoped3A_192 = tpu.sem_alloc : memref<!tpu.dma_semaphore, #tpu.memory_space<semaphore_mem>>
      %dma_start3A_193 = arith.constant 0 : i32
      %dma_start3A_194 = tpu.memref_slice %arg11[%add3A_27, %dma_start3A_193] : memref<10240x128xf32, #tpu.memory_space<vmem_shared>> -> memref<80x128xf32, #tpu.memory_space<vmem_shared>>
      %dma_start3A_195 = arith.constant 0 : i32
      %dma_start3A_196 = tpu.memref_slice %arg11[%add3A_27, %dma_start3A_195] : memref<10240x128xf32, #tpu.memory_space<vmem_shared>> -> memref<80x128xf32, #tpu.memory_space<vmem_shared>>
      tpu.enqueue_dma source(%arg8 : memref<80x128xf32, #tpu.memory_space<vmem>>) target(%dma_start3A_196 : memref<80x128xf32, #tpu.memory_space<vmem_shared>>) target_semaphore(%run_scoped3A_192 : memref<!tpu.dma_semaphore, #tpu.memory_space<semaphore_mem>>)
      %dma_wait3A_197 = arith.constant 0 : i32
      %dma_wait3A_198 = tpu.memref_slice %arg11[%add3A_27, %dma_wait3A_197] : memref<10240x128xf32, #tpu.memory_space<vmem_shared>> -> memref<80x128xf32, #tpu.memory_space<vmem_shared>>
      %dma_wait3A_199 = arith.constant 0 : i32
      %dma_wait3A_200 = tpu.memref_slice %arg11[%add3A_27, %dma_wait3A_199] : memref<10240x128xf32, #tpu.memory_space<vmem_shared>> -> memref<80x128xf32, #tpu.memory_space<vmem_shared>>
      tpu.wait_dma2 semaphore(%run_scoped3A_192 : memref<!tpu.dma_semaphore, #tpu.memory_space<semaphore_mem>>) src(%arg8 : memref<80x128xf32, #tpu.memory_space<vmem>>) dst(%dma_wait3A_200 : memref<80x128xf32, #tpu.memory_space<vmem_shared>>)
      tpu.yield
    }) : () -> ()
    %mul3A_28 = arith.constant 640 : i32
    %mul3A_29 = arith.muli %arg1, %mul3A_28 : i32
    %add3A_30 = arith.constant 400 : i32
    %add3A_31 = arith.addi %mul3A_29, %add3A_30 : i32
    "tpu.region"() ({
      %run_scoped3A_192 = tpu.sem_alloc : memref<!tpu.dma_semaphore, #tpu.memory_space<semaphore_mem>>
      %dma_start3A_193 = arith.constant 0 : i32
      %dma_start3A_194 = tpu.memref_slice %arg11[%add3A_31, %dma_start3A_193] : memref<10240x128xf32, #tpu.memory_space<vmem_shared>> -> memref<80x128xf32, #tpu.memory_space<vmem_shared>>
      %dma_start3A_195 = arith.constant 0 : i32
      %dma_start3A_196 = tpu.memref_slice %arg11[%add3A_31, %dma_start3A_195] : memref<10240x128xf32, #tpu.memory_space<vmem_shared>> -> memref<80x128xf32, #tpu.memory_space<vmem_shared>>
      tpu.enqueue_dma source(%arg8 : memref<80x128xf32, #tpu.memory_space<vmem>>) target(%dma_start3A_196 : memref<80x128xf32, #tpu.memory_space<vmem_shared>>) target_semaphore(%run_scoped3A_192 : memref<!tpu.dma_semaphore, #tpu.memory_space<semaphore_mem>>)
      %dma_wait3A_197 = arith.constant 0 : i32
      %dma_wait3A_198 = tpu.memref_slice %arg11[%add3A_31, %dma_wait3A_197] : memref<10240x128xf32, #tpu.memory_space<vmem_shared>> -> memref<80x128xf32, #tpu.memory_space<vmem_shared>>
      %dma_wait3A_199 = arith.constant 0 : i32
      %dma_wait3A_200 = tpu.memref_slice %arg11[%add3A_31, %dma_wait3A_199] : memref<10240x128xf32, #tpu.memory_space<vmem_shared>> -> memref<80x128xf32, #tpu.memory_space<vmem_shared>>
      tpu.wait_dma2 semaphore(%run_scoped3A_192 : memref<!tpu.dma_semaphore, #tpu.memory_space<semaphore_mem>>) src(%arg8 : memref<80x128xf32, #tpu.memory_space<vmem>>) dst(%dma_wait3A_200 : memref<80x128xf32, #tpu.memory_space<vmem_shared>>)
      tpu.yield
    }) : () -> ()
    %mul3A_32 = arith.constant 640 : i32
    %mul3A_33 = arith.muli %arg1, %mul3A_32 : i32
    %add3A_34 = arith.constant 480 : i32
    %add3A_35 = arith.addi %mul3A_33, %add3A_34 : i32
    "tpu.region"() ({
      %run_scoped3A_192 = tpu.sem_alloc : memref<!tpu.dma_semaphore, #tpu.memory_space<semaphore_mem>>
      %dma_start3A_193 = arith.constant 0 : i32
      %dma_start3A_194 = tpu.memref_slice %arg11[%add3A_35, %dma_start3A_193] : memref<10240x128xf32, #tpu.memory_space<vmem_shared>> -> memref<80x128xf32, #tpu.memory_space<vmem_shared>>
      %dma_start3A_195 = arith.constant 0 : i32
      %dma_start3A_196 = tpu.memref_slice %arg11[%add3A_35, %dma_start3A_195] : memref<10240x128xf32, #tpu.memory_space<vmem_shared>> -> memref<80x128xf32, #tpu.memory_space<vmem_shared>>
      tpu.enqueue_dma source(%arg8 : memref<80x128xf32, #tpu.memory_space<vmem>>) target(%dma_start3A_196 : memref<80x128xf32, #tpu.memory_space<vmem_shared>>) target_semaphore(%run_scoped3A_192 : memref<!tpu.dma_semaphore, #tpu.memory_space<semaphore_mem>>)
      %dma_wait3A_197 = arith.constant 0 : i32
      %dma_wait3A_198 = tpu.memref_slice %arg11[%add3A_35, %dma_wait3A_197] : memref<10240x128xf32, #tpu.memory_space<vmem_shared>> -> memref<80x128xf32, #tpu.memory_space<vmem_shared>>
      %dma_wait3A_199 = arith.constant 0 : i32
      %dma_wait3A_200 = tpu.memref_slice %arg11[%add3A_35, %dma_wait3A_199] : memref<10240x128xf32, #tpu.memory_space<vmem_shared>> -> memref<80x128xf32, #tpu.memory_space<vmem_shared>>
      tpu.wait_dma2 semaphore(%run_scoped3A_192 : memref<!tpu.dma_semaphore, #tpu.memory_space<semaphore_mem>>) src(%arg8 : memref<80x128xf32, #tpu.memory_space<vmem>>) dst(%dma_wait3A_200 : memref<80x128xf32, #tpu.memory_space<vmem_shared>>)
      tpu.yield
    }) : () -> ()
    %mul3A_36 = arith.constant 640 : i32
    %mul3A_37 = arith.muli %arg1, %mul3A_36 : i32
    %add3A_38 = arith.constant 560 : i32
    %add3A_39 = arith.addi %mul3A_37, %add3A_38 : i32
    "tpu.region"() ({
      %run_scoped3A_192 = tpu.sem_alloc : memref<!tpu.dma_semaphore, #tpu.memory_space<semaphore_mem>>
      %dma_start3A_193 = arith.constant 0 : i32
      %dma_start3A_194 = tpu.memref_slice %arg11[%add3A_39, %dma_start3A_193] : memref<10240x128xf32, #tpu.memory_space<vmem_shared>> -> memref<80x128xf32, #tpu.memory_space<vmem_shared>>
      %dma_start3A_195 = arith.constant 0 : i32
      %dma_start3A_196 = tpu.memref_slice %arg11[%add3A_39, %dma_start3A_195] : memref<10240x128xf32, #tpu.memory_space<vmem_shared>> -> memref<80x128xf32, #tpu.memory_space<vmem_shared>>
      tpu.enqueue_dma source(%arg8 : memref<80x128xf32, #tpu.memory_space<vmem>>) target(%dma_start3A_196 : memref<80x128xf32, #tpu.memory_space<vmem_shared>>) target_semaphore(%run_scoped3A_192 : memref<!tpu.dma_semaphore, #tpu.memory_space<semaphore_mem>>)
      %dma_wait3A_197 = arith.constant 0 : i32
      %dma_wait3A_198 = tpu.memref_slice %arg11[%add3A_39, %dma_wait3A_197] : memref<10240x128xf32, #tpu.memory_space<vmem_shared>> -> memref<80x128xf32, #tpu.memory_space<vmem_shared>>
      %dma_wait3A_199 = arith.constant 0 : i32
      %dma_wait3A_200 = tpu.memref_slice %arg11[%add3A_39, %dma_wait3A_199] : memref<10240x128xf32, #tpu.memory_space<vmem_shared>> -> memref<80x128xf32, #tpu.memory_space<vmem_shared>>
      tpu.wait_dma2 semaphore(%run_scoped3A_192 : memref<!tpu.dma_semaphore, #tpu.memory_space<semaphore_mem>>) src(%arg8 : memref<80x128xf32, #tpu.memory_space<vmem>>) dst(%dma_wait3A_200 : memref<80x128xf32, #tpu.memory_space<vmem_shared>>)
      tpu.yield
    }) : () -> ()
    %barrier3A = arith.constant 0 : index
    tpu.barrier barrier_id(%barrier3A)
    %run_scoped3A = arith.constant 0 : i32
    "tpu.region"() ({
      %run_scoped3A_192 = tpu.sem_alloc : memref<!tpu.dma_semaphore, #tpu.memory_space<semaphore_mem>>
      %dma_start3A_193 = arith.constant 0 : i32
      %dma_start3A_194 = arith.constant 0 : i32
      %dma_start3A_195 = tpu.memref_slice %arg3[%add3A, %run_scoped3A, %dma_start3A_193, %dma_start3A_194] : memref<32x5x25x80xi32, #tpu.memory_space<hbm>> -> memref<1x1x25x80xi32, #tpu.memory_space<hbm>>
      %dma_start3A_196 = tpu.memref_squeeze %dma_start3A_195 : memref<1x1x25x80xi32, #tpu.memory_space<hbm>> -> memref<25x80xi32, #tpu.memory_space<hbm>>
      %dma_start3A_197 = arith.constant 0 : i32
      %dma_start3A_198 = arith.constant 0 : i32
      %dma_start3A_199 = tpu.memref_slice %arg3[%add3A, %run_scoped3A, %dma_start3A_197, %dma_start3A_198] : memref<32x5x25x80xi32, #tpu.memory_space<hbm>> -> memref<1x1x25x80xi32, #tpu.memory_space<hbm>>
      %dma_start3A_200 = tpu.memref_squeeze %dma_start3A_199 : memref<1x1x25x80xi32, #tpu.memory_space<hbm>> -> memref<25x80xi32, #tpu.memory_space<hbm>>
      tpu.enqueue_dma source(%dma_start3A_200 : memref<25x80xi32, #tpu.memory_space<hbm>>) target(%arg6 : memref<25x80xi32, #tpu.memory_space<vmem>>) target_semaphore(%run_scoped3A_192 : memref<!tpu.dma_semaphore, #tpu.memory_space<semaphore_mem>>)
      %dma_wait3A_201 = arith.constant 0 : i32
      %dma_wait3A_202 = arith.constant 0 : i32
      %dma_wait3A_203 = tpu.memref_slice %arg3[%add3A, %run_scoped3A, %dma_wait3A_201, %dma_wait3A_202] : memref<32x5x25x80xi32, #tpu.memory_space<hbm>> -> memref<1x1x25x80xi32, #tpu.memory_space<hbm>>
      %dma_wait3A_204 = tpu.memref_squeeze %dma_wait3A_203 : memref<1x1x25x80xi32, #tpu.memory_space<hbm>> -> memref<25x80xi32, #tpu.memory_space<hbm>>
      %dma_wait3A_205 = arith.constant 0 : i32
      %dma_wait3A_206 = arith.constant 0 : i32
      %dma_wait3A_207 = tpu.memref_slice %arg3[%add3A, %run_scoped3A, %dma_wait3A_205, %dma_wait3A_206] : memref<32x5x25x80xi32, #tpu.memory_space<hbm>> -> memref<1x1x25x80xi32, #tpu.memory_space<hbm>>
      %dma_wait3A_208 = tpu.memref_squeeze %dma_wait3A_207 : memref<1x1x25x80xi32, #tpu.memory_space<hbm>> -> memref<25x80xi32, #tpu.memory_space<hbm>>
      tpu.wait_dma2 semaphore(%run_scoped3A_192 : memref<!tpu.dma_semaphore, #tpu.memory_space<semaphore_mem>>) src(%dma_wait3A_208 : memref<25x80xi32, #tpu.memory_space<hbm>>) dst(%arg6 : memref<25x80xi32, #tpu.memory_space<vmem>>)
      tpu.yield
    }) : () -> ()
    %run_scoped3A_40 = arith.constant 0 : i32
    "tpu.region"() ({
      %run_scoped3A_192 = tpu.sem_alloc : memref<!tpu.dma_semaphore, #tpu.memory_space<semaphore_mem>>
      %dma_start3A_193 = arith.constant 0 : i32
      %dma_start3A_194 = arith.constant 0 : i32
      %dma_start3A_195 = tpu.memref_slice %arg4[%add3A, %run_scoped3A_40, %dma_start3A_193, %dma_start3A_194] : memref<32x5x25x80xi32, #tpu.memory_space<hbm>> -> memref<1x1x25x80xi32, #tpu.memory_space<hbm>>
      %dma_start3A_196 = tpu.memref_squeeze %dma_start3A_195 : memref<1x1x25x80xi32, #tpu.memory_space<hbm>> -> memref<25x80xi32, #tpu.memory_space<hbm>>
      %dma_start3A_197 = arith.constant 0 : i32
      %dma_start3A_198 = arith.constant 0 : i32
      %dma_start3A_199 = tpu.memref_slice %arg4[%add3A, %run_scoped3A_40, %dma_start3A_197, %dma_start3A_198] : memref<32x5x25x80xi32, #tpu.memory_space<hbm>> -> memref<1x1x25x80xi32, #tpu.memory_space<hbm>>
      %dma_start3A_200 = tpu.memref_squeeze %dma_start3A_199 : memref<1x1x25x80xi32, #tpu.memory_space<hbm>> -> memref<25x80xi32, #tpu.memory_space<hbm>>
      tpu.enqueue_dma source(%dma_start3A_200 : memref<25x80xi32, #tpu.memory_space<hbm>>) target(%arg7 : memref<25x80xi32, #tpu.memory_space<vmem>>) target_semaphore(%run_scoped3A_192 : memref<!tpu.dma_semaphore, #tpu.memory_space<semaphore_mem>>)
      %dma_wait3A_201 = arith.constant 0 : i32
      %dma_wait3A_202 = arith.constant 0 : i32
      %dma_wait3A_203 = tpu.memref_slice %arg4[%add3A, %run_scoped3A_40, %dma_wait3A_201, %dma_wait3A_202] : memref<32x5x25x80xi32, #tpu.memory_space<hbm>> -> memref<1x1x25x80xi32, #tpu.memory_space<hbm>>
      %dma_wait3A_204 = tpu.memref_squeeze %dma_wait3A_203 : memref<1x1x25x80xi32, #tpu.memory_space<hbm>> -> memref<25x80xi32, #tpu.memory_space<hbm>>
      %dma_wait3A_205 = arith.constant 0 : i32
      %dma_wait3A_206 = arith.constant 0 : i32
      %dma_wait3A_207 = tpu.memref_slice %arg4[%add3A, %run_scoped3A_40, %dma_wait3A_205, %dma_wait3A_206] : memref<32x5x25x80xi32, #tpu.memory_space<hbm>> -> memref<1x1x25x80xi32, #tpu.memory_space<hbm>>
      %dma_wait3A_208 = tpu.memref_squeeze %dma_wait3A_207 : memref<1x1x25x80xi32, #tpu.memory_space<hbm>> -> memref<25x80xi32, #tpu.memory_space<hbm>>
      tpu.wait_dma2 semaphore(%run_scoped3A_192 : memref<!tpu.dma_semaphore, #tpu.memory_space<semaphore_mem>>) src(%dma_wait3A_208 : memref<25x80xi32, #tpu.memory_space<hbm>>) dst(%arg7 : memref<25x80xi32, #tpu.memory_space<vmem>>)
      tpu.yield
    }) : () -> ()
    %dma_start3A = arith.constant 0 : i32
    %dma_start3A_41 = arith.constant 0 : i32
    %dma_start3A_42 = tpu.memref_slice %arg7[%dma_start3A, %dma_start3A_41] : memref<25x80xi32, #tpu.memory_space<vmem>> -> memref<1x80xi32, #tpu.memory_space<vmem>>
    %dma_start3A_43 = tpu.memref_squeeze %dma_start3A_42 : memref<1x80xi32, #tpu.memory_space<vmem>> -> memref<80xi32, #tpu.memory_space<vmem>>
    %dma_start3A_44 = arith.constant 0 : i32
    %dma_start3A_45 = arith.constant 0 : i32
    %dma_start3A_46 = tpu.memref_slice %arg2[%dma_start3A_44, %dma_start3A_45] : memref<10000x128xf32, #tpu.memory_space<hbm>> -> memref<10000x128xf32, #tpu.memory_space<hbm>>
    tpu.enqueue_indirect_dma source(%dma_start3A_46 : memref<10000x128xf32, #tpu.memory_space<hbm>>) target(%arg8 : memref<80x128xf32, #tpu.memory_space<vmem>>) offsets(%dma_start3A_43 : memref<80xi32, #tpu.memory_space<vmem>>) semaphore(%arg12 : memref<!tpu.dma_semaphore, #tpu.memory_space<semaphore_mem>>)
    %dma_start3A_47 = arith.constant 1 : i32
    %dma_start3A_48 = arith.constant 0 : i32
    %dma_start3A_49 = tpu.memref_slice %arg7[%dma_start3A_47, %dma_start3A_48] : memref<25x80xi32, #tpu.memory_space<vmem>> -> memref<1x80xi32, #tpu.memory_space<vmem>>
    %dma_start3A_50 = tpu.memref_squeeze %dma_start3A_49 : memref<1x80xi32, #tpu.memory_space<vmem>> -> memref<80xi32, #tpu.memory_space<vmem>>
    %dma_start3A_51 = arith.constant 0 : i32
    %dma_start3A_52 = arith.constant 0 : i32
    %dma_start3A_53 = tpu.memref_slice %arg2[%dma_start3A_51, %dma_start3A_52] : memref<10000x128xf32, #tpu.memory_space<hbm>> -> memref<10000x128xf32, #tpu.memory_space<hbm>>
    tpu.enqueue_indirect_dma source(%dma_start3A_53 : memref<10000x128xf32, #tpu.memory_space<hbm>>) target(%arg9 : memref<80x128xf32, #tpu.memory_space<vmem>>) offsets(%dma_start3A_50 : memref<80xi32, #tpu.memory_space<vmem>>) semaphore(%arg13 : memref<!tpu.dma_semaphore, #tpu.memory_space<semaphore_mem>>)
    %scan3A_54 = arith.constant 0 : i32
    %scan3A_55 = arith.constant 0 : i32
    %scan3A_56 = arith.constant 25 : i32
    %scan3A_57 = arith.addi %scan3A_55, %scan3A_56 : i32
    %scan3A_58 = arith.constant 1 : i32
    %scan3A_59 = scf.for %scan3A_192 = %scan3A_55 to %scan3A_57 step %scan3A_58 iter_args(%scan3A_193 = %scan3A_54) -> (i32)  : i32 {
      %jit3A = arith.constant 3 : i32
      %eq3A = arith.constant 0 : i32
      %eq3A_194 = arith.cmpi eq, %jit3A, %eq3A : i32
      %jit3A_195 = arith.constant 1 : i32
      %select_n3A = arith.select %eq3A_194, %jit3A_195, %jit3A : i32
      %rem3A = arith.remsi %scan3A_192, %select_n3A : i32
      %ne3A = arith.constant 0 : i32
      %ne3A_196 = arith.cmpi ne, %rem3A, %ne3A : i32
      %lt3A = arith.constant 0 : i32
      %lt3A_197 = arith.cmpi slt, %rem3A, %lt3A : i32
      %lt3A_198 = arith.constant 0 : i32
      %lt3A_199 = arith.cmpi slt, %select_n3A, %lt3A_198 : i32
      %ne3A_200 = arith.xori %lt3A_197, %lt3A_199 : i1
      %and3A = arith.andi %ne3A_200, %ne3A_196 : i1
      %add3A_201 = arith.addi %rem3A, %select_n3A : i32
      %select_n3A_202 = arith.select %and3A, %add3A_201, %rem3A : i32
      %eq3A_203 = arith.constant 0 : i32
      %eq3A_204 = arith.cmpi eq, %select_n3A_202, %eq3A_203 : i32
      %convert_element_type3A = arith.extui %eq3A_204 : i1 to i32
      %cond3A = arith.constant 0 : i32
      %cond3A_205 = arith.cmpi ne, %convert_element_type3A, %cond3A : i32
      scf.if %cond3A_205 {
        %dma_wait3A_249 = arith.constant 0 : i32
        %dma_wait3A_250 = tpu.memref_slice %arg7[%scan3A_192, %dma_wait3A_249] : memref<25x80xi32, #tpu.memory_space<vmem>> -> memref<1x80xi32, #tpu.memory_space<vmem>>
        %dma_wait3A_251 = tpu.memref_squeeze %dma_wait3A_250 : memref<1x80xi32, #tpu.memory_space<vmem>> -> memref<80xi32, #tpu.memory_space<vmem>>
        %dma_wait3A_252 = arith.constant 0 : i32
        %dma_wait3A_253 = arith.constant 0 : i32
        %dma_wait3A_254 = tpu.memref_slice %arg2[%dma_wait3A_252, %dma_wait3A_253] : memref<10000x128xf32, #tpu.memory_space<hbm>> -> memref<10000x128xf32, #tpu.memory_space<hbm>>
        tpu.wait_indirect_dma semaphore(%arg12 : memref<!tpu.dma_semaphore, #tpu.memory_space<semaphore_mem>>) src(%dma_wait3A_254 : memref<10000x128xf32, #tpu.memory_space<hbm>>) dst(%arg8 : memref<80x128xf32, #tpu.memory_space<vmem>>)
        %dma_start3A_255 = arith.constant 0 : i32
        %dma_start3A_256 = tpu.memref_slice %arg6[%scan3A_192, %dma_start3A_255] : memref<25x80xi32, #tpu.memory_space<vmem>> -> memref<1x80xi32, #tpu.memory_space<vmem>>
        %dma_start3A_257 = tpu.memref_squeeze %dma_start3A_256 : memref<1x80xi32, #tpu.memory_space<vmem>> -> memref<80xi32, #tpu.memory_space<vmem>>
        %dma_start3A_258 = arith.constant 0 : i32
        %dma_start3A_259 = arith.constant 0 : i32
        %dma_start3A_260 = tpu.memref_slice %arg11[%dma_start3A_258, %dma_start3A_259] : memref<10240x128xf32, #tpu.memory_space<vmem_shared>> -> memref<10240x128xf32, #tpu.memory_space<vmem_shared>>
        tpu.enqueue_indirect_dma source(%arg8 : memref<80x128xf32, #tpu.memory_space<vmem>>) target(%dma_start3A_260 : memref<10240x128xf32, #tpu.memory_space<vmem_shared>>) offsets(%dma_start3A_257 : memref<80xi32, #tpu.memory_space<vmem>>) semaphore(%arg15 : memref<!tpu.dma_semaphore, #tpu.memory_space<semaphore_mem>>) {add = true}
        %ge3A = arith.constant 1 : i32
        %ge3A_261 = arith.cmpi sge, %scan3A_192, %ge3A : i32
        %convert_element_type3A_262 = arith.extui %ge3A_261 : i1 to i32
        %cond3A_263 = arith.constant 0 : i32
        %cond3A_264 = arith.cmpi ne, %convert_element_type3A_262, %cond3A_263 : i32
        scf.if %cond3A_264 {
          %dma_wait3A_272 = arith.constant 0 : i32
          %dma_wait3A_273 = tpu.memref_slice %arg6[%scan3A_192, %dma_wait3A_272] : memref<25x80xi32, #tpu.memory_space<vmem>> -> memref<1x80xi32, #tpu.memory_space<vmem>>
          %dma_wait3A_274 = tpu.memref_squeeze %dma_wait3A_273 : memref<1x80xi32, #tpu.memory_space<vmem>> -> memref<80xi32, #tpu.memory_space<vmem>>
          %dma_wait3A_275 = arith.constant 0 : i32
          %dma_wait3A_276 = arith.constant 0 : i32
          %dma_wait3A_277 = tpu.memref_slice %arg11[%dma_wait3A_275, %dma_wait3A_276] : memref<10240x128xf32, #tpu.memory_space<vmem_shared>> -> memref<10240x128xf32, #tpu.memory_space<vmem_shared>>
          tpu.wait_indirect_dma semaphore(%arg17 : memref<!tpu.dma_semaphore, #tpu.memory_space<semaphore_mem>>) src(%arg10 : memref<80x128xf32, #tpu.memory_space<vmem>>) dst(%dma_wait3A_277 : memref<10240x128xf32, #tpu.memory_space<vmem_shared>>)
        } else {
        }
        %add3A_265 = arith.constant 2 : i32
        %add3A_266 = arith.addi %scan3A_192, %add3A_265 : i32
        %lt3A_267 = arith.constant 25 : i32
        %lt3A_268 = arith.cmpi slt, %add3A_266, %lt3A_267 : i32
        %convert_element_type3A_269 = arith.extui %lt3A_268 : i1 to i32
        %cond3A_270 = arith.constant 0 : i32
        %cond3A_271 = arith.cmpi ne, %convert_element_type3A_269, %cond3A_270 : i32
        scf.if %cond3A_271 {
          %add3A_272 = arith.constant 2 : i32
          %add3A_273 = arith.addi %scan3A_192, %add3A_272 : i32
          %dma_start3A_274 = arith.constant 0 : i32
          %dma_start3A_275 = tpu.memref_slice %arg7[%add3A_273, %dma_start3A_274] : memref<25x80xi32, #tpu.memory_space<vmem>> -> memref<1x80xi32, #tpu.memory_space<vmem>>
          %dma_start3A_276 = tpu.memref_squeeze %dma_start3A_275 : memref<1x80xi32, #tpu.memory_space<vmem>> -> memref<80xi32, #tpu.memory_space<vmem>>
          %dma_start3A_277 = arith.constant 0 : i32
          %dma_start3A_278 = arith.constant 0 : i32
          %dma_start3A_279 = tpu.memref_slice %arg2[%dma_start3A_277, %dma_start3A_278] : memref<10000x128xf32, #tpu.memory_space<hbm>> -> memref<10000x128xf32, #tpu.memory_space<hbm>>
          tpu.enqueue_indirect_dma source(%dma_start3A_279 : memref<10000x128xf32, #tpu.memory_space<hbm>>) target(%arg10 : memref<80x128xf32, #tpu.memory_space<vmem>>) offsets(%dma_start3A_276 : memref<80xi32, #tpu.memory_space<vmem>>) semaphore(%arg14 : memref<!tpu.dma_semaphore, #tpu.memory_space<semaphore_mem>>)
        } else {
        }
      } else {
      }
      %jit3A_206 = arith.constant 3 : i32
      %eq3A_207 = arith.constant 0 : i32
      %eq3A_208 = arith.cmpi eq, %jit3A_206, %eq3A_207 : i32
      %jit3A_209 = arith.constant 1 : i32
      %select_n3A_210 = arith.select %eq3A_208, %jit3A_209, %jit3A_206 : i32
      %rem3A_211 = arith.remsi %scan3A_192, %select_n3A_210 : i32
      %ne3A_212 = arith.constant 0 : i32
      %ne3A_213 = arith.cmpi ne, %rem3A_211, %ne3A_212 : i32
      %lt3A_214 = arith.constant 0 : i32
      %lt3A_215 = arith.cmpi slt, %rem3A_211, %lt3A_214 : i32
      %lt3A_216 = arith.constant 0 : i32
      %lt3A_217 = arith.cmpi slt, %select_n3A_210, %lt3A_216 : i32
      %ne3A_218 = arith.xori %lt3A_215, %lt3A_217 : i1
      %and3A_219 = arith.andi %ne3A_218, %ne3A_213 : i1
      %add3A_220 = arith.addi %rem3A_211, %select_n3A_210 : i32
      %select_n3A_221 = arith.select %and3A_219, %add3A_220, %rem3A_211 : i32
      %eq3A_222 = arith.constant 1 : i32
      %eq3A_223 = arith.cmpi eq, %select_n3A_221, %eq3A_222 : i32
      %convert_element_type3A_224 = arith.extui %eq3A_223 : i1 to i32
      %cond3A_225 = arith.constant 0 : i32
      %cond3A_226 = arith.cmpi ne, %convert_element_type3A_224, %cond3A_225 : i32
      scf.if %cond3A_226 {
        %dma_wait3A_249 = arith.constant 0 : i32
        %dma_wait3A_250 = tpu.memref_slice %arg7[%scan3A_192, %dma_wait3A_249] : memref<25x80xi32, #tpu.memory_space<vmem>> -> memref<1x80xi32, #tpu.memory_space<vmem>>
        %dma_wait3A_251 = tpu.memref_squeeze %dma_wait3A_250 : memref<1x80xi32, #tpu.memory_space<vmem>> -> memref<80xi32, #tpu.memory_space<vmem>>
        %dma_wait3A_252 = arith.constant 0 : i32
        %dma_wait3A_253 = arith.constant 0 : i32
        %dma_wait3A_254 = tpu.memref_slice %arg2[%dma_wait3A_252, %dma_wait3A_253] : memref<10000x128xf32, #tpu.memory_space<hbm>> -> memref<10000x128xf32, #tpu.memory_space<hbm>>
        tpu.wait_indirect_dma semaphore(%arg13 : memref<!tpu.dma_semaphore, #tpu.memory_space<semaphore_mem>>) src(%dma_wait3A_254 : memref<10000x128xf32, #tpu.memory_space<hbm>>) dst(%arg9 : memref<80x128xf32, #tpu.memory_space<vmem>>)
        %dma_start3A_255 = arith.constant 0 : i32
        %dma_start3A_256 = tpu.memref_slice %arg6[%scan3A_192, %dma_start3A_255] : memref<25x80xi32, #tpu.memory_space<vmem>> -> memref<1x80xi32, #tpu.memory_space<vmem>>
        %dma_start3A_257 = tpu.memref_squeeze %dma_start3A_256 : memref<1x80xi32, #tpu.memory_space<vmem>> -> memref<80xi32, #tpu.memory_space<vmem>>
        %dma_start3A_258 = arith.constant 0 : i32
        %dma_start3A_259 = arith.constant 0 : i32
        %dma_start3A_260 = tpu.memref_slice %arg11[%dma_start3A_258, %dma_start3A_259] : memref<10240x128xf32, #tpu.memory_space<vmem_shared>> -> memref<10240x128xf32, #tpu.memory_space<vmem_shared>>
        tpu.enqueue_indirect_dma source(%arg9 : memref<80x128xf32, #tpu.memory_space<vmem>>) target(%dma_start3A_260 : memref<10240x128xf32, #tpu.memory_space<vmem_shared>>) offsets(%dma_start3A_257 : memref<80xi32, #tpu.memory_space<vmem>>) semaphore(%arg16 : memref<!tpu.dma_semaphore, #tpu.memory_space<semaphore_mem>>) {add = true}
        %ge3A = arith.constant 1 : i32
        %ge3A_261 = arith.cmpi sge, %scan3A_192, %ge3A : i32
        %convert_element_type3A_262 = arith.extui %ge3A_261 : i1 to i32
        %cond3A_263 = arith.constant 0 : i32
        %cond3A_264 = arith.cmpi ne, %convert_element_type3A_262, %cond3A_263 : i32
        scf.if %cond3A_264 {
          %dma_wait3A_272 = arith.constant 0 : i32
          %dma_wait3A_273 = tpu.memref_slice %arg6[%scan3A_192, %dma_wait3A_272] : memref<25x80xi32, #tpu.memory_space<vmem>> -> memref<1x80xi32, #tpu.memory_space<vmem>>
          %dma_wait3A_274 = tpu.memref_squeeze %dma_wait3A_273 : memref<1x80xi32, #tpu.memory_space<vmem>> -> memref<80xi32, #tpu.memory_space<vmem>>
          %dma_wait3A_275 = arith.constant 0 : i32
          %dma_wait3A_276 = arith.constant 0 : i32
          %dma_wait3A_277 = tpu.memref_slice %arg11[%dma_wait3A_275, %dma_wait3A_276] : memref<10240x128xf32, #tpu.memory_space<vmem_shared>> -> memref<10240x128xf32, #tpu.memory_space<vmem_shared>>
          tpu.wait_indirect_dma semaphore(%arg15 : memref<!tpu.dma_semaphore, #tpu.memory_space<semaphore_mem>>) src(%arg8 : memref<80x128xf32, #tpu.memory_space<vmem>>) dst(%dma_wait3A_277 : memref<10240x128xf32, #tpu.memory_space<vmem_shared>>)
        } else {
        }
        %add3A_265 = arith.constant 2 : i32
        %add3A_266 = arith.addi %scan3A_192, %add3A_265 : i32
        %lt3A_267 = arith.constant 25 : i32
        %lt3A_268 = arith.cmpi slt, %add3A_266, %lt3A_267 : i32
        %convert_element_type3A_269 = arith.extui %lt3A_268 : i1 to i32
        %cond3A_270 = arith.constant 0 : i32
        %cond3A_271 = arith.cmpi ne, %convert_element_type3A_269, %cond3A_270 : i32
        scf.if %cond3A_271 {
          %add3A_272 = arith.constant 2 : i32
          %add3A_273 = arith.addi %scan3A_192, %add3A_272 : i32
          %dma_start3A_274 = arith.constant 0 : i32
          %dma_start3A_275 = tpu.memref_slice %arg7[%add3A_273, %dma_start3A_274] : memref<25x80xi32, #tpu.memory_space<vmem>> -> memref<1x80xi32, #tpu.memory_space<vmem>>
          %dma_start3A_276 = tpu.memref_squeeze %dma_start3A_275 : memref<1x80xi32, #tpu.memory_space<vmem>> -> memref<80xi32, #tpu.memory_space<vmem>>
          %dma_start3A_277 = arith.constant 0 : i32
          %dma_start3A_278 = arith.constant 0 : i32
          %dma_start3A_279 = tpu.memref_slice %arg2[%dma_start3A_277, %dma_start3A_278] : memref<10000x128xf32, #tpu.memory_space<hbm>> -> memref<10000x128xf32, #tpu.memory_space<hbm>>
          tpu.enqueue_indirect_dma source(%dma_start3A_279 : memref<10000x128xf32, #tpu.memory_space<hbm>>) target(%arg8 : memref<80x128xf32, #tpu.memory_space<vmem>>) offsets(%dma_start3A_276 : memref<80xi32, #tpu.memory_space<vmem>>) semaphore(%arg12 : memref<!tpu.dma_semaphore, #tpu.memory_space<semaphore_mem>>)
        } else {
        }
      } else {
      }
      %jit3A_227 = arith.constant 3 : i32
      %eq3A_228 = arith.constant 0 : i32
      %eq3A_229 = arith.cmpi eq, %jit3A_227, %eq3A_228 : i32
      %jit3A_230 = arith.constant 1 : i32
      %select_n3A_231 = arith.select %eq3A_229, %jit3A_230, %jit3A_227 : i32
      %rem3A_232 = arith.remsi %scan3A_192, %select_n3A_231 : i32
      %ne3A_233 = arith.constant 0 : i32
      %ne3A_234 = arith.cmpi ne, %rem3A_232, %ne3A_233 : i32
      %lt3A_235 = arith.constant 0 : i32
      %lt3A_236 = arith.cmpi slt, %rem3A_232, %lt3A_235 : i32
      %lt3A_237 = arith.constant 0 : i32
      %lt3A_238 = arith.cmpi slt, %select_n3A_231, %lt3A_237 : i32
      %ne3A_239 = arith.xori %lt3A_236, %lt3A_238 : i1
      %and3A_240 = arith.andi %ne3A_239, %ne3A_234 : i1
      %add3A_241 = arith.addi %rem3A_232, %select_n3A_231 : i32
      %select_n3A_242 = arith.select %and3A_240, %add3A_241, %rem3A_232 : i32
      %eq3A_243 = arith.constant 2 : i32
      %eq3A_244 = arith.cmpi eq, %select_n3A_242, %eq3A_243 : i32
      %convert_element_type3A_245 = arith.extui %eq3A_244 : i1 to i32
      %cond3A_246 = arith.constant 0 : i32
      %cond3A_247 = arith.cmpi ne, %convert_element_type3A_245, %cond3A_246 : i32
      scf.if %cond3A_247 {
        %dma_wait3A_249 = arith.constant 0 : i32
        %dma_wait3A_250 = tpu.memref_slice %arg7[%scan3A_192, %dma_wait3A_249] : memref<25x80xi32, #tpu.memory_space<vmem>> -> memref<1x80xi32, #tpu.memory_space<vmem>>
        %dma_wait3A_251 = tpu.memref_squeeze %dma_wait3A_250 : memref<1x80xi32, #tpu.memory_space<vmem>> -> memref<80xi32, #tpu.memory_space<vmem>>
        %dma_wait3A_252 = arith.constant 0 : i32
        %dma_wait3A_253 = arith.constant 0 : i32
        %dma_wait3A_254 = tpu.memref_slice %arg2[%dma_wait3A_252, %dma_wait3A_253] : memref<10000x128xf32, #tpu.memory_space<hbm>> -> memref<10000x128xf32, #tpu.memory_space<hbm>>
        tpu.wait_indirect_dma semaphore(%arg14 : memref<!tpu.dma_semaphore, #tpu.memory_space<semaphore_mem>>) src(%dma_wait3A_254 : memref<10000x128xf32, #tpu.memory_space<hbm>>) dst(%arg10 : memref<80x128xf32, #tpu.memory_space<vmem>>)
        %dma_start3A_255 = arith.constant 0 : i32
        %dma_start3A_256 = tpu.memref_slice %arg6[%scan3A_192, %dma_start3A_255] : memref<25x80xi32, #tpu.memory_space<vmem>> -> memref<1x80xi32, #tpu.memory_space<vmem>>
        %dma_start3A_257 = tpu.memref_squeeze %dma_start3A_256 : memref<1x80xi32, #tpu.memory_space<vmem>> -> memref<80xi32, #tpu.memory_space<vmem>>
        %dma_start3A_258 = arith.constant 0 : i32
        %dma_start3A_259 = arith.constant 0 : i32
        %dma_start3A_260 = tpu.memref_slice %arg11[%dma_start3A_258, %dma_start3A_259] : memref<10240x128xf32, #tpu.memory_space<vmem_shared>> -> memref<10240x128xf32, #tpu.memory_space<vmem_shared>>
        tpu.enqueue_indirect_dma source(%arg10 : memref<80x128xf32, #tpu.memory_space<vmem>>) target(%dma_start3A_260 : memref<10240x128xf32, #tpu.memory_space<vmem_shared>>) offsets(%dma_start3A_257 : memref<80xi32, #tpu.memory_space<vmem>>) semaphore(%arg17 : memref<!tpu.dma_semaphore, #tpu.memory_space<semaphore_mem>>) {add = true}
        %ge3A = arith.constant 1 : i32
        %ge3A_261 = arith.cmpi sge, %scan3A_192, %ge3A : i32
        %convert_element_type3A_262 = arith.extui %ge3A_261 : i1 to i32
        %cond3A_263 = arith.constant 0 : i32
        %cond3A_264 = arith.cmpi ne, %convert_element_type3A_262, %cond3A_263 : i32
        scf.if %cond3A_264 {
          %dma_wait3A_272 = arith.constant 0 : i32
          %dma_wait3A_273 = tpu.memref_slice %arg6[%scan3A_192, %dma_wait3A_272] : memref<25x80xi32, #tpu.memory_space<vmem>> -> memref<1x80xi32, #tpu.memory_space<vmem>>
          %dma_wait3A_274 = tpu.memref_squeeze %dma_wait3A_273 : memref<1x80xi32, #tpu.memory_space<vmem>> -> memref<80xi32, #tpu.memory_space<vmem>>
          %dma_wait3A_275 = arith.constant 0 : i32
          %dma_wait3A_276 = arith.constant 0 : i32
          %dma_wait3A_277 = tpu.memref_slice %arg11[%dma_wait3A_275, %dma_wait3A_276] : memref<10240x128xf32, #tpu.memory_space<vmem_shared>> -> memref<10240x128xf32, #tpu.memory_space<vmem_shared>>
          tpu.wait_indirect_dma semaphore(%arg16 : memref<!tpu.dma_semaphore, #tpu.memory_space<semaphore_mem>>) src(%arg9 : memref<80x128xf32, #tpu.memory_space<vmem>>) dst(%dma_wait3A_277 : memref<10240x128xf32, #tpu.memory_space<vmem_shared>>)
        } else {
        }
        %add3A_265 = arith.constant 2 : i32
        %add3A_266 = arith.addi %scan3A_192, %add3A_265 : i32
        %lt3A_267 = arith.constant 25 : i32
        %lt3A_268 = arith.cmpi slt, %add3A_266, %lt3A_267 : i32
        %convert_element_type3A_269 = arith.extui %lt3A_268 : i1 to i32
        %cond3A_270 = arith.constant 0 : i32
        %cond3A_271 = arith.cmpi ne, %convert_element_type3A_269, %cond3A_270 : i32
        scf.if %cond3A_271 {
          %add3A_272 = arith.constant 2 : i32
          %add3A_273 = arith.addi %scan3A_192, %add3A_272 : i32
          %dma_start3A_274 = arith.constant 0 : i32
          %dma_start3A_275 = tpu.memref_slice %arg7[%add3A_273, %dma_start3A_274] : memref<25x80xi32, #tpu.memory_space<vmem>> -> memref<1x80xi32, #tpu.memory_space<vmem>>
          %dma_start3A_276 = tpu.memref_squeeze %dma_start3A_275 : memref<1x80xi32, #tpu.memory_space<vmem>> -> memref<80xi32, #tpu.memory_space<vmem>>
          %dma_start3A_277 = arith.constant 0 : i32
          %dma_start3A_278 = arith.constant 0 : i32
          %dma_start3A_279 = tpu.memref_slice %arg2[%dma_start3A_277, %dma_start3A_278] : memref<10000x128xf32, #tpu.memory_space<hbm>> -> memref<10000x128xf32, #tpu.memory_space<hbm>>
          tpu.enqueue_indirect_dma source(%dma_start3A_279 : memref<10000x128xf32, #tpu.memory_space<hbm>>) target(%arg9 : memref<80x128xf32, #tpu.memory_space<vmem>>) offsets(%dma_start3A_276 : memref<80xi32, #tpu.memory_space<vmem>>) semaphore(%arg13 : memref<!tpu.dma_semaphore, #tpu.memory_space<semaphore_mem>>)
        } else {
        }
      } else {
      }
      %scan3A_248 = arith.constant 0 : i32
      scf.yield %scan3A_248 : i32
    }
    %scan3A_60 = arith.constant 25 : i32
    %dma_wait3A = arith.constant 0 : i32
    %dma_wait3A_61 = arith.constant 0 : i32
    %dma_wait3A_62 = tpu.memref_slice %arg6[%dma_wait3A, %dma_wait3A_61] : memref<25x80xi32, #tpu.memory_space<vmem>> -> memref<1x80xi32, #tpu.memory_space<vmem>>
    %dma_wait3A_63 = tpu.memref_squeeze %dma_wait3A_62 : memref<1x80xi32, #tpu.memory_space<vmem>> -> memref<80xi32, #tpu.memory_space<vmem>>
    %dma_wait3A_64 = arith.constant 0 : i32
    %dma_wait3A_65 = arith.constant 0 : i32
    %dma_wait3A_66 = tpu.memref_slice %arg11[%dma_wait3A_64, %dma_wait3A_65] : memref<10240x128xf32, #tpu.memory_space<vmem_shared>> -> memref<10240x128xf32, #tpu.memory_space<vmem_shared>>
    tpu.wait_indirect_dma semaphore(%arg15 : memref<!tpu.dma_semaphore, #tpu.memory_space<semaphore_mem>>) src(%arg8 : memref<80x128xf32, #tpu.memory_space<vmem>>) dst(%dma_wait3A_66 : memref<10240x128xf32, #tpu.memory_space<vmem_shared>>)
    %run_scoped3A_67 = arith.constant 1 : i32
    "tpu.region"() ({
      %run_scoped3A_192 = tpu.sem_alloc : memref<!tpu.dma_semaphore, #tpu.memory_space<semaphore_mem>>
      %dma_start3A_193 = arith.constant 0 : i32
      %dma_start3A_194 = arith.constant 0 : i32
      %dma_start3A_195 = tpu.memref_slice %arg3[%add3A, %run_scoped3A_67, %dma_start3A_193, %dma_start3A_194] : memref<32x5x25x80xi32, #tpu.memory_space<hbm>> -> memref<1x1x25x80xi32, #tpu.memory_space<hbm>>
      %dma_start3A_196 = tpu.memref_squeeze %dma_start3A_195 : memref<1x1x25x80xi32, #tpu.memory_space<hbm>> -> memref<25x80xi32, #tpu.memory_space<hbm>>
      %dma_start3A_197 = arith.constant 0 : i32
      %dma_start3A_198 = arith.constant 0 : i32
      %dma_start3A_199 = tpu.memref_slice %arg3[%add3A, %run_scoped3A_67, %dma_start3A_197, %dma_start3A_198] : memref<32x5x25x80xi32, #tpu.memory_space<hbm>> -> memref<1x1x25x80xi32, #tpu.memory_space<hbm>>
      %dma_start3A_200 = tpu.memref_squeeze %dma_start3A_199 : memref<1x1x25x80xi32, #tpu.memory_space<hbm>> -> memref<25x80xi32, #tpu.memory_space<hbm>>
      tpu.enqueue_dma source(%dma_start3A_200 : memref<25x80xi32, #tpu.memory_space<hbm>>) target(%arg6 : memref<25x80xi32, #tpu.memory_space<vmem>>) target_semaphore(%run_scoped3A_192 : memref<!tpu.dma_semaphore, #tpu.memory_space<semaphore_mem>>)
      %dma_wait3A_201 = arith.constant 0 : i32
      %dma_wait3A_202 = arith.constant 0 : i32
      %dma_wait3A_203 = tpu.memref_slice %arg3[%add3A, %run_scoped3A_67, %dma_wait3A_201, %dma_wait3A_202] : memref<32x5x25x80xi32, #tpu.memory_space<hbm>> -> memref<1x1x25x80xi32, #tpu.memory_space<hbm>>
      %dma_wait3A_204 = tpu.memref_squeeze %dma_wait3A_203 : memref<1x1x25x80xi32, #tpu.memory_space<hbm>> -> memref<25x80xi32, #tpu.memory_space<hbm>>
      %dma_wait3A_205 = arith.constant 0 : i32
      %dma_wait3A_206 = arith.constant 0 : i32
      %dma_wait3A_207 = tpu.memref_slice %arg3[%add3A, %run_scoped3A_67, %dma_wait3A_205, %dma_wait3A_206] : memref<32x5x25x80xi32, #tpu.memory_space<hbm>> -> memref<1x1x25x80xi32, #tpu.memory_space<hbm>>
      %dma_wait3A_208 = tpu.memref_squeeze %dma_wait3A_207 : memref<1x1x25x80xi32, #tpu.memory_space<hbm>> -> memref<25x80xi32, #tpu.memory_space<hbm>>
      tpu.wait_dma2 semaphore(%run_scoped3A_192 : memref<!tpu.dma_semaphore, #tpu.memory_space<semaphore_mem>>) src(%dma_wait3A_208 : memref<25x80xi32, #tpu.memory_space<hbm>>) dst(%arg6 : memref<25x80xi32, #tpu.memory_space<vmem>>)
      tpu.yield
    }) : () -> ()
    %run_scoped3A_68 = arith.constant 1 : i32
    "tpu.region"() ({
      %run_scoped3A_192 = tpu.sem_alloc : memref<!tpu.dma_semaphore, #tpu.memory_space<semaphore_mem>>
      %dma_start3A_193 = arith.constant 0 : i32
      %dma_start3A_194 = arith.constant 0 : i32
      %dma_start3A_195 = tpu.memref_slice %arg4[%add3A, %run_scoped3A_68, %dma_start3A_193, %dma_start3A_194] : memref<32x5x25x80xi32, #tpu.memory_space<hbm>> -> memref<1x1x25x80xi32, #tpu.memory_space<hbm>>
      %dma_start3A_196 = tpu.memref_squeeze %dma_start3A_195 : memref<1x1x25x80xi32, #tpu.memory_space<hbm>> -> memref<25x80xi32, #tpu.memory_space<hbm>>
      %dma_start3A_197 = arith.constant 0 : i32
      %dma_start3A_198 = arith.constant 0 : i32
      %dma_start3A_199 = tpu.memref_slice %arg4[%add3A, %run_scoped3A_68, %dma_start3A_197, %dma_start3A_198] : memref<32x5x25x80xi32, #tpu.memory_space<hbm>> -> memref<1x1x25x80xi32, #tpu.memory_space<hbm>>
      %dma_start3A_200 = tpu.memref_squeeze %dma_start3A_199 : memref<1x1x25x80xi32, #tpu.memory_space<hbm>> -> memref<25x80xi32, #tpu.memory_space<hbm>>
      tpu.enqueue_dma source(%dma_start3A_200 : memref<25x80xi32, #tpu.memory_space<hbm>>) target(%arg7 : memref<25x80xi32, #tpu.memory_space<vmem>>) target_semaphore(%run_scoped3A_192 : memref<!tpu.dma_semaphore, #tpu.memory_space<semaphore_mem>>)
      %dma_wait3A_201 = arith.constant 0 : i32
      %dma_wait3A_202 = arith.constant 0 : i32
      %dma_wait3A_203 = tpu.memref_slice %arg4[%add3A, %run_scoped3A_68, %dma_wait3A_201, %dma_wait3A_202] : memref<32x5x25x80xi32, #tpu.memory_space<hbm>> -> memref<1x1x25x80xi32, #tpu.memory_space<hbm>>
      %dma_wait3A_204 = tpu.memref_squeeze %dma_wait3A_203 : memref<1x1x25x80xi32, #tpu.memory_space<hbm>> -> memref<25x80xi32, #tpu.memory_space<hbm>>
      %dma_wait3A_205 = arith.constant 0 : i32
      %dma_wait3A_206 = arith.constant 0 : i32
      %dma_wait3A_207 = tpu.memref_slice %arg4[%add3A, %run_scoped3A_68, %dma_wait3A_205, %dma_wait3A_206] : memref<32x5x25x80xi32, #tpu.memory_space<hbm>> -> memref<1x1x25x80xi32, #tpu.memory_space<hbm>>
      %dma_wait3A_208 = tpu.memref_squeeze %dma_wait3A_207 : memref<1x1x25x80xi32, #tpu.memory_space<hbm>> -> memref<25x80xi32, #tpu.memory_space<hbm>>
      tpu.wait_dma2 semaphore(%run_scoped3A_192 : memref<!tpu.dma_semaphore, #tpu.memory_space<semaphore_mem>>) src(%dma_wait3A_208 : memref<25x80xi32, #tpu.memory_space<hbm>>) dst(%arg7 : memref<25x80xi32, #tpu.memory_space<vmem>>)
      tpu.yield
    }) : () -> ()
    %dma_start3A_69 = arith.constant 0 : i32
    %dma_start3A_70 = arith.constant 0 : i32
    %dma_start3A_71 = tpu.memref_slice %arg7[%dma_start3A_69, %dma_start3A_70] : memref<25x80xi32, #tpu.memory_space<vmem>> -> memref<1x80xi32, #tpu.memory_space<vmem>>
    %dma_start3A_72 = tpu.memref_squeeze %dma_start3A_71 : memref<1x80xi32, #tpu.memory_space<vmem>> -> memref<80xi32, #tpu.memory_space<vmem>>
    %dma_start3A_73 = arith.constant 0 : i32
    %dma_start3A_74 = arith.constant 0 : i32
    %dma_start3A_75 = tpu.memref_slice %arg2[%dma_start3A_73, %dma_start3A_74] : memref<10000x128xf32, #tpu.memory_space<hbm>> -> memref<10000x128xf32, #tpu.memory_space<hbm>>
    tpu.enqueue_indirect_dma source(%dma_start3A_75 : memref<10000x128xf32, #tpu.memory_space<hbm>>) target(%arg8 : memref<80x128xf32, #tpu.memory_space<vmem>>) offsets(%dma_start3A_72 : memref<80xi32, #tpu.memory_space<vmem>>) semaphore(%arg12 : memref<!tpu.dma_semaphore, #tpu.memory_space<semaphore_mem>>)
    %dma_start3A_76 = arith.constant 1 : i32
    %dma_start3A_77 = arith.constant 0 : i32
    %dma_start3A_78 = tpu.memref_slice %arg7[%dma_start3A_76, %dma_start3A_77] : memref<25x80xi32, #tpu.memory_space<vmem>> -> memref<1x80xi32, #tpu.memory_space<vmem>>
    %dma_start3A_79 = tpu.memref_squeeze %dma_start3A_78 : memref<1x80xi32, #tpu.memory_space<vmem>> -> memref<80xi32, #tpu.memory_space<vmem>>
    %dma_start3A_80 = arith.constant 0 : i32
    %dma_start3A_81 = arith.constant 0 : i32
    %dma_start3A_82 = tpu.memref_slice %arg2[%dma_start3A_80, %dma_start3A_81] : memref<10000x128xf32, #tpu.memory_space<hbm>> -> memref<10000x128xf32, #tpu.memory_space<hbm>>
    tpu.enqueue_indirect_dma source(%dma_start3A_82 : memref<10000x128xf32, #tpu.memory_space<hbm>>) target(%arg9 : memref<80x128xf32, #tpu.memory_space<vmem>>) offsets(%dma_start3A_79 : memref<80xi32, #tpu.memory_space<vmem>>) semaphore(%arg13 : memref<!tpu.dma_semaphore, #tpu.memory_space<semaphore_mem>>)
    %scan3A_83 = arith.constant 0 : i32
    %scan3A_84 = arith.constant 0 : i32
    %scan3A_85 = arith.constant 25 : i32
    %scan3A_86 = arith.addi %scan3A_84, %scan3A_85 : i32
    %scan3A_87 = arith.constant 1 : i32
    %scan3A_88 = scf.for %scan3A_192 = %scan3A_84 to %scan3A_86 step %scan3A_87 iter_args(%scan3A_193 = %scan3A_83) -> (i32)  : i32 {
      %jit3A = arith.constant 3 : i32
      %eq3A = arith.constant 0 : i32
      %eq3A_194 = arith.cmpi eq, %jit3A, %eq3A : i32
      %jit3A_195 = arith.constant 1 : i32
      %select_n3A = arith.select %eq3A_194, %jit3A_195, %jit3A : i32
      %rem3A = arith.remsi %scan3A_192, %select_n3A : i32
      %ne3A = arith.constant 0 : i32
      %ne3A_196 = arith.cmpi ne, %rem3A, %ne3A : i32
      %lt3A = arith.constant 0 : i32
      %lt3A_197 = arith.cmpi slt, %rem3A, %lt3A : i32
      %lt3A_198 = arith.constant 0 : i32
      %lt3A_199 = arith.cmpi slt, %select_n3A, %lt3A_198 : i32
      %ne3A_200 = arith.xori %lt3A_197, %lt3A_199 : i1
      %and3A = arith.andi %ne3A_200, %ne3A_196 : i1
      %add3A_201 = arith.addi %rem3A, %select_n3A : i32
      %select_n3A_202 = arith.select %and3A, %add3A_201, %rem3A : i32
      %eq3A_203 = arith.constant 0 : i32
      %eq3A_204 = arith.cmpi eq, %select_n3A_202, %eq3A_203 : i32
      %convert_element_type3A = arith.extui %eq3A_204 : i1 to i32
      %cond3A = arith.constant 0 : i32
      %cond3A_205 = arith.cmpi ne, %convert_element_type3A, %cond3A : i32
      scf.if %cond3A_205 {
        %dma_wait3A_249 = arith.constant 0 : i32
        %dma_wait3A_250 = tpu.memref_slice %arg7[%scan3A_192, %dma_wait3A_249] : memref<25x80xi32, #tpu.memory_space<vmem>> -> memref<1x80xi32, #tpu.memory_space<vmem>>
        %dma_wait3A_251 = tpu.memref_squeeze %dma_wait3A_250 : memref<1x80xi32, #tpu.memory_space<vmem>> -> memref<80xi32, #tpu.memory_space<vmem>>
        %dma_wait3A_252 = arith.constant 0 : i32
        %dma_wait3A_253 = arith.constant 0 : i32
        %dma_wait3A_254 = tpu.memref_slice %arg2[%dma_wait3A_252, %dma_wait3A_253] : memref<10000x128xf32, #tpu.memory_space<hbm>> -> memref<10000x128xf32, #tpu.memory_space<hbm>>
        tpu.wait_indirect_dma semaphore(%arg12 : memref<!tpu.dma_semaphore, #tpu.memory_space<semaphore_mem>>) src(%dma_wait3A_254 : memref<10000x128xf32, #tpu.memory_space<hbm>>) dst(%arg8 : memref<80x128xf32, #tpu.memory_space<vmem>>)
        %dma_start3A_255 = arith.constant 0 : i32
        %dma_start3A_256 = tpu.memref_slice %arg6[%scan3A_192, %dma_start3A_255] : memref<25x80xi32, #tpu.memory_space<vmem>> -> memref<1x80xi32, #tpu.memory_space<vmem>>
        %dma_start3A_257 = tpu.memref_squeeze %dma_start3A_256 : memref<1x80xi32, #tpu.memory_space<vmem>> -> memref<80xi32, #tpu.memory_space<vmem>>
        %dma_start3A_258 = arith.constant 0 : i32
        %dma_start3A_259 = arith.constant 0 : i32
        %dma_start3A_260 = tpu.memref_slice %arg11[%dma_start3A_258, %dma_start3A_259] : memref<10240x128xf32, #tpu.memory_space<vmem_shared>> -> memref<10240x128xf32, #tpu.memory_space<vmem_shared>>
        tpu.enqueue_indirect_dma source(%arg8 : memref<80x128xf32, #tpu.memory_space<vmem>>) target(%dma_start3A_260 : memref<10240x128xf32, #tpu.memory_space<vmem_shared>>) offsets(%dma_start3A_257 : memref<80xi32, #tpu.memory_space<vmem>>) semaphore(%arg15 : memref<!tpu.dma_semaphore, #tpu.memory_space<semaphore_mem>>) {add = true}
        %ge3A = arith.constant 1 : i32
        %ge3A_261 = arith.cmpi sge, %scan3A_192, %ge3A : i32
        %convert_element_type3A_262 = arith.extui %ge3A_261 : i1 to i32
        %cond3A_263 = arith.constant 0 : i32
        %cond3A_264 = arith.cmpi ne, %convert_element_type3A_262, %cond3A_263 : i32
        scf.if %cond3A_264 {
          %dma_wait3A_272 = arith.constant 0 : i32
          %dma_wait3A_273 = tpu.memref_slice %arg6[%scan3A_192, %dma_wait3A_272] : memref<25x80xi32, #tpu.memory_space<vmem>> -> memref<1x80xi32, #tpu.memory_space<vmem>>
          %dma_wait3A_274 = tpu.memref_squeeze %dma_wait3A_273 : memref<1x80xi32, #tpu.memory_space<vmem>> -> memref<80xi32, #tpu.memory_space<vmem>>
          %dma_wait3A_275 = arith.constant 0 : i32
          %dma_wait3A_276 = arith.constant 0 : i32
          %dma_wait3A_277 = tpu.memref_slice %arg11[%dma_wait3A_275, %dma_wait3A_276] : memref<10240x128xf32, #tpu.memory_space<vmem_shared>> -> memref<10240x128xf32, #tpu.memory_space<vmem_shared>>
          tpu.wait_indirect_dma semaphore(%arg17 : memref<!tpu.dma_semaphore, #tpu.memory_space<semaphore_mem>>) src(%arg10 : memref<80x128xf32, #tpu.memory_space<vmem>>) dst(%dma_wait3A_277 : memref<10240x128xf32, #tpu.memory_space<vmem_shared>>)
        } else {
        }
        %add3A_265 = arith.constant 2 : i32
        %add3A_266 = arith.addi %scan3A_192, %add3A_265 : i32
        %lt3A_267 = arith.constant 25 : i32
        %lt3A_268 = arith.cmpi slt, %add3A_266, %lt3A_267 : i32
        %convert_element_type3A_269 = arith.extui %lt3A_268 : i1 to i32
        %cond3A_270 = arith.constant 0 : i32
        %cond3A_271 = arith.cmpi ne, %convert_element_type3A_269, %cond3A_270 : i32
        scf.if %cond3A_271 {
          %add3A_272 = arith.constant 2 : i32
          %add3A_273 = arith.addi %scan3A_192, %add3A_272 : i32
          %dma_start3A_274 = arith.constant 0 : i32
          %dma_start3A_275 = tpu.memref_slice %arg7[%add3A_273, %dma_start3A_274] : memref<25x80xi32, #tpu.memory_space<vmem>> -> memref<1x80xi32, #tpu.memory_space<vmem>>
          %dma_start3A_276 = tpu.memref_squeeze %dma_start3A_275 : memref<1x80xi32, #tpu.memory_space<vmem>> -> memref<80xi32, #tpu.memory_space<vmem>>
          %dma_start3A_277 = arith.constant 0 : i32
          %dma_start3A_278 = arith.constant 0 : i32
          %dma_start3A_279 = tpu.memref_slice %arg2[%dma_start3A_277, %dma_start3A_278] : memref<10000x128xf32, #tpu.memory_space<hbm>> -> memref<10000x128xf32, #tpu.memory_space<hbm>>
          tpu.enqueue_indirect_dma source(%dma_start3A_279 : memref<10000x128xf32, #tpu.memory_space<hbm>>) target(%arg10 : memref<80x128xf32, #tpu.memory_space<vmem>>) offsets(%dma_start3A_276 : memref<80xi32, #tpu.memory_space<vmem>>) semaphore(%arg14 : memref<!tpu.dma_semaphore, #tpu.memory_space<semaphore_mem>>)
        } else {
        }
      } else {
      }
      %jit3A_206 = arith.constant 3 : i32
      %eq3A_207 = arith.constant 0 : i32
      %eq3A_208 = arith.cmpi eq, %jit3A_206, %eq3A_207 : i32
      %jit3A_209 = arith.constant 1 : i32
      %select_n3A_210 = arith.select %eq3A_208, %jit3A_209, %jit3A_206 : i32
      %rem3A_211 = arith.remsi %scan3A_192, %select_n3A_210 : i32
      %ne3A_212 = arith.constant 0 : i32
      %ne3A_213 = arith.cmpi ne, %rem3A_211, %ne3A_212 : i32
      %lt3A_214 = arith.constant 0 : i32
      %lt3A_215 = arith.cmpi slt, %rem3A_211, %lt3A_214 : i32
      %lt3A_216 = arith.constant 0 : i32
      %lt3A_217 = arith.cmpi slt, %select_n3A_210, %lt3A_216 : i32
      %ne3A_218 = arith.xori %lt3A_215, %lt3A_217 : i1
      %and3A_219 = arith.andi %ne3A_218, %ne3A_213 : i1
      %add3A_220 = arith.addi %rem3A_211, %select_n3A_210 : i32
      %select_n3A_221 = arith.select %and3A_219, %add3A_220, %rem3A_211 : i32
      %eq3A_222 = arith.constant 1 : i32
      %eq3A_223 = arith.cmpi eq, %select_n3A_221, %eq3A_222 : i32
      %convert_element_type3A_224 = arith.extui %eq3A_223 : i1 to i32
      %cond3A_225 = arith.constant 0 : i32
      %cond3A_226 = arith.cmpi ne, %convert_element_type3A_224, %cond3A_225 : i32
      scf.if %cond3A_226 {
        %dma_wait3A_249 = arith.constant 0 : i32
        %dma_wait3A_250 = tpu.memref_slice %arg7[%scan3A_192, %dma_wait3A_249] : memref<25x80xi32, #tpu.memory_space<vmem>> -> memref<1x80xi32, #tpu.memory_space<vmem>>
        %dma_wait3A_251 = tpu.memref_squeeze %dma_wait3A_250 : memref<1x80xi32, #tpu.memory_space<vmem>> -> memref<80xi32, #tpu.memory_space<vmem>>
        %dma_wait3A_252 = arith.constant 0 : i32
        %dma_wait3A_253 = arith.constant 0 : i32
        %dma_wait3A_254 = tpu.memref_slice %arg2[%dma_wait3A_252, %dma_wait3A_253] : memref<10000x128xf32, #tpu.memory_space<hbm>> -> memref<10000x128xf32, #tpu.memory_space<hbm>>
        tpu.wait_indirect_dma semaphore(%arg13 : memref<!tpu.dma_semaphore, #tpu.memory_space<semaphore_mem>>) src(%dma_wait3A_254 : memref<10000x128xf32, #tpu.memory_space<hbm>>) dst(%arg9 : memref<80x128xf32, #tpu.memory_space<vmem>>)
        %dma_start3A_255 = arith.constant 0 : i32
        %dma_start3A_256 = tpu.memref_slice %arg6[%scan3A_192, %dma_start3A_255] : memref<25x80xi32, #tpu.memory_space<vmem>> -> memref<1x80xi32, #tpu.memory_space<vmem>>
        %dma_start3A_257 = tpu.memref_squeeze %dma_start3A_256 : memref<1x80xi32, #tpu.memory_space<vmem>> -> memref<80xi32, #tpu.memory_space<vmem>>
        %dma_start3A_258 = arith.constant 0 : i32
        %dma_start3A_259 = arith.constant 0 : i32
        %dma_start3A_260 = tpu.memref_slice %arg11[%dma_start3A_258, %dma_start3A_259] : memref<10240x128xf32, #tpu.memory_space<vmem_shared>> -> memref<10240x128xf32, #tpu.memory_space<vmem_shared>>
        tpu.enqueue_indirect_dma source(%arg9 : memref<80x128xf32, #tpu.memory_space<vmem>>) target(%dma_start3A_260 : memref<10240x128xf32, #tpu.memory_space<vmem_shared>>) offsets(%dma_start3A_257 : memref<80xi32, #tpu.memory_space<vmem>>) semaphore(%arg16 : memref<!tpu.dma_semaphore, #tpu.memory_space<semaphore_mem>>) {add = true}
        %ge3A = arith.constant 1 : i32
        %ge3A_261 = arith.cmpi sge, %scan3A_192, %ge3A : i32
        %convert_element_type3A_262 = arith.extui %ge3A_261 : i1 to i32
        %cond3A_263 = arith.constant 0 : i32
        %cond3A_264 = arith.cmpi ne, %convert_element_type3A_262, %cond3A_263 : i32
        scf.if %cond3A_264 {
          %dma_wait3A_272 = arith.constant 0 : i32
          %dma_wait3A_273 = tpu.memref_slice %arg6[%scan3A_192, %dma_wait3A_272] : memref<25x80xi32, #tpu.memory_space<vmem>> -> memref<1x80xi32, #tpu.memory_space<vmem>>
          %dma_wait3A_274 = tpu.memref_squeeze %dma_wait3A_273 : memref<1x80xi32, #tpu.memory_space<vmem>> -> memref<80xi32, #tpu.memory_space<vmem>>
          %dma_wait3A_275 = arith.constant 0 : i32
          %dma_wait3A_276 = arith.constant 0 : i32
          %dma_wait3A_277 = tpu.memref_slice %arg11[%dma_wait3A_275, %dma_wait3A_276] : memref<10240x128xf32, #tpu.memory_space<vmem_shared>> -> memref<10240x128xf32, #tpu.memory_space<vmem_shared>>
          tpu.wait_indirect_dma semaphore(%arg15 : memref<!tpu.dma_semaphore, #tpu.memory_space<semaphore_mem>>) src(%arg8 : memref<80x128xf32, #tpu.memory_space<vmem>>) dst(%dma_wait3A_277 : memref<10240x128xf32, #tpu.memory_space<vmem_shared>>)
        } else {
        }
        %add3A_265 = arith.constant 2 : i32
        %add3A_266 = arith.addi %scan3A_192, %add3A_265 : i32
        %lt3A_267 = arith.constant 25 : i32
        %lt3A_268 = arith.cmpi slt, %add3A_266, %lt3A_267 : i32
        %convert_element_type3A_269 = arith.extui %lt3A_268 : i1 to i32
        %cond3A_270 = arith.constant 0 : i32
        %cond3A_271 = arith.cmpi ne, %convert_element_type3A_269, %cond3A_270 : i32
        scf.if %cond3A_271 {
          %add3A_272 = arith.constant 2 : i32
          %add3A_273 = arith.addi %scan3A_192, %add3A_272 : i32
          %dma_start3A_274 = arith.constant 0 : i32
          %dma_start3A_275 = tpu.memref_slice %arg7[%add3A_273, %dma_start3A_274] : memref<25x80xi32, #tpu.memory_space<vmem>> -> memref<1x80xi32, #tpu.memory_space<vmem>>
          %dma_start3A_276 = tpu.memref_squeeze %dma_start3A_275 : memref<1x80xi32, #tpu.memory_space<vmem>> -> memref<80xi32, #tpu.memory_space<vmem>>
          %dma_start3A_277 = arith.constant 0 : i32
          %dma_start3A_278 = arith.constant 0 : i32
          %dma_start3A_279 = tpu.memref_slice %arg2[%dma_start3A_277, %dma_start3A_278] : memref<10000x128xf32, #tpu.memory_space<hbm>> -> memref<10000x128xf32, #tpu.memory_space<hbm>>
          tpu.enqueue_indirect_dma source(%dma_start3A_279 : memref<10000x128xf32, #tpu.memory_space<hbm>>) target(%arg8 : memref<80x128xf32, #tpu.memory_space<vmem>>) offsets(%dma_start3A_276 : memref<80xi32, #tpu.memory_space<vmem>>) semaphore(%arg12 : memref<!tpu.dma_semaphore, #tpu.memory_space<semaphore_mem>>)
        } else {
        }
      } else {
      }
      %jit3A_227 = arith.constant 3 : i32
      %eq3A_228 = arith.constant 0 : i32
      %eq3A_229 = arith.cmpi eq, %jit3A_227, %eq3A_228 : i32
      %jit3A_230 = arith.constant 1 : i32
      %select_n3A_231 = arith.select %eq3A_229, %jit3A_230, %jit3A_227 : i32
      %rem3A_232 = arith.remsi %scan3A_192, %select_n3A_231 : i32
      %ne3A_233 = arith.constant 0 : i32
      %ne3A_234 = arith.cmpi ne, %rem3A_232, %ne3A_233 : i32
      %lt3A_235 = arith.constant 0 : i32
      %lt3A_236 = arith.cmpi slt, %rem3A_232, %lt3A_235 : i32
      %lt3A_237 = arith.constant 0 : i32
      %lt3A_238 = arith.cmpi slt, %select_n3A_231, %lt3A_237 : i32
      %ne3A_239 = arith.xori %lt3A_236, %lt3A_238 : i1
      %and3A_240 = arith.andi %ne3A_239, %ne3A_234 : i1
      %add3A_241 = arith.addi %rem3A_232, %select_n3A_231 : i32
      %select_n3A_242 = arith.select %and3A_240, %add3A_241, %rem3A_232 : i32
      %eq3A_243 = arith.constant 2 : i32
      %eq3A_244 = arith.cmpi eq, %select_n3A_242, %eq3A_243 : i32
      %convert_element_type3A_245 = arith.extui %eq3A_244 : i1 to i32
      %cond3A_246 = arith.constant 0 : i32
      %cond3A_247 = arith.cmpi ne, %convert_element_type3A_245, %cond3A_246 : i32
      scf.if %cond3A_247 {
        %dma_wait3A_249 = arith.constant 0 : i32
        %dma_wait3A_250 = tpu.memref_slice %arg7[%scan3A_192, %dma_wait3A_249] : memref<25x80xi32, #tpu.memory_space<vmem>> -> memref<1x80xi32, #tpu.memory_space<vmem>>
        %dma_wait3A_251 = tpu.memref_squeeze %dma_wait3A_250 : memref<1x80xi32, #tpu.memory_space<vmem>> -> memref<80xi32, #tpu.memory_space<vmem>>
        %dma_wait3A_252 = arith.constant 0 : i32
        %dma_wait3A_253 = arith.constant 0 : i32
        %dma_wait3A_254 = tpu.memref_slice %arg2[%dma_wait3A_252, %dma_wait3A_253] : memref<10000x128xf32, #tpu.memory_space<hbm>> -> memref<10000x128xf32, #tpu.memory_space<hbm>>
        tpu.wait_indirect_dma semaphore(%arg14 : memref<!tpu.dma_semaphore, #tpu.memory_space<semaphore_mem>>) src(%dma_wait3A_254 : memref<10000x128xf32, #tpu.memory_space<hbm>>) dst(%arg10 : memref<80x128xf32, #tpu.memory_space<vmem>>)
        %dma_start3A_255 = arith.constant 0 : i32
        %dma_start3A_256 = tpu.memref_slice %arg6[%scan3A_192, %dma_start3A_255] : memref<25x80xi32, #tpu.memory_space<vmem>> -> memref<1x80xi32, #tpu.memory_space<vmem>>
        %dma_start3A_257 = tpu.memref_squeeze %dma_start3A_256 : memref<1x80xi32, #tpu.memory_space<vmem>> -> memref<80xi32, #tpu.memory_space<vmem>>
        %dma_start3A_258 = arith.constant 0 : i32
        %dma_start3A_259 = arith.constant 0 : i32
        %dma_start3A_260 = tpu.memref_slice %arg11[%dma_start3A_258, %dma_start3A_259] : memref<10240x128xf32, #tpu.memory_space<vmem_shared>> -> memref<10240x128xf32, #tpu.memory_space<vmem_shared>>
        tpu.enqueue_indirect_dma source(%arg10 : memref<80x128xf32, #tpu.memory_space<vmem>>) target(%dma_start3A_260 : memref<10240x128xf32, #tpu.memory_space<vmem_shared>>) offsets(%dma_start3A_257 : memref<80xi32, #tpu.memory_space<vmem>>) semaphore(%arg17 : memref<!tpu.dma_semaphore, #tpu.memory_space<semaphore_mem>>) {add = true}
        %ge3A = arith.constant 1 : i32
        %ge3A_261 = arith.cmpi sge, %scan3A_192, %ge3A : i32
        %convert_element_type3A_262 = arith.extui %ge3A_261 : i1 to i32
        %cond3A_263 = arith.constant 0 : i32
        %cond3A_264 = arith.cmpi ne, %convert_element_type3A_262, %cond3A_263 : i32
        scf.if %cond3A_264 {
          %dma_wait3A_272 = arith.constant 0 : i32
          %dma_wait3A_273 = tpu.memref_slice %arg6[%scan3A_192, %dma_wait3A_272] : memref<25x80xi32, #tpu.memory_space<vmem>> -> memref<1x80xi32, #tpu.memory_space<vmem>>
          %dma_wait3A_274 = tpu.memref_squeeze %dma_wait3A_273 : memref<1x80xi32, #tpu.memory_space<vmem>> -> memref<80xi32, #tpu.memory_space<vmem>>
          %dma_wait3A_275 = arith.constant 0 : i32
          %dma_wait3A_276 = arith.constant 0 : i32
          %dma_wait3A_277 = tpu.memref_slice %arg11[%dma_wait3A_275, %dma_wait3A_276] : memref<10240x128xf32, #tpu.memory_space<vmem_shared>> -> memref<10240x128xf32, #tpu.memory_space<vmem_shared>>
          tpu.wait_indirect_dma semaphore(%arg16 : memref<!tpu.dma_semaphore, #tpu.memory_space<semaphore_mem>>) src(%arg9 : memref<80x128xf32, #tpu.memory_space<vmem>>) dst(%dma_wait3A_277 : memref<10240x128xf32, #tpu.memory_space<vmem_shared>>)
        } else {
        }
        %add3A_265 = arith.constant 2 : i32
        %add3A_266 = arith.addi %scan3A_192, %add3A_265 : i32
        %lt3A_267 = arith.constant 25 : i32
        %lt3A_268 = arith.cmpi slt, %add3A_266, %lt3A_267 : i32
        %convert_element_type3A_269 = arith.extui %lt3A_268 : i1 to i32
        %cond3A_270 = arith.constant 0 : i32
        %cond3A_271 = arith.cmpi ne, %convert_element_type3A_269, %cond3A_270 : i32
        scf.if %cond3A_271 {
          %add3A_272 = arith.constant 2 : i32
          %add3A_273 = arith.addi %scan3A_192, %add3A_272 : i32
          %dma_start3A_274 = arith.constant 0 : i32
          %dma_start3A_275 = tpu.memref_slice %arg7[%add3A_273, %dma_start3A_274] : memref<25x80xi32, #tpu.memory_space<vmem>> -> memref<1x80xi32, #tpu.memory_space<vmem>>
          %dma_start3A_276 = tpu.memref_squeeze %dma_start3A_275 : memref<1x80xi32, #tpu.memory_space<vmem>> -> memref<80xi32, #tpu.memory_space<vmem>>
          %dma_start3A_277 = arith.constant 0 : i32
          %dma_start3A_278 = arith.constant 0 : i32
          %dma_start3A_279 = tpu.memref_slice %arg2[%dma_start3A_277, %dma_start3A_278] : memref<10000x128xf32, #tpu.memory_space<hbm>> -> memref<10000x128xf32, #tpu.memory_space<hbm>>
          tpu.enqueue_indirect_dma source(%dma_start3A_279 : memref<10000x128xf32, #tpu.memory_space<hbm>>) target(%arg9 : memref<80x128xf32, #tpu.memory_space<vmem>>) offsets(%dma_start3A_276 : memref<80xi32, #tpu.memory_space<vmem>>) semaphore(%arg13 : memref<!tpu.dma_semaphore, #tpu.memory_space<semaphore_mem>>)
        } else {
        }
      } else {
      }
      %scan3A_248 = arith.constant 0 : i32
      scf.yield %scan3A_248 : i32
    }
    %scan3A_89 = arith.constant 25 : i32
    %dma_wait3A_90 = arith.constant 0 : i32
    %dma_wait3A_91 = arith.constant 0 : i32
    %dma_wait3A_92 = tpu.memref_slice %arg6[%dma_wait3A_90, %dma_wait3A_91] : memref<25x80xi32, #tpu.memory_space<vmem>> -> memref<1x80xi32, #tpu.memory_space<vmem>>
    %dma_wait3A_93 = tpu.memref_squeeze %dma_wait3A_92 : memref<1x80xi32, #tpu.memory_space<vmem>> -> memref<80xi32, #tpu.memory_space<vmem>>
    %dma_wait3A_94 = arith.constant 0 : i32
    %dma_wait3A_95 = arith.constant 0 : i32
    %dma_wait3A_96 = tpu.memref_slice %arg11[%dma_wait3A_94, %dma_wait3A_95] : memref<10240x128xf32, #tpu.memory_space<vmem_shared>> -> memref<10240x128xf32, #tpu.memory_space<vmem_shared>>
    tpu.wait_indirect_dma semaphore(%arg15 : memref<!tpu.dma_semaphore, #tpu.memory_space<semaphore_mem>>) src(%arg8 : memref<80x128xf32, #tpu.memory_space<vmem>>) dst(%dma_wait3A_96 : memref<10240x128xf32, #tpu.memory_space<vmem_shared>>)
    %run_scoped3A_97 = arith.constant 2 : i32
    "tpu.region"() ({
      %run_scoped3A_192 = tpu.sem_alloc : memref<!tpu.dma_semaphore, #tpu.memory_space<semaphore_mem>>
      %dma_start3A_193 = arith.constant 0 : i32
      %dma_start3A_194 = arith.constant 0 : i32
      %dma_start3A_195 = tpu.memref_slice %arg3[%add3A, %run_scoped3A_97, %dma_start3A_193, %dma_start3A_194] : memref<32x5x25x80xi32, #tpu.memory_space<hbm>> -> memref<1x1x25x80xi32, #tpu.memory_space<hbm>>
      %dma_start3A_196 = tpu.memref_squeeze %dma_start3A_195 : memref<1x1x25x80xi32, #tpu.memory_space<hbm>> -> memref<25x80xi32, #tpu.memory_space<hbm>>
      %dma_start3A_197 = arith.constant 0 : i32
      %dma_start3A_198 = arith.constant 0 : i32
      %dma_start3A_199 = tpu.memref_slice %arg3[%add3A, %run_scoped3A_97, %dma_start3A_197, %dma_start3A_198] : memref<32x5x25x80xi32, #tpu.memory_space<hbm>> -> memref<1x1x25x80xi32, #tpu.memory_space<hbm>>
      %dma_start3A_200 = tpu.memref_squeeze %dma_start3A_199 : memref<1x1x25x80xi32, #tpu.memory_space<hbm>> -> memref<25x80xi32, #tpu.memory_space<hbm>>
      tpu.enqueue_dma source(%dma_start3A_200 : memref<25x80xi32, #tpu.memory_space<hbm>>) target(%arg6 : memref<25x80xi32, #tpu.memory_space<vmem>>) target_semaphore(%run_scoped3A_192 : memref<!tpu.dma_semaphore, #tpu.memory_space<semaphore_mem>>)
      %dma_wait3A_201 = arith.constant 0 : i32
      %dma_wait3A_202 = arith.constant 0 : i32
      %dma_wait3A_203 = tpu.memref_slice %arg3[%add3A, %run_scoped3A_97, %dma_wait3A_201, %dma_wait3A_202] : memref<32x5x25x80xi32, #tpu.memory_space<hbm>> -> memref<1x1x25x80xi32, #tpu.memory_space<hbm>>
      %dma_wait3A_204 = tpu.memref_squeeze %dma_wait3A_203 : memref<1x1x25x80xi32, #tpu.memory_space<hbm>> -> memref<25x80xi32, #tpu.memory_space<hbm>>
      %dma_wait3A_205 = arith.constant 0 : i32
      %dma_wait3A_206 = arith.constant 0 : i32
      %dma_wait3A_207 = tpu.memref_slice %arg3[%add3A, %run_scoped3A_97, %dma_wait3A_205, %dma_wait3A_206] : memref<32x5x25x80xi32, #tpu.memory_space<hbm>> -> memref<1x1x25x80xi32, #tpu.memory_space<hbm>>
      %dma_wait3A_208 = tpu.memref_squeeze %dma_wait3A_207 : memref<1x1x25x80xi32, #tpu.memory_space<hbm>> -> memref<25x80xi32, #tpu.memory_space<hbm>>
      tpu.wait_dma2 semaphore(%run_scoped3A_192 : memref<!tpu.dma_semaphore, #tpu.memory_space<semaphore_mem>>) src(%dma_wait3A_208 : memref<25x80xi32, #tpu.memory_space<hbm>>) dst(%arg6 : memref<25x80xi32, #tpu.memory_space<vmem>>)
      tpu.yield
    }) : () -> ()
    %run_scoped3A_98 = arith.constant 2 : i32
    "tpu.region"() ({
      %run_scoped3A_192 = tpu.sem_alloc : memref<!tpu.dma_semaphore, #tpu.memory_space<semaphore_mem>>
      %dma_start3A_193 = arith.constant 0 : i32
      %dma_start3A_194 = arith.constant 0 : i32
      %dma_start3A_195 = tpu.memref_slice %arg4[%add3A, %run_scoped3A_98, %dma_start3A_193, %dma_start3A_194] : memref<32x5x25x80xi32, #tpu.memory_space<hbm>> -> memref<1x1x25x80xi32, #tpu.memory_space<hbm>>
      %dma_start3A_196 = tpu.memref_squeeze %dma_start3A_195 : memref<1x1x25x80xi32, #tpu.memory_space<hbm>> -> memref<25x80xi32, #tpu.memory_space<hbm>>
      %dma_start3A_197 = arith.constant 0 : i32
      %dma_start3A_198 = arith.constant 0 : i32
      %dma_start3A_199 = tpu.memref_slice %arg4[%add3A, %run_scoped3A_98, %dma_start3A_197, %dma_start3A_198] : memref<32x5x25x80xi32, #tpu.memory_space<hbm>> -> memref<1x1x25x80xi32, #tpu.memory_space<hbm>>
      %dma_start3A_200 = tpu.memref_squeeze %dma_start3A_199 : memref<1x1x25x80xi32, #tpu.memory_space<hbm>> -> memref<25x80xi32, #tpu.memory_space<hbm>>
      tpu.enqueue_dma source(%dma_start3A_200 : memref<25x80xi32, #tpu.memory_space<hbm>>) target(%arg7 : memref<25x80xi32, #tpu.memory_space<vmem>>) target_semaphore(%run_scoped3A_192 : memref<!tpu.dma_semaphore, #tpu.memory_space<semaphore_mem>>)
      %dma_wait3A_201 = arith.constant 0 : i32
      %dma_wait3A_202 = arith.constant 0 : i32
      %dma_wait3A_203 = tpu.memref_slice %arg4[%add3A, %run_scoped3A_98, %dma_wait3A_201, %dma_wait3A_202] : memref<32x5x25x80xi32, #tpu.memory_space<hbm>> -> memref<1x1x25x80xi32, #tpu.memory_space<hbm>>
      %dma_wait3A_204 = tpu.memref_squeeze %dma_wait3A_203 : memref<1x1x25x80xi32, #tpu.memory_space<hbm>> -> memref<25x80xi32, #tpu.memory_space<hbm>>
      %dma_wait3A_205 = arith.constant 0 : i32
      %dma_wait3A_206 = arith.constant 0 : i32
      %dma_wait3A_207 = tpu.memref_slice %arg4[%add3A, %run_scoped3A_98, %dma_wait3A_205, %dma_wait3A_206] : memref<32x5x25x80xi32, #tpu.memory_space<hbm>> -> memref<1x1x25x80xi32, #tpu.memory_space<hbm>>
      %dma_wait3A_208 = tpu.memref_squeeze %dma_wait3A_207 : memref<1x1x25x80xi32, #tpu.memory_space<hbm>> -> memref<25x80xi32, #tpu.memory_space<hbm>>
      tpu.wait_dma2 semaphore(%run_scoped3A_192 : memref<!tpu.dma_semaphore, #tpu.memory_space<semaphore_mem>>) src(%dma_wait3A_208 : memref<25x80xi32, #tpu.memory_space<hbm>>) dst(%arg7 : memref<25x80xi32, #tpu.memory_space<vmem>>)
      tpu.yield
    }) : () -> ()
    %dma_start3A_99 = arith.constant 0 : i32
    %dma_start3A_100 = arith.constant 0 : i32
    %dma_start3A_101 = tpu.memref_slice %arg7[%dma_start3A_99, %dma_start3A_100] : memref<25x80xi32, #tpu.memory_space<vmem>> -> memref<1x80xi32, #tpu.memory_space<vmem>>
    %dma_start3A_102 = tpu.memref_squeeze %dma_start3A_101 : memref<1x80xi32, #tpu.memory_space<vmem>> -> memref<80xi32, #tpu.memory_space<vmem>>
    %dma_start3A_103 = arith.constant 0 : i32
    %dma_start3A_104 = arith.constant 0 : i32
    %dma_start3A_105 = tpu.memref_slice %arg2[%dma_start3A_103, %dma_start3A_104] : memref<10000x128xf32, #tpu.memory_space<hbm>> -> memref<10000x128xf32, #tpu.memory_space<hbm>>
    tpu.enqueue_indirect_dma source(%dma_start3A_105 : memref<10000x128xf32, #tpu.memory_space<hbm>>) target(%arg8 : memref<80x128xf32, #tpu.memory_space<vmem>>) offsets(%dma_start3A_102 : memref<80xi32, #tpu.memory_space<vmem>>) semaphore(%arg12 : memref<!tpu.dma_semaphore, #tpu.memory_space<semaphore_mem>>)
    %dma_start3A_106 = arith.constant 1 : i32
    %dma_start3A_107 = arith.constant 0 : i32
    %dma_start3A_108 = tpu.memref_slice %arg7[%dma_start3A_106, %dma_start3A_107] : memref<25x80xi32, #tpu.memory_space<vmem>> -> memref<1x80xi32, #tpu.memory_space<vmem>>
    %dma_start3A_109 = tpu.memref_squeeze %dma_start3A_108 : memref<1x80xi32, #tpu.memory_space<vmem>> -> memref<80xi32, #tpu.memory_space<vmem>>
    %dma_start3A_110 = arith.constant 0 : i32
    %dma_start3A_111 = arith.constant 0 : i32
    %dma_start3A_112 = tpu.memref_slice %arg2[%dma_start3A_110, %dma_start3A_111] : memref<10000x128xf32, #tpu.memory_space<hbm>> -> memref<10000x128xf32, #tpu.memory_space<hbm>>
    tpu.enqueue_indirect_dma source(%dma_start3A_112 : memref<10000x128xf32, #tpu.memory_space<hbm>>) target(%arg9 : memref<80x128xf32, #tpu.memory_space<vmem>>) offsets(%dma_start3A_109 : memref<80xi32, #tpu.memory_space<vmem>>) semaphore(%arg13 : memref<!tpu.dma_semaphore, #tpu.memory_space<semaphore_mem>>)
    %scan3A_113 = arith.constant 0 : i32
    %scan3A_114 = arith.constant 0 : i32
    %scan3A_115 = arith.constant 25 : i32
    %scan3A_116 = arith.addi %scan3A_114, %scan3A_115 : i32
    %scan3A_117 = arith.constant 1 : i32
    %scan3A_118 = scf.for %scan3A_192 = %scan3A_114 to %scan3A_116 step %scan3A_117 iter_args(%scan3A_193 = %scan3A_113) -> (i32)  : i32 {
      %jit3A = arith.constant 3 : i32
      %eq3A = arith.constant 0 : i32
      %eq3A_194 = arith.cmpi eq, %jit3A, %eq3A : i32
      %jit3A_195 = arith.constant 1 : i32
      %select_n3A = arith.select %eq3A_194, %jit3A_195, %jit3A : i32
      %rem3A = arith.remsi %scan3A_192, %select_n3A : i32
      %ne3A = arith.constant 0 : i32
      %ne3A_196 = arith.cmpi ne, %rem3A, %ne3A : i32
      %lt3A = arith.constant 0 : i32
      %lt3A_197 = arith.cmpi slt, %rem3A, %lt3A : i32
      %lt3A_198 = arith.constant 0 : i32
      %lt3A_199 = arith.cmpi slt, %select_n3A, %lt3A_198 : i32
      %ne3A_200 = arith.xori %lt3A_197, %lt3A_199 : i1
      %and3A = arith.andi %ne3A_200, %ne3A_196 : i1
      %add3A_201 = arith.addi %rem3A, %select_n3A : i32
      %select_n3A_202 = arith.select %and3A, %add3A_201, %rem3A : i32
      %eq3A_203 = arith.constant 0 : i32
      %eq3A_204 = arith.cmpi eq, %select_n3A_202, %eq3A_203 : i32
      %convert_element_type3A = arith.extui %eq3A_204 : i1 to i32
      %cond3A = arith.constant 0 : i32
      %cond3A_205 = arith.cmpi ne, %convert_element_type3A, %cond3A : i32
      scf.if %cond3A_205 {
        %dma_wait3A_249 = arith.constant 0 : i32
        %dma_wait3A_250 = tpu.memref_slice %arg7[%scan3A_192, %dma_wait3A_249] : memref<25x80xi32, #tpu.memory_space<vmem>> -> memref<1x80xi32, #tpu.memory_space<vmem>>
        %dma_wait3A_251 = tpu.memref_squeeze %dma_wait3A_250 : memref<1x80xi32, #tpu.memory_space<vmem>> -> memref<80xi32, #tpu.memory_space<vmem>>
        %dma_wait3A_252 = arith.constant 0 : i32
        %dma_wait3A_253 = arith.constant 0 : i32
        %dma_wait3A_254 = tpu.memref_slice %arg2[%dma_wait3A_252, %dma_wait3A_253] : memref<10000x128xf32, #tpu.memory_space<hbm>> -> memref<10000x128xf32, #tpu.memory_space<hbm>>
        tpu.wait_indirect_dma semaphore(%arg12 : memref<!tpu.dma_semaphore, #tpu.memory_space<semaphore_mem>>) src(%dma_wait3A_254 : memref<10000x128xf32, #tpu.memory_space<hbm>>) dst(%arg8 : memref<80x128xf32, #tpu.memory_space<vmem>>)
        %dma_start3A_255 = arith.constant 0 : i32
        %dma_start3A_256 = tpu.memref_slice %arg6[%scan3A_192, %dma_start3A_255] : memref<25x80xi32, #tpu.memory_space<vmem>> -> memref<1x80xi32, #tpu.memory_space<vmem>>
        %dma_start3A_257 = tpu.memref_squeeze %dma_start3A_256 : memref<1x80xi32, #tpu.memory_space<vmem>> -> memref<80xi32, #tpu.memory_space<vmem>>
        %dma_start3A_258 = arith.constant 0 : i32
        %dma_start3A_259 = arith.constant 0 : i32
        %dma_start3A_260 = tpu.memref_slice %arg11[%dma_start3A_258, %dma_start3A_259] : memref<10240x128xf32, #tpu.memory_space<vmem_shared>> -> memref<10240x128xf32, #tpu.memory_space<vmem_shared>>
        tpu.enqueue_indirect_dma source(%arg8 : memref<80x128xf32, #tpu.memory_space<vmem>>) target(%dma_start3A_260 : memref<10240x128xf32, #tpu.memory_space<vmem_shared>>) offsets(%dma_start3A_257 : memref<80xi32, #tpu.memory_space<vmem>>) semaphore(%arg15 : memref<!tpu.dma_semaphore, #tpu.memory_space<semaphore_mem>>) {add = true}
        %ge3A = arith.constant 1 : i32
        %ge3A_261 = arith.cmpi sge, %scan3A_192, %ge3A : i32
        %convert_element_type3A_262 = arith.extui %ge3A_261 : i1 to i32
        %cond3A_263 = arith.constant 0 : i32
        %cond3A_264 = arith.cmpi ne, %convert_element_type3A_262, %cond3A_263 : i32
        scf.if %cond3A_264 {
          %dma_wait3A_272 = arith.constant 0 : i32
          %dma_wait3A_273 = tpu.memref_slice %arg6[%scan3A_192, %dma_wait3A_272] : memref<25x80xi32, #tpu.memory_space<vmem>> -> memref<1x80xi32, #tpu.memory_space<vmem>>
          %dma_wait3A_274 = tpu.memref_squeeze %dma_wait3A_273 : memref<1x80xi32, #tpu.memory_space<vmem>> -> memref<80xi32, #tpu.memory_space<vmem>>
          %dma_wait3A_275 = arith.constant 0 : i32
          %dma_wait3A_276 = arith.constant 0 : i32
          %dma_wait3A_277 = tpu.memref_slice %arg11[%dma_wait3A_275, %dma_wait3A_276] : memref<10240x128xf32, #tpu.memory_space<vmem_shared>> -> memref<10240x128xf32, #tpu.memory_space<vmem_shared>>
          tpu.wait_indirect_dma semaphore(%arg17 : memref<!tpu.dma_semaphore, #tpu.memory_space<semaphore_mem>>) src(%arg10 : memref<80x128xf32, #tpu.memory_space<vmem>>) dst(%dma_wait3A_277 : memref<10240x128xf32, #tpu.memory_space<vmem_shared>>)
        } else {
        }
        %add3A_265 = arith.constant 2 : i32
        %add3A_266 = arith.addi %scan3A_192, %add3A_265 : i32
        %lt3A_267 = arith.constant 25 : i32
        %lt3A_268 = arith.cmpi slt, %add3A_266, %lt3A_267 : i32
        %convert_element_type3A_269 = arith.extui %lt3A_268 : i1 to i32
        %cond3A_270 = arith.constant 0 : i32
        %cond3A_271 = arith.cmpi ne, %convert_element_type3A_269, %cond3A_270 : i32
        scf.if %cond3A_271 {
          %add3A_272 = arith.constant 2 : i32
          %add3A_273 = arith.addi %scan3A_192, %add3A_272 : i32
          %dma_start3A_274 = arith.constant 0 : i32
          %dma_start3A_275 = tpu.memref_slice %arg7[%add3A_273, %dma_start3A_274] : memref<25x80xi32, #tpu.memory_space<vmem>> -> memref<1x80xi32, #tpu.memory_space<vmem>>
          %dma_start3A_276 = tpu.memref_squeeze %dma_start3A_275 : memref<1x80xi32, #tpu.memory_space<vmem>> -> memref<80xi32, #tpu.memory_space<vmem>>
          %dma_start3A_277 = arith.constant 0 : i32
          %dma_start3A_278 = arith.constant 0 : i32
          %dma_start3A_279 = tpu.memref_slice %arg2[%dma_start3A_277, %dma_start3A_278] : memref<10000x128xf32, #tpu.memory_space<hbm>> -> memref<10000x128xf32, #tpu.memory_space<hbm>>
          tpu.enqueue_indirect_dma source(%dma_start3A_279 : memref<10000x128xf32, #tpu.memory_space<hbm>>) target(%arg10 : memref<80x128xf32, #tpu.memory_space<vmem>>) offsets(%dma_start3A_276 : memref<80xi32, #tpu.memory_space<vmem>>) semaphore(%arg14 : memref<!tpu.dma_semaphore, #tpu.memory_space<semaphore_mem>>)
        } else {
        }
      } else {
      }
      %jit3A_206 = arith.constant 3 : i32
      %eq3A_207 = arith.constant 0 : i32
      %eq3A_208 = arith.cmpi eq, %jit3A_206, %eq3A_207 : i32
      %jit3A_209 = arith.constant 1 : i32
      %select_n3A_210 = arith.select %eq3A_208, %jit3A_209, %jit3A_206 : i32
      %rem3A_211 = arith.remsi %scan3A_192, %select_n3A_210 : i32
      %ne3A_212 = arith.constant 0 : i32
      %ne3A_213 = arith.cmpi ne, %rem3A_211, %ne3A_212 : i32
      %lt3A_214 = arith.constant 0 : i32
      %lt3A_215 = arith.cmpi slt, %rem3A_211, %lt3A_214 : i32
      %lt3A_216 = arith.constant 0 : i32
      %lt3A_217 = arith.cmpi slt, %select_n3A_210, %lt3A_216 : i32
      %ne3A_218 = arith.xori %lt3A_215, %lt3A_217 : i1
      %and3A_219 = arith.andi %ne3A_218, %ne3A_213 : i1
      %add3A_220 = arith.addi %rem3A_211, %select_n3A_210 : i32
      %select_n3A_221 = arith.select %and3A_219, %add3A_220, %rem3A_211 : i32
      %eq3A_222 = arith.constant 1 : i32
      %eq3A_223 = arith.cmpi eq, %select_n3A_221, %eq3A_222 : i32
      %convert_element_type3A_224 = arith.extui %eq3A_223 : i1 to i32
      %cond3A_225 = arith.constant 0 : i32
      %cond3A_226 = arith.cmpi ne, %convert_element_type3A_224, %cond3A_225 : i32
      scf.if %cond3A_226 {
        %dma_wait3A_249 = arith.constant 0 : i32
        %dma_wait3A_250 = tpu.memref_slice %arg7[%scan3A_192, %dma_wait3A_249] : memref<25x80xi32, #tpu.memory_space<vmem>> -> memref<1x80xi32, #tpu.memory_space<vmem>>
        %dma_wait3A_251 = tpu.memref_squeeze %dma_wait3A_250 : memref<1x80xi32, #tpu.memory_space<vmem>> -> memref<80xi32, #tpu.memory_space<vmem>>
        %dma_wait3A_252 = arith.constant 0 : i32
        %dma_wait3A_253 = arith.constant 0 : i32
        %dma_wait3A_254 = tpu.memref_slice %arg2[%dma_wait3A_252, %dma_wait3A_253] : memref<10000x128xf32, #tpu.memory_space<hbm>> -> memref<10000x128xf32, #tpu.memory_space<hbm>>
        tpu.wait_indirect_dma semaphore(%arg13 : memref<!tpu.dma_semaphore, #tpu.memory_space<semaphore_mem>>) src(%dma_wait3A_254 : memref<10000x128xf32, #tpu.memory_space<hbm>>) dst(%arg9 : memref<80x128xf32, #tpu.memory_space<vmem>>)
        %dma_start3A_255 = arith.constant 0 : i32
        %dma_start3A_256 = tpu.memref_slice %arg6[%scan3A_192, %dma_start3A_255] : memref<25x80xi32, #tpu.memory_space<vmem>> -> memref<1x80xi32, #tpu.memory_space<vmem>>
        %dma_start3A_257 = tpu.memref_squeeze %dma_start3A_256 : memref<1x80xi32, #tpu.memory_space<vmem>> -> memref<80xi32, #tpu.memory_space<vmem>>
        %dma_start3A_258 = arith.constant 0 : i32
        %dma_start3A_259 = arith.constant 0 : i32
        %dma_start3A_260 = tpu.memref_slice %arg11[%dma_start3A_258, %dma_start3A_259] : memref<10240x128xf32, #tpu.memory_space<vmem_shared>> -> memref<10240x128xf32, #tpu.memory_space<vmem_shared>>
        tpu.enqueue_indirect_dma source(%arg9 : memref<80x128xf32, #tpu.memory_space<vmem>>) target(%dma_start3A_260 : memref<10240x128xf32, #tpu.memory_space<vmem_shared>>) offsets(%dma_start3A_257 : memref<80xi32, #tpu.memory_space<vmem>>) semaphore(%arg16 : memref<!tpu.dma_semaphore, #tpu.memory_space<semaphore_mem>>) {add = true}
        %ge3A = arith.constant 1 : i32
        %ge3A_261 = arith.cmpi sge, %scan3A_192, %ge3A : i32
        %convert_element_type3A_262 = arith.extui %ge3A_261 : i1 to i32
        %cond3A_263 = arith.constant 0 : i32
        %cond3A_264 = arith.cmpi ne, %convert_element_type3A_262, %cond3A_263 : i32
        scf.if %cond3A_264 {
          %dma_wait3A_272 = arith.constant 0 : i32
          %dma_wait3A_273 = tpu.memref_slice %arg6[%scan3A_192, %dma_wait3A_272] : memref<25x80xi32, #tpu.memory_space<vmem>> -> memref<1x80xi32, #tpu.memory_space<vmem>>
          %dma_wait3A_274 = tpu.memref_squeeze %dma_wait3A_273 : memref<1x80xi32, #tpu.memory_space<vmem>> -> memref<80xi32, #tpu.memory_space<vmem>>
          %dma_wait3A_275 = arith.constant 0 : i32
          %dma_wait3A_276 = arith.constant 0 : i32
          %dma_wait3A_277 = tpu.memref_slice %arg11[%dma_wait3A_275, %dma_wait3A_276] : memref<10240x128xf32, #tpu.memory_space<vmem_shared>> -> memref<10240x128xf32, #tpu.memory_space<vmem_shared>>
          tpu.wait_indirect_dma semaphore(%arg15 : memref<!tpu.dma_semaphore, #tpu.memory_space<semaphore_mem>>) src(%arg8 : memref<80x128xf32, #tpu.memory_space<vmem>>) dst(%dma_wait3A_277 : memref<10240x128xf32, #tpu.memory_space<vmem_shared>>)
        } else {
        }
        %add3A_265 = arith.constant 2 : i32
        %add3A_266 = arith.addi %scan3A_192, %add3A_265 : i32
        %lt3A_267 = arith.constant 25 : i32
        %lt3A_268 = arith.cmpi slt, %add3A_266, %lt3A_267 : i32
        %convert_element_type3A_269 = arith.extui %lt3A_268 : i1 to i32
        %cond3A_270 = arith.constant 0 : i32
        %cond3A_271 = arith.cmpi ne, %convert_element_type3A_269, %cond3A_270 : i32
        scf.if %cond3A_271 {
          %add3A_272 = arith.constant 2 : i32
          %add3A_273 = arith.addi %scan3A_192, %add3A_272 : i32
          %dma_start3A_274 = arith.constant 0 : i32
          %dma_start3A_275 = tpu.memref_slice %arg7[%add3A_273, %dma_start3A_274] : memref<25x80xi32, #tpu.memory_space<vmem>> -> memref<1x80xi32, #tpu.memory_space<vmem>>
          %dma_start3A_276 = tpu.memref_squeeze %dma_start3A_275 : memref<1x80xi32, #tpu.memory_space<vmem>> -> memref<80xi32, #tpu.memory_space<vmem>>
          %dma_start3A_277 = arith.constant 0 : i32
          %dma_start3A_278 = arith.constant 0 : i32
          %dma_start3A_279 = tpu.memref_slice %arg2[%dma_start3A_277, %dma_start3A_278] : memref<10000x128xf32, #tpu.memory_space<hbm>> -> memref<10000x128xf32, #tpu.memory_space<hbm>>
          tpu.enqueue_indirect_dma source(%dma_start3A_279 : memref<10000x128xf32, #tpu.memory_space<hbm>>) target(%arg8 : memref<80x128xf32, #tpu.memory_space<vmem>>) offsets(%dma_start3A_276 : memref<80xi32, #tpu.memory_space<vmem>>) semaphore(%arg12 : memref<!tpu.dma_semaphore, #tpu.memory_space<semaphore_mem>>)
        } else {
        }
      } else {
      }
      %jit3A_227 = arith.constant 3 : i32
      %eq3A_228 = arith.constant 0 : i32
      %eq3A_229 = arith.cmpi eq, %jit3A_227, %eq3A_228 : i32
      %jit3A_230 = arith.constant 1 : i32
      %select_n3A_231 = arith.select %eq3A_229, %jit3A_230, %jit3A_227 : i32
      %rem3A_232 = arith.remsi %scan3A_192, %select_n3A_231 : i32
      %ne3A_233 = arith.constant 0 : i32
      %ne3A_234 = arith.cmpi ne, %rem3A_232, %ne3A_233 : i32
      %lt3A_235 = arith.constant 0 : i32
      %lt3A_236 = arith.cmpi slt, %rem3A_232, %lt3A_235 : i32
      %lt3A_237 = arith.constant 0 : i32
      %lt3A_238 = arith.cmpi slt, %select_n3A_231, %lt3A_237 : i32
      %ne3A_239 = arith.xori %lt3A_236, %lt3A_238 : i1
      %and3A_240 = arith.andi %ne3A_239, %ne3A_234 : i1
      %add3A_241 = arith.addi %rem3A_232, %select_n3A_231 : i32
      %select_n3A_242 = arith.select %and3A_240, %add3A_241, %rem3A_232 : i32
      %eq3A_243 = arith.constant 2 : i32
      %eq3A_244 = arith.cmpi eq, %select_n3A_242, %eq3A_243 : i32
      %convert_element_type3A_245 = arith.extui %eq3A_244 : i1 to i32
      %cond3A_246 = arith.constant 0 : i32
      %cond3A_247 = arith.cmpi ne, %convert_element_type3A_245, %cond3A_246 : i32
      scf.if %cond3A_247 {
        %dma_wait3A_249 = arith.constant 0 : i32
        %dma_wait3A_250 = tpu.memref_slice %arg7[%scan3A_192, %dma_wait3A_249] : memref<25x80xi32, #tpu.memory_space<vmem>> -> memref<1x80xi32, #tpu.memory_space<vmem>>
        %dma_wait3A_251 = tpu.memref_squeeze %dma_wait3A_250 : memref<1x80xi32, #tpu.memory_space<vmem>> -> memref<80xi32, #tpu.memory_space<vmem>>
        %dma_wait3A_252 = arith.constant 0 : i32
        %dma_wait3A_253 = arith.constant 0 : i32
        %dma_wait3A_254 = tpu.memref_slice %arg2[%dma_wait3A_252, %dma_wait3A_253] : memref<10000x128xf32, #tpu.memory_space<hbm>> -> memref<10000x128xf32, #tpu.memory_space<hbm>>
        tpu.wait_indirect_dma semaphore(%arg14 : memref<!tpu.dma_semaphore, #tpu.memory_space<semaphore_mem>>) src(%dma_wait3A_254 : memref<10000x128xf32, #tpu.memory_space<hbm>>) dst(%arg10 : memref<80x128xf32, #tpu.memory_space<vmem>>)
        %dma_start3A_255 = arith.constant 0 : i32
        %dma_start3A_256 = tpu.memref_slice %arg6[%scan3A_192, %dma_start3A_255] : memref<25x80xi32, #tpu.memory_space<vmem>> -> memref<1x80xi32, #tpu.memory_space<vmem>>
        %dma_start3A_257 = tpu.memref_squeeze %dma_start3A_256 : memref<1x80xi32, #tpu.memory_space<vmem>> -> memref<80xi32, #tpu.memory_space<vmem>>
        %dma_start3A_258 = arith.constant 0 : i32
        %dma_start3A_259 = arith.constant 0 : i32
        %dma_start3A_260 = tpu.memref_slice %arg11[%dma_start3A_258, %dma_start3A_259] : memref<10240x128xf32, #tpu.memory_space<vmem_shared>> -> memref<10240x128xf32, #tpu.memory_space<vmem_shared>>
        tpu.enqueue_indirect_dma source(%arg10 : memref<80x128xf32, #tpu.memory_space<vmem>>) target(%dma_start3A_260 : memref<10240x128xf32, #tpu.memory_space<vmem_shared>>) offsets(%dma_start3A_257 : memref<80xi32, #tpu.memory_space<vmem>>) semaphore(%arg17 : memref<!tpu.dma_semaphore, #tpu.memory_space<semaphore_mem>>) {add = true}
        %ge3A = arith.constant 1 : i32
        %ge3A_261 = arith.cmpi sge, %scan3A_192, %ge3A : i32
        %convert_element_type3A_262 = arith.extui %ge3A_261 : i1 to i32
        %cond3A_263 = arith.constant 0 : i32
        %cond3A_264 = arith.cmpi ne, %convert_element_type3A_262, %cond3A_263 : i32
        scf.if %cond3A_264 {
          %dma_wait3A_272 = arith.constant 0 : i32
          %dma_wait3A_273 = tpu.memref_slice %arg6[%scan3A_192, %dma_wait3A_272] : memref<25x80xi32, #tpu.memory_space<vmem>> -> memref<1x80xi32, #tpu.memory_space<vmem>>
          %dma_wait3A_274 = tpu.memref_squeeze %dma_wait3A_273 : memref<1x80xi32, #tpu.memory_space<vmem>> -> memref<80xi32, #tpu.memory_space<vmem>>
          %dma_wait3A_275 = arith.constant 0 : i32
          %dma_wait3A_276 = arith.constant 0 : i32
          %dma_wait3A_277 = tpu.memref_slice %arg11[%dma_wait3A_275, %dma_wait3A_276] : memref<10240x128xf32, #tpu.memory_space<vmem_shared>> -> memref<10240x128xf32, #tpu.memory_space<vmem_shared>>
          tpu.wait_indirect_dma semaphore(%arg16 : memref<!tpu.dma_semaphore, #tpu.memory_space<semaphore_mem>>) src(%arg9 : memref<80x128xf32, #tpu.memory_space<vmem>>) dst(%dma_wait3A_277 : memref<10240x128xf32, #tpu.memory_space<vmem_shared>>)
        } else {
        }
        %add3A_265 = arith.constant 2 : i32
        %add3A_266 = arith.addi %scan3A_192, %add3A_265 : i32
        %lt3A_267 = arith.constant 25 : i32
        %lt3A_268 = arith.cmpi slt, %add3A_266, %lt3A_267 : i32
        %convert_element_type3A_269 = arith.extui %lt3A_268 : i1 to i32
        %cond3A_270 = arith.constant 0 : i32
        %cond3A_271 = arith.cmpi ne, %convert_element_type3A_269, %cond3A_270 : i32
        scf.if %cond3A_271 {
          %add3A_272 = arith.constant 2 : i32
          %add3A_273 = arith.addi %scan3A_192, %add3A_272 : i32
          %dma_start3A_274 = arith.constant 0 : i32
          %dma_start3A_275 = tpu.memref_slice %arg7[%add3A_273, %dma_start3A_274] : memref<25x80xi32, #tpu.memory_space<vmem>> -> memref<1x80xi32, #tpu.memory_space<vmem>>
          %dma_start3A_276 = tpu.memref_squeeze %dma_start3A_275 : memref<1x80xi32, #tpu.memory_space<vmem>> -> memref<80xi32, #tpu.memory_space<vmem>>
          %dma_start3A_277 = arith.constant 0 : i32
          %dma_start3A_278 = arith.constant 0 : i32
          %dma_start3A_279 = tpu.memref_slice %arg2[%dma_start3A_277, %dma_start3A_278] : memref<10000x128xf32, #tpu.memory_space<hbm>> -> memref<10000x128xf32, #tpu.memory_space<hbm>>
          tpu.enqueue_indirect_dma source(%dma_start3A_279 : memref<10000x128xf32, #tpu.memory_space<hbm>>) target(%arg9 : memref<80x128xf32, #tpu.memory_space<vmem>>) offsets(%dma_start3A_276 : memref<80xi32, #tpu.memory_space<vmem>>) semaphore(%arg13 : memref<!tpu.dma_semaphore, #tpu.memory_space<semaphore_mem>>)
        } else {
        }
      } else {
      }
      %scan3A_248 = arith.constant 0 : i32
      scf.yield %scan3A_248 : i32
    }
    %scan3A_119 = arith.constant 25 : i32
    %dma_wait3A_120 = arith.constant 0 : i32
    %dma_wait3A_121 = arith.constant 0 : i32
    %dma_wait3A_122 = tpu.memref_slice %arg6[%dma_wait3A_120, %dma_wait3A_121] : memref<25x80xi32, #tpu.memory_space<vmem>> -> memref<1x80xi32, #tpu.memory_space<vmem>>
    %dma_wait3A_123 = tpu.memref_squeeze %dma_wait3A_122 : memref<1x80xi32, #tpu.memory_space<vmem>> -> memref<80xi32, #tpu.memory_space<vmem>>
    %dma_wait3A_124 = arith.constant 0 : i32
    %dma_wait3A_125 = arith.constant 0 : i32
    %dma_wait3A_126 = tpu.memref_slice %arg11[%dma_wait3A_124, %dma_wait3A_125] : memref<10240x128xf32, #tpu.memory_space<vmem_shared>> -> memref<10240x128xf32, #tpu.memory_space<vmem_shared>>
    tpu.wait_indirect_dma semaphore(%arg15 : memref<!tpu.dma_semaphore, #tpu.memory_space<semaphore_mem>>) src(%arg8 : memref<80x128xf32, #tpu.memory_space<vmem>>) dst(%dma_wait3A_126 : memref<10240x128xf32, #tpu.memory_space<vmem_shared>>)
    %run_scoped3A_127 = arith.constant 3 : i32
    "tpu.region"() ({
      %run_scoped3A_192 = tpu.sem_alloc : memref<!tpu.dma_semaphore, #tpu.memory_space<semaphore_mem>>
      %dma_start3A_193 = arith.constant 0 : i32
      %dma_start3A_194 = arith.constant 0 : i32
      %dma_start3A_195 = tpu.memref_slice %arg3[%add3A, %run_scoped3A_127, %dma_start3A_193, %dma_start3A_194] : memref<32x5x25x80xi32, #tpu.memory_space<hbm>> -> memref<1x1x25x80xi32, #tpu.memory_space<hbm>>
      %dma_start3A_196 = tpu.memref_squeeze %dma_start3A_195 : memref<1x1x25x80xi32, #tpu.memory_space<hbm>> -> memref<25x80xi32, #tpu.memory_space<hbm>>
      %dma_start3A_197 = arith.constant 0 : i32
      %dma_start3A_198 = arith.constant 0 : i32
      %dma_start3A_199 = tpu.memref_slice %arg3[%add3A, %run_scoped3A_127, %dma_start3A_197, %dma_start3A_198] : memref<32x5x25x80xi32, #tpu.memory_space<hbm>> -> memref<1x1x25x80xi32, #tpu.memory_space<hbm>>
      %dma_start3A_200 = tpu.memref_squeeze %dma_start3A_199 : memref<1x1x25x80xi32, #tpu.memory_space<hbm>> -> memref<25x80xi32, #tpu.memory_space<hbm>>
      tpu.enqueue_dma source(%dma_start3A_200 : memref<25x80xi32, #tpu.memory_space<hbm>>) target(%arg6 : memref<25x80xi32, #tpu.memory_space<vmem>>) target_semaphore(%run_scoped3A_192 : memref<!tpu.dma_semaphore, #tpu.memory_space<semaphore_mem>>)
      %dma_wait3A_201 = arith.constant 0 : i32
      %dma_wait3A_202 = arith.constant 0 : i32
      %dma_wait3A_203 = tpu.memref_slice %arg3[%add3A, %run_scoped3A_127, %dma_wait3A_201, %dma_wait3A_202] : memref<32x5x25x80xi32, #tpu.memory_space<hbm>> -> memref<1x1x25x80xi32, #tpu.memory_space<hbm>>
      %dma_wait3A_204 = tpu.memref_squeeze %dma_wait3A_203 : memref<1x1x25x80xi32, #tpu.memory_space<hbm>> -> memref<25x80xi32, #tpu.memory_space<hbm>>
      %dma_wait3A_205 = arith.constant 0 : i32
      %dma_wait3A_206 = arith.constant 0 : i32
      %dma_wait3A_207 = tpu.memref_slice %arg3[%add3A, %run_scoped3A_127, %dma_wait3A_205, %dma_wait3A_206] : memref<32x5x25x80xi32, #tpu.memory_space<hbm>> -> memref<1x1x25x80xi32, #tpu.memory_space<hbm>>
      %dma_wait3A_208 = tpu.memref_squeeze %dma_wait3A_207 : memref<1x1x25x80xi32, #tpu.memory_space<hbm>> -> memref<25x80xi32, #tpu.memory_space<hbm>>
      tpu.wait_dma2 semaphore(%run_scoped3A_192 : memref<!tpu.dma_semaphore, #tpu.memory_space<semaphore_mem>>) src(%dma_wait3A_208 : memref<25x80xi32, #tpu.memory_space<hbm>>) dst(%arg6 : memref<25x80xi32, #tpu.memory_space<vmem>>)
      tpu.yield
    }) : () -> ()
    %run_scoped3A_128 = arith.constant 3 : i32
    "tpu.region"() ({
      %run_scoped3A_192 = tpu.sem_alloc : memref<!tpu.dma_semaphore, #tpu.memory_space<semaphore_mem>>
      %dma_start3A_193 = arith.constant 0 : i32
      %dma_start3A_194 = arith.constant 0 : i32
      %dma_start3A_195 = tpu.memref_slice %arg4[%add3A, %run_scoped3A_128, %dma_start3A_193, %dma_start3A_194] : memref<32x5x25x80xi32, #tpu.memory_space<hbm>> -> memref<1x1x25x80xi32, #tpu.memory_space<hbm>>
      %dma_start3A_196 = tpu.memref_squeeze %dma_start3A_195 : memref<1x1x25x80xi32, #tpu.memory_space<hbm>> -> memref<25x80xi32, #tpu.memory_space<hbm>>
      %dma_start3A_197 = arith.constant 0 : i32
      %dma_start3A_198 = arith.constant 0 : i32
      %dma_start3A_199 = tpu.memref_slice %arg4[%add3A, %run_scoped3A_128, %dma_start3A_197, %dma_start3A_198] : memref<32x5x25x80xi32, #tpu.memory_space<hbm>> -> memref<1x1x25x80xi32, #tpu.memory_space<hbm>>
      %dma_start3A_200 = tpu.memref_squeeze %dma_start3A_199 : memref<1x1x25x80xi32, #tpu.memory_space<hbm>> -> memref<25x80xi32, #tpu.memory_space<hbm>>
      tpu.enqueue_dma source(%dma_start3A_200 : memref<25x80xi32, #tpu.memory_space<hbm>>) target(%arg7 : memref<25x80xi32, #tpu.memory_space<vmem>>) target_semaphore(%run_scoped3A_192 : memref<!tpu.dma_semaphore, #tpu.memory_space<semaphore_mem>>)
      %dma_wait3A_201 = arith.constant 0 : i32
      %dma_wait3A_202 = arith.constant 0 : i32
      %dma_wait3A_203 = tpu.memref_slice %arg4[%add3A, %run_scoped3A_128, %dma_wait3A_201, %dma_wait3A_202] : memref<32x5x25x80xi32, #tpu.memory_space<hbm>> -> memref<1x1x25x80xi32, #tpu.memory_space<hbm>>
      %dma_wait3A_204 = tpu.memref_squeeze %dma_wait3A_203 : memref<1x1x25x80xi32, #tpu.memory_space<hbm>> -> memref<25x80xi32, #tpu.memory_space<hbm>>
      %dma_wait3A_205 = arith.constant 0 : i32
      %dma_wait3A_206 = arith.constant 0 : i32
      %dma_wait3A_207 = tpu.memref_slice %arg4[%add3A, %run_scoped3A_128, %dma_wait3A_205, %dma_wait3A_206] : memref<32x5x25x80xi32, #tpu.memory_space<hbm>> -> memref<1x1x25x80xi32, #tpu.memory_space<hbm>>
      %dma_wait3A_208 = tpu.memref_squeeze %dma_wait3A_207 : memref<1x1x25x80xi32, #tpu.memory_space<hbm>> -> memref<25x80xi32, #tpu.memory_space<hbm>>
      tpu.wait_dma2 semaphore(%run_scoped3A_192 : memref<!tpu.dma_semaphore, #tpu.memory_space<semaphore_mem>>) src(%dma_wait3A_208 : memref<25x80xi32, #tpu.memory_space<hbm>>) dst(%arg7 : memref<25x80xi32, #tpu.memory_space<vmem>>)
      tpu.yield
    }) : () -> ()
    %dma_start3A_129 = arith.constant 0 : i32
    %dma_start3A_130 = arith.constant 0 : i32
    %dma_start3A_131 = tpu.memref_slice %arg7[%dma_start3A_129, %dma_start3A_130] : memref<25x80xi32, #tpu.memory_space<vmem>> -> memref<1x80xi32, #tpu.memory_space<vmem>>
    %dma_start3A_132 = tpu.memref_squeeze %dma_start3A_131 : memref<1x80xi32, #tpu.memory_space<vmem>> -> memref<80xi32, #tpu.memory_space<vmem>>
    %dma_start3A_133 = arith.constant 0 : i32
    %dma_start3A_134 = arith.constant 0 : i32
    %dma_start3A_135 = tpu.memref_slice %arg2[%dma_start3A_133, %dma_start3A_134] : memref<10000x128xf32, #tpu.memory_space<hbm>> -> memref<10000x128xf32, #tpu.memory_space<hbm>>
    tpu.enqueue_indirect_dma source(%dma_start3A_135 : memref<10000x128xf32, #tpu.memory_space<hbm>>) target(%arg8 : memref<80x128xf32, #tpu.memory_space<vmem>>) offsets(%dma_start3A_132 : memref<80xi32, #tpu.memory_space<vmem>>) semaphore(%arg12 : memref<!tpu.dma_semaphore, #tpu.memory_space<semaphore_mem>>)
    %dma_start3A_136 = arith.constant 1 : i32
    %dma_start3A_137 = arith.constant 0 : i32
    %dma_start3A_138 = tpu.memref_slice %arg7[%dma_start3A_136, %dma_start3A_137] : memref<25x80xi32, #tpu.memory_space<vmem>> -> memref<1x80xi32, #tpu.memory_space<vmem>>
    %dma_start3A_139 = tpu.memref_squeeze %dma_start3A_138 : memref<1x80xi32, #tpu.memory_space<vmem>> -> memref<80xi32, #tpu.memory_space<vmem>>
    %dma_start3A_140 = arith.constant 0 : i32
    %dma_start3A_141 = arith.constant 0 : i32
    %dma_start3A_142 = tpu.memref_slice %arg2[%dma_start3A_140, %dma_start3A_141] : memref<10000x128xf32, #tpu.memory_space<hbm>> -> memref<10000x128xf32, #tpu.memory_space<hbm>>
    tpu.enqueue_indirect_dma source(%dma_start3A_142 : memref<10000x128xf32, #tpu.memory_space<hbm>>) target(%arg9 : memref<80x128xf32, #tpu.memory_space<vmem>>) offsets(%dma_start3A_139 : memref<80xi32, #tpu.memory_space<vmem>>) semaphore(%arg13 : memref<!tpu.dma_semaphore, #tpu.memory_space<semaphore_mem>>)
    %scan3A_143 = arith.constant 0 : i32
    %scan3A_144 = arith.constant 0 : i32
    %scan3A_145 = arith.constant 25 : i32
    %scan3A_146 = arith.addi %scan3A_144, %scan3A_145 : i32
    %scan3A_147 = arith.constant 1 : i32
    %scan3A_148 = scf.for %scan3A_192 = %scan3A_144 to %scan3A_146 step %scan3A_147 iter_args(%scan3A_193 = %scan3A_143) -> (i32)  : i32 {
      %jit3A = arith.constant 3 : i32
      %eq3A = arith.constant 0 : i32
      %eq3A_194 = arith.cmpi eq, %jit3A, %eq3A : i32
      %jit3A_195 = arith.constant 1 : i32
      %select_n3A = arith.select %eq3A_194, %jit3A_195, %jit3A : i32
      %rem3A = arith.remsi %scan3A_192, %select_n3A : i32
      %ne3A = arith.constant 0 : i32
      %ne3A_196 = arith.cmpi ne, %rem3A, %ne3A : i32
      %lt3A = arith.constant 0 : i32
      %lt3A_197 = arith.cmpi slt, %rem3A, %lt3A : i32
      %lt3A_198 = arith.constant 0 : i32
      %lt3A_199 = arith.cmpi slt, %select_n3A, %lt3A_198 : i32
      %ne3A_200 = arith.xori %lt3A_197, %lt3A_199 : i1
      %and3A = arith.andi %ne3A_200, %ne3A_196 : i1
      %add3A_201 = arith.addi %rem3A, %select_n3A : i32
      %select_n3A_202 = arith.select %and3A, %add3A_201, %rem3A : i32
      %eq3A_203 = arith.constant 0 : i32
      %eq3A_204 = arith.cmpi eq, %select_n3A_202, %eq3A_203 : i32
      %convert_element_type3A = arith.extui %eq3A_204 : i1 to i32
      %cond3A = arith.constant 0 : i32
      %cond3A_205 = arith.cmpi ne, %convert_element_type3A, %cond3A : i32
      scf.if %cond3A_205 {
        %dma_wait3A_249 = arith.constant 0 : i32
        %dma_wait3A_250 = tpu.memref_slice %arg7[%scan3A_192, %dma_wait3A_249] : memref<25x80xi32, #tpu.memory_space<vmem>> -> memref<1x80xi32, #tpu.memory_space<vmem>>
        %dma_wait3A_251 = tpu.memref_squeeze %dma_wait3A_250 : memref<1x80xi32, #tpu.memory_space<vmem>> -> memref<80xi32, #tpu.memory_space<vmem>>
        %dma_wait3A_252 = arith.constant 0 : i32
        %dma_wait3A_253 = arith.constant 0 : i32
        %dma_wait3A_254 = tpu.memref_slice %arg2[%dma_wait3A_252, %dma_wait3A_253] : memref<10000x128xf32, #tpu.memory_space<hbm>> -> memref<10000x128xf32, #tpu.memory_space<hbm>>
        tpu.wait_indirect_dma semaphore(%arg12 : memref<!tpu.dma_semaphore, #tpu.memory_space<semaphore_mem>>) src(%dma_wait3A_254 : memref<10000x128xf32, #tpu.memory_space<hbm>>) dst(%arg8 : memref<80x128xf32, #tpu.memory_space<vmem>>)
        %dma_start3A_255 = arith.constant 0 : i32
        %dma_start3A_256 = tpu.memref_slice %arg6[%scan3A_192, %dma_start3A_255] : memref<25x80xi32, #tpu.memory_space<vmem>> -> memref<1x80xi32, #tpu.memory_space<vmem>>
        %dma_start3A_257 = tpu.memref_squeeze %dma_start3A_256 : memref<1x80xi32, #tpu.memory_space<vmem>> -> memref<80xi32, #tpu.memory_space<vmem>>
        %dma_start3A_258 = arith.constant 0 : i32
        %dma_start3A_259 = arith.constant 0 : i32
        %dma_start3A_260 = tpu.memref_slice %arg11[%dma_start3A_258, %dma_start3A_259] : memref<10240x128xf32, #tpu.memory_space<vmem_shared>> -> memref<10240x128xf32, #tpu.memory_space<vmem_shared>>
        tpu.enqueue_indirect_dma source(%arg8 : memref<80x128xf32, #tpu.memory_space<vmem>>) target(%dma_start3A_260 : memref<10240x128xf32, #tpu.memory_space<vmem_shared>>) offsets(%dma_start3A_257 : memref<80xi32, #tpu.memory_space<vmem>>) semaphore(%arg15 : memref<!tpu.dma_semaphore, #tpu.memory_space<semaphore_mem>>) {add = true}
        %ge3A = arith.constant 1 : i32
        %ge3A_261 = arith.cmpi sge, %scan3A_192, %ge3A : i32
        %convert_element_type3A_262 = arith.extui %ge3A_261 : i1 to i32
        %cond3A_263 = arith.constant 0 : i32
        %cond3A_264 = arith.cmpi ne, %convert_element_type3A_262, %cond3A_263 : i32
        scf.if %cond3A_264 {
          %dma_wait3A_272 = arith.constant 0 : i32
          %dma_wait3A_273 = tpu.memref_slice %arg6[%scan3A_192, %dma_wait3A_272] : memref<25x80xi32, #tpu.memory_space<vmem>> -> memref<1x80xi32, #tpu.memory_space<vmem>>
          %dma_wait3A_274 = tpu.memref_squeeze %dma_wait3A_273 : memref<1x80xi32, #tpu.memory_space<vmem>> -> memref<80xi32, #tpu.memory_space<vmem>>
          %dma_wait3A_275 = arith.constant 0 : i32
          %dma_wait3A_276 = arith.constant 0 : i32
          %dma_wait3A_277 = tpu.memref_slice %arg11[%dma_wait3A_275, %dma_wait3A_276] : memref<10240x128xf32, #tpu.memory_space<vmem_shared>> -> memref<10240x128xf32, #tpu.memory_space<vmem_shared>>
          tpu.wait_indirect_dma semaphore(%arg17 : memref<!tpu.dma_semaphore, #tpu.memory_space<semaphore_mem>>) src(%arg10 : memref<80x128xf32, #tpu.memory_space<vmem>>) dst(%dma_wait3A_277 : memref<10240x128xf32, #tpu.memory_space<vmem_shared>>)
        } else {
        }
        %add3A_265 = arith.constant 2 : i32
        %add3A_266 = arith.addi %scan3A_192, %add3A_265 : i32
        %lt3A_267 = arith.constant 25 : i32
        %lt3A_268 = arith.cmpi slt, %add3A_266, %lt3A_267 : i32
        %convert_element_type3A_269 = arith.extui %lt3A_268 : i1 to i32
        %cond3A_270 = arith.constant 0 : i32
        %cond3A_271 = arith.cmpi ne, %convert_element_type3A_269, %cond3A_270 : i32
        scf.if %cond3A_271 {
          %add3A_272 = arith.constant 2 : i32
          %add3A_273 = arith.addi %scan3A_192, %add3A_272 : i32
          %dma_start3A_274 = arith.constant 0 : i32
          %dma_start3A_275 = tpu.memref_slice %arg7[%add3A_273, %dma_start3A_274] : memref<25x80xi32, #tpu.memory_space<vmem>> -> memref<1x80xi32, #tpu.memory_space<vmem>>
          %dma_start3A_276 = tpu.memref_squeeze %dma_start3A_275 : memref<1x80xi32, #tpu.memory_space<vmem>> -> memref<80xi32, #tpu.memory_space<vmem>>
          %dma_start3A_277 = arith.constant 0 : i32
          %dma_start3A_278 = arith.constant 0 : i32
          %dma_start3A_279 = tpu.memref_slice %arg2[%dma_start3A_277, %dma_start3A_278] : memref<10000x128xf32, #tpu.memory_space<hbm>> -> memref<10000x128xf32, #tpu.memory_space<hbm>>
          tpu.enqueue_indirect_dma source(%dma_start3A_279 : memref<10000x128xf32, #tpu.memory_space<hbm>>) target(%arg10 : memref<80x128xf32, #tpu.memory_space<vmem>>) offsets(%dma_start3A_276 : memref<80xi32, #tpu.memory_space<vmem>>) semaphore(%arg14 : memref<!tpu.dma_semaphore, #tpu.memory_space<semaphore_mem>>)
        } else {
        }
      } else {
      }
      %jit3A_206 = arith.constant 3 : i32
      %eq3A_207 = arith.constant 0 : i32
      %eq3A_208 = arith.cmpi eq, %jit3A_206, %eq3A_207 : i32
      %jit3A_209 = arith.constant 1 : i32
      %select_n3A_210 = arith.select %eq3A_208, %jit3A_209, %jit3A_206 : i32
      %rem3A_211 = arith.remsi %scan3A_192, %select_n3A_210 : i32
      %ne3A_212 = arith.constant 0 : i32
      %ne3A_213 = arith.cmpi ne, %rem3A_211, %ne3A_212 : i32
      %lt3A_214 = arith.constant 0 : i32
      %lt3A_215 = arith.cmpi slt, %rem3A_211, %lt3A_214 : i32
      %lt3A_216 = arith.constant 0 : i32
      %lt3A_217 = arith.cmpi slt, %select_n3A_210, %lt3A_216 : i32
      %ne3A_218 = arith.xori %lt3A_215, %lt3A_217 : i1
      %and3A_219 = arith.andi %ne3A_218, %ne3A_213 : i1
      %add3A_220 = arith.addi %rem3A_211, %select_n3A_210 : i32
      %select_n3A_221 = arith.select %and3A_219, %add3A_220, %rem3A_211 : i32
      %eq3A_222 = arith.constant 1 : i32
      %eq3A_223 = arith.cmpi eq, %select_n3A_221, %eq3A_222 : i32
      %convert_element_type3A_224 = arith.extui %eq3A_223 : i1 to i32
      %cond3A_225 = arith.constant 0 : i32
      %cond3A_226 = arith.cmpi ne, %convert_element_type3A_224, %cond3A_225 : i32
      scf.if %cond3A_226 {
        %dma_wait3A_249 = arith.constant 0 : i32
        %dma_wait3A_250 = tpu.memref_slice %arg7[%scan3A_192, %dma_wait3A_249] : memref<25x80xi32, #tpu.memory_space<vmem>> -> memref<1x80xi32, #tpu.memory_space<vmem>>
        %dma_wait3A_251 = tpu.memref_squeeze %dma_wait3A_250 : memref<1x80xi32, #tpu.memory_space<vmem>> -> memref<80xi32, #tpu.memory_space<vmem>>
        %dma_wait3A_252 = arith.constant 0 : i32
        %dma_wait3A_253 = arith.constant 0 : i32
        %dma_wait3A_254 = tpu.memref_slice %arg2[%dma_wait3A_252, %dma_wait3A_253] : memref<10000x128xf32, #tpu.memory_space<hbm>> -> memref<10000x128xf32, #tpu.memory_space<hbm>>
        tpu.wait_indirect_dma semaphore(%arg13 : memref<!tpu.dma_semaphore, #tpu.memory_space<semaphore_mem>>) src(%dma_wait3A_254 : memref<10000x128xf32, #tpu.memory_space<hbm>>) dst(%arg9 : memref<80x128xf32, #tpu.memory_space<vmem>>)
        %dma_start3A_255 = arith.constant 0 : i32
        %dma_start3A_256 = tpu.memref_slice %arg6[%scan3A_192, %dma_start3A_255] : memref<25x80xi32, #tpu.memory_space<vmem>> -> memref<1x80xi32, #tpu.memory_space<vmem>>
        %dma_start3A_257 = tpu.memref_squeeze %dma_start3A_256 : memref<1x80xi32, #tpu.memory_space<vmem>> -> memref<80xi32, #tpu.memory_space<vmem>>
        %dma_start3A_258 = arith.constant 0 : i32
        %dma_start3A_259 = arith.constant 0 : i32
        %dma_start3A_260 = tpu.memref_slice %arg11[%dma_start3A_258, %dma_start3A_259] : memref<10240x128xf32, #tpu.memory_space<vmem_shared>> -> memref<10240x128xf32, #tpu.memory_space<vmem_shared>>
        tpu.enqueue_indirect_dma source(%arg9 : memref<80x128xf32, #tpu.memory_space<vmem>>) target(%dma_start3A_260 : memref<10240x128xf32, #tpu.memory_space<vmem_shared>>) offsets(%dma_start3A_257 : memref<80xi32, #tpu.memory_space<vmem>>) semaphore(%arg16 : memref<!tpu.dma_semaphore, #tpu.memory_space<semaphore_mem>>) {add = true}
        %ge3A = arith.constant 1 : i32
        %ge3A_261 = arith.cmpi sge, %scan3A_192, %ge3A : i32
        %convert_element_type3A_262 = arith.extui %ge3A_261 : i1 to i32
        %cond3A_263 = arith.constant 0 : i32
        %cond3A_264 = arith.cmpi ne, %convert_element_type3A_262, %cond3A_263 : i32
        scf.if %cond3A_264 {
          %dma_wait3A_272 = arith.constant 0 : i32
          %dma_wait3A_273 = tpu.memref_slice %arg6[%scan3A_192, %dma_wait3A_272] : memref<25x80xi32, #tpu.memory_space<vmem>> -> memref<1x80xi32, #tpu.memory_space<vmem>>
          %dma_wait3A_274 = tpu.memref_squeeze %dma_wait3A_273 : memref<1x80xi32, #tpu.memory_space<vmem>> -> memref<80xi32, #tpu.memory_space<vmem>>
          %dma_wait3A_275 = arith.constant 0 : i32
          %dma_wait3A_276 = arith.constant 0 : i32
          %dma_wait3A_277 = tpu.memref_slice %arg11[%dma_wait3A_275, %dma_wait3A_276] : memref<10240x128xf32, #tpu.memory_space<vmem_shared>> -> memref<10240x128xf32, #tpu.memory_space<vmem_shared>>
          tpu.wait_indirect_dma semaphore(%arg15 : memref<!tpu.dma_semaphore, #tpu.memory_space<semaphore_mem>>) src(%arg8 : memref<80x128xf32, #tpu.memory_space<vmem>>) dst(%dma_wait3A_277 : memref<10240x128xf32, #tpu.memory_space<vmem_shared>>)
        } else {
        }
        %add3A_265 = arith.constant 2 : i32
        %add3A_266 = arith.addi %scan3A_192, %add3A_265 : i32
        %lt3A_267 = arith.constant 25 : i32
        %lt3A_268 = arith.cmpi slt, %add3A_266, %lt3A_267 : i32
        %convert_element_type3A_269 = arith.extui %lt3A_268 : i1 to i32
        %cond3A_270 = arith.constant 0 : i32
        %cond3A_271 = arith.cmpi ne, %convert_element_type3A_269, %cond3A_270 : i32
        scf.if %cond3A_271 {
          %add3A_272 = arith.constant 2 : i32
          %add3A_273 = arith.addi %scan3A_192, %add3A_272 : i32
          %dma_start3A_274 = arith.constant 0 : i32
          %dma_start3A_275 = tpu.memref_slice %arg7[%add3A_273, %dma_start3A_274] : memref<25x80xi32, #tpu.memory_space<vmem>> -> memref<1x80xi32, #tpu.memory_space<vmem>>
          %dma_start3A_276 = tpu.memref_squeeze %dma_start3A_275 : memref<1x80xi32, #tpu.memory_space<vmem>> -> memref<80xi32, #tpu.memory_space<vmem>>
          %dma_start3A_277 = arith.constant 0 : i32
          %dma_start3A_278 = arith.constant 0 : i32
          %dma_start3A_279 = tpu.memref_slice %arg2[%dma_start3A_277, %dma_start3A_278] : memref<10000x128xf32, #tpu.memory_space<hbm>> -> memref<10000x128xf32, #tpu.memory_space<hbm>>
          tpu.enqueue_indirect_dma source(%dma_start3A_279 : memref<10000x128xf32, #tpu.memory_space<hbm>>) target(%arg8 : memref<80x128xf32, #tpu.memory_space<vmem>>) offsets(%dma_start3A_276 : memref<80xi32, #tpu.memory_space<vmem>>) semaphore(%arg12 : memref<!tpu.dma_semaphore, #tpu.memory_space<semaphore_mem>>)
        } else {
        }
      } else {
      }
      %jit3A_227 = arith.constant 3 : i32
      %eq3A_228 = arith.constant 0 : i32
      %eq3A_229 = arith.cmpi eq, %jit3A_227, %eq3A_228 : i32
      %jit3A_230 = arith.constant 1 : i32
      %select_n3A_231 = arith.select %eq3A_229, %jit3A_230, %jit3A_227 : i32
      %rem3A_232 = arith.remsi %scan3A_192, %select_n3A_231 : i32
      %ne3A_233 = arith.constant 0 : i32
      %ne3A_234 = arith.cmpi ne, %rem3A_232, %ne3A_233 : i32
      %lt3A_235 = arith.constant 0 : i32
      %lt3A_236 = arith.cmpi slt, %rem3A_232, %lt3A_235 : i32
      %lt3A_237 = arith.constant 0 : i32
      %lt3A_238 = arith.cmpi slt, %select_n3A_231, %lt3A_237 : i32
      %ne3A_239 = arith.xori %lt3A_236, %lt3A_238 : i1
      %and3A_240 = arith.andi %ne3A_239, %ne3A_234 : i1
      %add3A_241 = arith.addi %rem3A_232, %select_n3A_231 : i32
      %select_n3A_242 = arith.select %and3A_240, %add3A_241, %rem3A_232 : i32
      %eq3A_243 = arith.constant 2 : i32
      %eq3A_244 = arith.cmpi eq, %select_n3A_242, %eq3A_243 : i32
      %convert_element_type3A_245 = arith.extui %eq3A_244 : i1 to i32
      %cond3A_246 = arith.constant 0 : i32
      %cond3A_247 = arith.cmpi ne, %convert_element_type3A_245, %cond3A_246 : i32
      scf.if %cond3A_247 {
        %dma_wait3A_249 = arith.constant 0 : i32
        %dma_wait3A_250 = tpu.memref_slice %arg7[%scan3A_192, %dma_wait3A_249] : memref<25x80xi32, #tpu.memory_space<vmem>> -> memref<1x80xi32, #tpu.memory_space<vmem>>
        %dma_wait3A_251 = tpu.memref_squeeze %dma_wait3A_250 : memref<1x80xi32, #tpu.memory_space<vmem>> -> memref<80xi32, #tpu.memory_space<vmem>>
        %dma_wait3A_252 = arith.constant 0 : i32
        %dma_wait3A_253 = arith.constant 0 : i32
        %dma_wait3A_254 = tpu.memref_slice %arg2[%dma_wait3A_252, %dma_wait3A_253] : memref<10000x128xf32, #tpu.memory_space<hbm>> -> memref<10000x128xf32, #tpu.memory_space<hbm>>
        tpu.wait_indirect_dma semaphore(%arg14 : memref<!tpu.dma_semaphore, #tpu.memory_space<semaphore_mem>>) src(%dma_wait3A_254 : memref<10000x128xf32, #tpu.memory_space<hbm>>) dst(%arg10 : memref<80x128xf32, #tpu.memory_space<vmem>>)
        %dma_start3A_255 = arith.constant 0 : i32
        %dma_start3A_256 = tpu.memref_slice %arg6[%scan3A_192, %dma_start3A_255] : memref<25x80xi32, #tpu.memory_space<vmem>> -> memref<1x80xi32, #tpu.memory_space<vmem>>
        %dma_start3A_257 = tpu.memref_squeeze %dma_start3A_256 : memref<1x80xi32, #tpu.memory_space<vmem>> -> memref<80xi32, #tpu.memory_space<vmem>>
        %dma_start3A_258 = arith.constant 0 : i32
        %dma_start3A_259 = arith.constant 0 : i32
        %dma_start3A_260 = tpu.memref_slice %arg11[%dma_start3A_258, %dma_start3A_259] : memref<10240x128xf32, #tpu.memory_space<vmem_shared>> -> memref<10240x128xf32, #tpu.memory_space<vmem_shared>>
        tpu.enqueue_indirect_dma source(%arg10 : memref<80x128xf32, #tpu.memory_space<vmem>>) target(%dma_start3A_260 : memref<10240x128xf32, #tpu.memory_space<vmem_shared>>) offsets(%dma_start3A_257 : memref<80xi32, #tpu.memory_space<vmem>>) semaphore(%arg17 : memref<!tpu.dma_semaphore, #tpu.memory_space<semaphore_mem>>) {add = true}
        %ge3A = arith.constant 1 : i32
        %ge3A_261 = arith.cmpi sge, %scan3A_192, %ge3A : i32
        %convert_element_type3A_262 = arith.extui %ge3A_261 : i1 to i32
        %cond3A_263 = arith.constant 0 : i32
        %cond3A_264 = arith.cmpi ne, %convert_element_type3A_262, %cond3A_263 : i32
        scf.if %cond3A_264 {
          %dma_wait3A_272 = arith.constant 0 : i32
          %dma_wait3A_273 = tpu.memref_slice %arg6[%scan3A_192, %dma_wait3A_272] : memref<25x80xi32, #tpu.memory_space<vmem>> -> memref<1x80xi32, #tpu.memory_space<vmem>>
          %dma_wait3A_274 = tpu.memref_squeeze %dma_wait3A_273 : memref<1x80xi32, #tpu.memory_space<vmem>> -> memref<80xi32, #tpu.memory_space<vmem>>
          %dma_wait3A_275 = arith.constant 0 : i32
          %dma_wait3A_276 = arith.constant 0 : i32
          %dma_wait3A_277 = tpu.memref_slice %arg11[%dma_wait3A_275, %dma_wait3A_276] : memref<10240x128xf32, #tpu.memory_space<vmem_shared>> -> memref<10240x128xf32, #tpu.memory_space<vmem_shared>>
          tpu.wait_indirect_dma semaphore(%arg16 : memref<!tpu.dma_semaphore, #tpu.memory_space<semaphore_mem>>) src(%arg9 : memref<80x128xf32, #tpu.memory_space<vmem>>) dst(%dma_wait3A_277 : memref<10240x128xf32, #tpu.memory_space<vmem_shared>>)
        } else {
        }
        %add3A_265 = arith.constant 2 : i32
        %add3A_266 = arith.addi %scan3A_192, %add3A_265 : i32
        %lt3A_267 = arith.constant 25 : i32
        %lt3A_268 = arith.cmpi slt, %add3A_266, %lt3A_267 : i32
        %convert_element_type3A_269 = arith.extui %lt3A_268 : i1 to i32
        %cond3A_270 = arith.constant 0 : i32
        %cond3A_271 = arith.cmpi ne, %convert_element_type3A_269, %cond3A_270 : i32
        scf.if %cond3A_271 {
          %add3A_272 = arith.constant 2 : i32
          %add3A_273 = arith.addi %scan3A_192, %add3A_272 : i32
          %dma_start3A_274 = arith.constant 0 : i32
          %dma_start3A_275 = tpu.memref_slice %arg7[%add3A_273, %dma_start3A_274] : memref<25x80xi32, #tpu.memory_space<vmem>> -> memref<1x80xi32, #tpu.memory_space<vmem>>
          %dma_start3A_276 = tpu.memref_squeeze %dma_start3A_275 : memref<1x80xi32, #tpu.memory_space<vmem>> -> memref<80xi32, #tpu.memory_space<vmem>>
          %dma_start3A_277 = arith.constant 0 : i32
          %dma_start3A_278 = arith.constant 0 : i32
          %dma_start3A_279 = tpu.memref_slice %arg2[%dma_start3A_277, %dma_start3A_278] : memref<10000x128xf32, #tpu.memory_space<hbm>> -> memref<10000x128xf32, #tpu.memory_space<hbm>>
          tpu.enqueue_indirect_dma source(%dma_start3A_279 : memref<10000x128xf32, #tpu.memory_space<hbm>>) target(%arg9 : memref<80x128xf32, #tpu.memory_space<vmem>>) offsets(%dma_start3A_276 : memref<80xi32, #tpu.memory_space<vmem>>) semaphore(%arg13 : memref<!tpu.dma_semaphore, #tpu.memory_space<semaphore_mem>>)
        } else {
        }
      } else {
      }
      %scan3A_248 = arith.constant 0 : i32
      scf.yield %scan3A_248 : i32
    }
    %scan3A_149 = arith.constant 25 : i32
    %dma_wait3A_150 = arith.constant 0 : i32
    %dma_wait3A_151 = arith.constant 0 : i32
    %dma_wait3A_152 = tpu.memref_slice %arg6[%dma_wait3A_150, %dma_wait3A_151] : memref<25x80xi32, #tpu.memory_space<vmem>> -> memref<1x80xi32, #tpu.memory_space<vmem>>
    %dma_wait3A_153 = tpu.memref_squeeze %dma_wait3A_152 : memref<1x80xi32, #tpu.memory_space<vmem>> -> memref<80xi32, #tpu.memory_space<vmem>>
    %dma_wait3A_154 = arith.constant 0 : i32
    %dma_wait3A_155 = arith.constant 0 : i32
    %dma_wait3A_156 = tpu.memref_slice %arg11[%dma_wait3A_154, %dma_wait3A_155] : memref<10240x128xf32, #tpu.memory_space<vmem_shared>> -> memref<10240x128xf32, #tpu.memory_space<vmem_shared>>
    tpu.wait_indirect_dma semaphore(%arg15 : memref<!tpu.dma_semaphore, #tpu.memory_space<semaphore_mem>>) src(%arg8 : memref<80x128xf32, #tpu.memory_space<vmem>>) dst(%dma_wait3A_156 : memref<10240x128xf32, #tpu.memory_space<vmem_shared>>)
    %run_scoped3A_157 = arith.constant 4 : i32
    "tpu.region"() ({
      %run_scoped3A_192 = tpu.sem_alloc : memref<!tpu.dma_semaphore, #tpu.memory_space<semaphore_mem>>
      %dma_start3A_193 = arith.constant 0 : i32
      %dma_start3A_194 = arith.constant 0 : i32
      %dma_start3A_195 = tpu.memref_slice %arg3[%add3A, %run_scoped3A_157, %dma_start3A_193, %dma_start3A_194] : memref<32x5x25x80xi32, #tpu.memory_space<hbm>> -> memref<1x1x25x80xi32, #tpu.memory_space<hbm>>
      %dma_start3A_196 = tpu.memref_squeeze %dma_start3A_195 : memref<1x1x25x80xi32, #tpu.memory_space<hbm>> -> memref<25x80xi32, #tpu.memory_space<hbm>>
      %dma_start3A_197 = arith.constant 0 : i32
      %dma_start3A_198 = arith.constant 0 : i32
      %dma_start3A_199 = tpu.memref_slice %arg3[%add3A, %run_scoped3A_157, %dma_start3A_197, %dma_start3A_198] : memref<32x5x25x80xi32, #tpu.memory_space<hbm>> -> memref<1x1x25x80xi32, #tpu.memory_space<hbm>>
      %dma_start3A_200 = tpu.memref_squeeze %dma_start3A_199 : memref<1x1x25x80xi32, #tpu.memory_space<hbm>> -> memref<25x80xi32, #tpu.memory_space<hbm>>
      tpu.enqueue_dma source(%dma_start3A_200 : memref<25x80xi32, #tpu.memory_space<hbm>>) target(%arg6 : memref<25x80xi32, #tpu.memory_space<vmem>>) target_semaphore(%run_scoped3A_192 : memref<!tpu.dma_semaphore, #tpu.memory_space<semaphore_mem>>)
      %dma_wait3A_201 = arith.constant 0 : i32
      %dma_wait3A_202 = arith.constant 0 : i32
      %dma_wait3A_203 = tpu.memref_slice %arg3[%add3A, %run_scoped3A_157, %dma_wait3A_201, %dma_wait3A_202] : memref<32x5x25x80xi32, #tpu.memory_space<hbm>> -> memref<1x1x25x80xi32, #tpu.memory_space<hbm>>
      %dma_wait3A_204 = tpu.memref_squeeze %dma_wait3A_203 : memref<1x1x25x80xi32, #tpu.memory_space<hbm>> -> memref<25x80xi32, #tpu.memory_space<hbm>>
      %dma_wait3A_205 = arith.constant 0 : i32
      %dma_wait3A_206 = arith.constant 0 : i32
      %dma_wait3A_207 = tpu.memref_slice %arg3[%add3A, %run_scoped3A_157, %dma_wait3A_205, %dma_wait3A_206] : memref<32x5x25x80xi32, #tpu.memory_space<hbm>> -> memref<1x1x25x80xi32, #tpu.memory_space<hbm>>
      %dma_wait3A_208 = tpu.memref_squeeze %dma_wait3A_207 : memref<1x1x25x80xi32, #tpu.memory_space<hbm>> -> memref<25x80xi32, #tpu.memory_space<hbm>>
      tpu.wait_dma2 semaphore(%run_scoped3A_192 : memref<!tpu.dma_semaphore, #tpu.memory_space<semaphore_mem>>) src(%dma_wait3A_208 : memref<25x80xi32, #tpu.memory_space<hbm>>) dst(%arg6 : memref<25x80xi32, #tpu.memory_space<vmem>>)
      tpu.yield
    }) : () -> ()
    %run_scoped3A_158 = arith.constant 4 : i32
    "tpu.region"() ({
      %run_scoped3A_192 = tpu.sem_alloc : memref<!tpu.dma_semaphore, #tpu.memory_space<semaphore_mem>>
      %dma_start3A_193 = arith.constant 0 : i32
      %dma_start3A_194 = arith.constant 0 : i32
      %dma_start3A_195 = tpu.memref_slice %arg4[%add3A, %run_scoped3A_158, %dma_start3A_193, %dma_start3A_194] : memref<32x5x25x80xi32, #tpu.memory_space<hbm>> -> memref<1x1x25x80xi32, #tpu.memory_space<hbm>>
      %dma_start3A_196 = tpu.memref_squeeze %dma_start3A_195 : memref<1x1x25x80xi32, #tpu.memory_space<hbm>> -> memref<25x80xi32, #tpu.memory_space<hbm>>
      %dma_start3A_197 = arith.constant 0 : i32
      %dma_start3A_198 = arith.constant 0 : i32
      %dma_start3A_199 = tpu.memref_slice %arg4[%add3A, %run_scoped3A_158, %dma_start3A_197, %dma_start3A_198] : memref<32x5x25x80xi32, #tpu.memory_space<hbm>> -> memref<1x1x25x80xi32, #tpu.memory_space<hbm>>
      %dma_start3A_200 = tpu.memref_squeeze %dma_start3A_199 : memref<1x1x25x80xi32, #tpu.memory_space<hbm>> -> memref<25x80xi32, #tpu.memory_space<hbm>>
      tpu.enqueue_dma source(%dma_start3A_200 : memref<25x80xi32, #tpu.memory_space<hbm>>) target(%arg7 : memref<25x80xi32, #tpu.memory_space<vmem>>) target_semaphore(%run_scoped3A_192 : memref<!tpu.dma_semaphore, #tpu.memory_space<semaphore_mem>>)
      %dma_wait3A_201 = arith.constant 0 : i32
      %dma_wait3A_202 = arith.constant 0 : i32
      %dma_wait3A_203 = tpu.memref_slice %arg4[%add3A, %run_scoped3A_158, %dma_wait3A_201, %dma_wait3A_202] : memref<32x5x25x80xi32, #tpu.memory_space<hbm>> -> memref<1x1x25x80xi32, #tpu.memory_space<hbm>>
      %dma_wait3A_204 = tpu.memref_squeeze %dma_wait3A_203 : memref<1x1x25x80xi32, #tpu.memory_space<hbm>> -> memref<25x80xi32, #tpu.memory_space<hbm>>
      %dma_wait3A_205 = arith.constant 0 : i32
      %dma_wait3A_206 = arith.constant 0 : i32
      %dma_wait3A_207 = tpu.memref_slice %arg4[%add3A, %run_scoped3A_158, %dma_wait3A_205, %dma_wait3A_206] : memref<32x5x25x80xi32, #tpu.memory_space<hbm>> -> memref<1x1x25x80xi32, #tpu.memory_space<hbm>>
      %dma_wait3A_208 = tpu.memref_squeeze %dma_wait3A_207 : memref<1x1x25x80xi32, #tpu.memory_space<hbm>> -> memref<25x80xi32, #tpu.memory_space<hbm>>
      tpu.wait_dma2 semaphore(%run_scoped3A_192 : memref<!tpu.dma_semaphore, #tpu.memory_space<semaphore_mem>>) src(%dma_wait3A_208 : memref<25x80xi32, #tpu.memory_space<hbm>>) dst(%arg7 : memref<25x80xi32, #tpu.memory_space<vmem>>)
      tpu.yield
    }) : () -> ()
    %dma_start3A_159 = arith.constant 0 : i32
    %dma_start3A_160 = arith.constant 0 : i32
    %dma_start3A_161 = tpu.memref_slice %arg7[%dma_start3A_159, %dma_start3A_160] : memref<25x80xi32, #tpu.memory_space<vmem>> -> memref<1x80xi32, #tpu.memory_space<vmem>>
    %dma_start3A_162 = tpu.memref_squeeze %dma_start3A_161 : memref<1x80xi32, #tpu.memory_space<vmem>> -> memref<80xi32, #tpu.memory_space<vmem>>
    %dma_start3A_163 = arith.constant 0 : i32
    %dma_start3A_164 = arith.constant 0 : i32
    %dma_start3A_165 = tpu.memref_slice %arg2[%dma_start3A_163, %dma_start3A_164] : memref<10000x128xf32, #tpu.memory_space<hbm>> -> memref<10000x128xf32, #tpu.memory_space<hbm>>
    tpu.enqueue_indirect_dma source(%dma_start3A_165 : memref<10000x128xf32, #tpu.memory_space<hbm>>) target(%arg8 : memref<80x128xf32, #tpu.memory_space<vmem>>) offsets(%dma_start3A_162 : memref<80xi32, #tpu.memory_space<vmem>>) semaphore(%arg12 : memref<!tpu.dma_semaphore, #tpu.memory_space<semaphore_mem>>)
    %dma_start3A_166 = arith.constant 1 : i32
    %dma_start3A_167 = arith.constant 0 : i32
    %dma_start3A_168 = tpu.memref_slice %arg7[%dma_start3A_166, %dma_start3A_167] : memref<25x80xi32, #tpu.memory_space<vmem>> -> memref<1x80xi32, #tpu.memory_space<vmem>>
    %dma_start3A_169 = tpu.memref_squeeze %dma_start3A_168 : memref<1x80xi32, #tpu.memory_space<vmem>> -> memref<80xi32, #tpu.memory_space<vmem>>
    %dma_start3A_170 = arith.constant 0 : i32
    %dma_start3A_171 = arith.constant 0 : i32
    %dma_start3A_172 = tpu.memref_slice %arg2[%dma_start3A_170, %dma_start3A_171] : memref<10000x128xf32, #tpu.memory_space<hbm>> -> memref<10000x128xf32, #tpu.memory_space<hbm>>
    tpu.enqueue_indirect_dma source(%dma_start3A_172 : memref<10000x128xf32, #tpu.memory_space<hbm>>) target(%arg9 : memref<80x128xf32, #tpu.memory_space<vmem>>) offsets(%dma_start3A_169 : memref<80xi32, #tpu.memory_space<vmem>>) semaphore(%arg13 : memref<!tpu.dma_semaphore, #tpu.memory_space<semaphore_mem>>)
    %scan3A_173 = arith.constant 0 : i32
    %scan3A_174 = arith.constant 0 : i32
    %scan3A_175 = arith.constant 25 : i32
    %scan3A_176 = arith.addi %scan3A_174, %scan3A_175 : i32
    %scan3A_177 = arith.constant 1 : i32
    %scan3A_178 = scf.for %scan3A_192 = %scan3A_174 to %scan3A_176 step %scan3A_177 iter_args(%scan3A_193 = %scan3A_173) -> (i32)  : i32 {
      %jit3A = arith.constant 3 : i32
      %eq3A = arith.constant 0 : i32
      %eq3A_194 = arith.cmpi eq, %jit3A, %eq3A : i32
      %jit3A_195 = arith.constant 1 : i32
      %select_n3A = arith.select %eq3A_194, %jit3A_195, %jit3A : i32
      %rem3A = arith.remsi %scan3A_192, %select_n3A : i32
      %ne3A = arith.constant 0 : i32
      %ne3A_196 = arith.cmpi ne, %rem3A, %ne3A : i32
      %lt3A = arith.constant 0 : i32
      %lt3A_197 = arith.cmpi slt, %rem3A, %lt3A : i32
      %lt3A_198 = arith.constant 0 : i32
      %lt3A_199 = arith.cmpi slt, %select_n3A, %lt3A_198 : i32
      %ne3A_200 = arith.xori %lt3A_197, %lt3A_199 : i1
      %and3A = arith.andi %ne3A_200, %ne3A_196 : i1
      %add3A_201 = arith.addi %rem3A, %select_n3A : i32
      %select_n3A_202 = arith.select %and3A, %add3A_201, %rem3A : i32
      %eq3A_203 = arith.constant 0 : i32
      %eq3A_204 = arith.cmpi eq, %select_n3A_202, %eq3A_203 : i32
      %convert_element_type3A = arith.extui %eq3A_204 : i1 to i32
      %cond3A = arith.constant 0 : i32
      %cond3A_205 = arith.cmpi ne, %convert_element_type3A, %cond3A : i32
      scf.if %cond3A_205 {
        %dma_wait3A_249 = arith.constant 0 : i32
        %dma_wait3A_250 = tpu.memref_slice %arg7[%scan3A_192, %dma_wait3A_249] : memref<25x80xi32, #tpu.memory_space<vmem>> -> memref<1x80xi32, #tpu.memory_space<vmem>>
        %dma_wait3A_251 = tpu.memref_squeeze %dma_wait3A_250 : memref<1x80xi32, #tpu.memory_space<vmem>> -> memref<80xi32, #tpu.memory_space<vmem>>
        %dma_wait3A_252 = arith.constant 0 : i32
        %dma_wait3A_253 = arith.constant 0 : i32
        %dma_wait3A_254 = tpu.memref_slice %arg2[%dma_wait3A_252, %dma_wait3A_253] : memref<10000x128xf32, #tpu.memory_space<hbm>> -> memref<10000x128xf32, #tpu.memory_space<hbm>>
        tpu.wait_indirect_dma semaphore(%arg12 : memref<!tpu.dma_semaphore, #tpu.memory_space<semaphore_mem>>) src(%dma_wait3A_254 : memref<10000x128xf32, #tpu.memory_space<hbm>>) dst(%arg8 : memref<80x128xf32, #tpu.memory_space<vmem>>)
        %dma_start3A_255 = arith.constant 0 : i32
        %dma_start3A_256 = tpu.memref_slice %arg6[%scan3A_192, %dma_start3A_255] : memref<25x80xi32, #tpu.memory_space<vmem>> -> memref<1x80xi32, #tpu.memory_space<vmem>>
        %dma_start3A_257 = tpu.memref_squeeze %dma_start3A_256 : memref<1x80xi32, #tpu.memory_space<vmem>> -> memref<80xi32, #tpu.memory_space<vmem>>
        %dma_start3A_258 = arith.constant 0 : i32
        %dma_start3A_259 = arith.constant 0 : i32
        %dma_start3A_260 = tpu.memref_slice %arg11[%dma_start3A_258, %dma_start3A_259] : memref<10240x128xf32, #tpu.memory_space<vmem_shared>> -> memref<10240x128xf32, #tpu.memory_space<vmem_shared>>
        tpu.enqueue_indirect_dma source(%arg8 : memref<80x128xf32, #tpu.memory_space<vmem>>) target(%dma_start3A_260 : memref<10240x128xf32, #tpu.memory_space<vmem_shared>>) offsets(%dma_start3A_257 : memref<80xi32, #tpu.memory_space<vmem>>) semaphore(%arg15 : memref<!tpu.dma_semaphore, #tpu.memory_space<semaphore_mem>>) {add = true}
        %ge3A = arith.constant 1 : i32
        %ge3A_261 = arith.cmpi sge, %scan3A_192, %ge3A : i32
        %convert_element_type3A_262 = arith.extui %ge3A_261 : i1 to i32
        %cond3A_263 = arith.constant 0 : i32
        %cond3A_264 = arith.cmpi ne, %convert_element_type3A_262, %cond3A_263 : i32
        scf.if %cond3A_264 {
          %dma_wait3A_272 = arith.constant 0 : i32
          %dma_wait3A_273 = tpu.memref_slice %arg6[%scan3A_192, %dma_wait3A_272] : memref<25x80xi32, #tpu.memory_space<vmem>> -> memref<1x80xi32, #tpu.memory_space<vmem>>
          %dma_wait3A_274 = tpu.memref_squeeze %dma_wait3A_273 : memref<1x80xi32, #tpu.memory_space<vmem>> -> memref<80xi32, #tpu.memory_space<vmem>>
          %dma_wait3A_275 = arith.constant 0 : i32
          %dma_wait3A_276 = arith.constant 0 : i32
          %dma_wait3A_277 = tpu.memref_slice %arg11[%dma_wait3A_275, %dma_wait3A_276] : memref<10240x128xf32, #tpu.memory_space<vmem_shared>> -> memref<10240x128xf32, #tpu.memory_space<vmem_shared>>
          tpu.wait_indirect_dma semaphore(%arg17 : memref<!tpu.dma_semaphore, #tpu.memory_space<semaphore_mem>>) src(%arg10 : memref<80x128xf32, #tpu.memory_space<vmem>>) dst(%dma_wait3A_277 : memref<10240x128xf32, #tpu.memory_space<vmem_shared>>)
        } else {
        }
        %add3A_265 = arith.constant 2 : i32
        %add3A_266 = arith.addi %scan3A_192, %add3A_265 : i32
        %lt3A_267 = arith.constant 25 : i32
        %lt3A_268 = arith.cmpi slt, %add3A_266, %lt3A_267 : i32
        %convert_element_type3A_269 = arith.extui %lt3A_268 : i1 to i32
        %cond3A_270 = arith.constant 0 : i32
        %cond3A_271 = arith.cmpi ne, %convert_element_type3A_269, %cond3A_270 : i32
        scf.if %cond3A_271 {
          %add3A_272 = arith.constant 2 : i32
          %add3A_273 = arith.addi %scan3A_192, %add3A_272 : i32
          %dma_start3A_274 = arith.constant 0 : i32
          %dma_start3A_275 = tpu.memref_slice %arg7[%add3A_273, %dma_start3A_274] : memref<25x80xi32, #tpu.memory_space<vmem>> -> memref<1x80xi32, #tpu.memory_space<vmem>>
          %dma_start3A_276 = tpu.memref_squeeze %dma_start3A_275 : memref<1x80xi32, #tpu.memory_space<vmem>> -> memref<80xi32, #tpu.memory_space<vmem>>
          %dma_start3A_277 = arith.constant 0 : i32
          %dma_start3A_278 = arith.constant 0 : i32
          %dma_start3A_279 = tpu.memref_slice %arg2[%dma_start3A_277, %dma_start3A_278] : memref<10000x128xf32, #tpu.memory_space<hbm>> -> memref<10000x128xf32, #tpu.memory_space<hbm>>
          tpu.enqueue_indirect_dma source(%dma_start3A_279 : memref<10000x128xf32, #tpu.memory_space<hbm>>) target(%arg10 : memref<80x128xf32, #tpu.memory_space<vmem>>) offsets(%dma_start3A_276 : memref<80xi32, #tpu.memory_space<vmem>>) semaphore(%arg14 : memref<!tpu.dma_semaphore, #tpu.memory_space<semaphore_mem>>)
        } else {
        }
      } else {
      }
      %jit3A_206 = arith.constant 3 : i32
      %eq3A_207 = arith.constant 0 : i32
      %eq3A_208 = arith.cmpi eq, %jit3A_206, %eq3A_207 : i32
      %jit3A_209 = arith.constant 1 : i32
      %select_n3A_210 = arith.select %eq3A_208, %jit3A_209, %jit3A_206 : i32
      %rem3A_211 = arith.remsi %scan3A_192, %select_n3A_210 : i32
      %ne3A_212 = arith.constant 0 : i32
      %ne3A_213 = arith.cmpi ne, %rem3A_211, %ne3A_212 : i32
      %lt3A_214 = arith.constant 0 : i32
      %lt3A_215 = arith.cmpi slt, %rem3A_211, %lt3A_214 : i32
      %lt3A_216 = arith.constant 0 : i32
      %lt3A_217 = arith.cmpi slt, %select_n3A_210, %lt3A_216 : i32
      %ne3A_218 = arith.xori %lt3A_215, %lt3A_217 : i1
      %and3A_219 = arith.andi %ne3A_218, %ne3A_213 : i1
      %add3A_220 = arith.addi %rem3A_211, %select_n3A_210 : i32
      %select_n3A_221 = arith.select %and3A_219, %add3A_220, %rem3A_211 : i32
      %eq3A_222 = arith.constant 1 : i32
      %eq3A_223 = arith.cmpi eq, %select_n3A_221, %eq3A_222 : i32
      %convert_element_type3A_224 = arith.extui %eq3A_223 : i1 to i32
      %cond3A_225 = arith.constant 0 : i32
      %cond3A_226 = arith.cmpi ne, %convert_element_type3A_224, %cond3A_225 : i32
      scf.if %cond3A_226 {
        %dma_wait3A_249 = arith.constant 0 : i32
        %dma_wait3A_250 = tpu.memref_slice %arg7[%scan3A_192, %dma_wait3A_249] : memref<25x80xi32, #tpu.memory_space<vmem>> -> memref<1x80xi32, #tpu.memory_space<vmem>>
        %dma_wait3A_251 = tpu.memref_squeeze %dma_wait3A_250 : memref<1x80xi32, #tpu.memory_space<vmem>> -> memref<80xi32, #tpu.memory_space<vmem>>
        %dma_wait3A_252 = arith.constant 0 : i32
        %dma_wait3A_253 = arith.constant 0 : i32
        %dma_wait3A_254 = tpu.memref_slice %arg2[%dma_wait3A_252, %dma_wait3A_253] : memref<10000x128xf32, #tpu.memory_space<hbm>> -> memref<10000x128xf32, #tpu.memory_space<hbm>>
        tpu.wait_indirect_dma semaphore(%arg13 : memref<!tpu.dma_semaphore, #tpu.memory_space<semaphore_mem>>) src(%dma_wait3A_254 : memref<10000x128xf32, #tpu.memory_space<hbm>>) dst(%arg9 : memref<80x128xf32, #tpu.memory_space<vmem>>)
        %dma_start3A_255 = arith.constant 0 : i32
        %dma_start3A_256 = tpu.memref_slice %arg6[%scan3A_192, %dma_start3A_255] : memref<25x80xi32, #tpu.memory_space<vmem>> -> memref<1x80xi32, #tpu.memory_space<vmem>>
        %dma_start3A_257 = tpu.memref_squeeze %dma_start3A_256 : memref<1x80xi32, #tpu.memory_space<vmem>> -> memref<80xi32, #tpu.memory_space<vmem>>
        %dma_start3A_258 = arith.constant 0 : i32
        %dma_start3A_259 = arith.constant 0 : i32
        %dma_start3A_260 = tpu.memref_slice %arg11[%dma_start3A_258, %dma_start3A_259] : memref<10240x128xf32, #tpu.memory_space<vmem_shared>> -> memref<10240x128xf32, #tpu.memory_space<vmem_shared>>
        tpu.enqueue_indirect_dma source(%arg9 : memref<80x128xf32, #tpu.memory_space<vmem>>) target(%dma_start3A_260 : memref<10240x128xf32, #tpu.memory_space<vmem_shared>>) offsets(%dma_start3A_257 : memref<80xi32, #tpu.memory_space<vmem>>) semaphore(%arg16 : memref<!tpu.dma_semaphore, #tpu.memory_space<semaphore_mem>>) {add = true}
        %ge3A = arith.constant 1 : i32
        %ge3A_261 = arith.cmpi sge, %scan3A_192, %ge3A : i32
        %convert_element_type3A_262 = arith.extui %ge3A_261 : i1 to i32
        %cond3A_263 = arith.constant 0 : i32
        %cond3A_264 = arith.cmpi ne, %convert_element_type3A_262, %cond3A_263 : i32
        scf.if %cond3A_264 {
          %dma_wait3A_272 = arith.constant 0 : i32
          %dma_wait3A_273 = tpu.memref_slice %arg6[%scan3A_192, %dma_wait3A_272] : memref<25x80xi32, #tpu.memory_space<vmem>> -> memref<1x80xi32, #tpu.memory_space<vmem>>
          %dma_wait3A_274 = tpu.memref_squeeze %dma_wait3A_273 : memref<1x80xi32, #tpu.memory_space<vmem>> -> memref<80xi32, #tpu.memory_space<vmem>>
          %dma_wait3A_275 = arith.constant 0 : i32
          %dma_wait3A_276 = arith.constant 0 : i32
          %dma_wait3A_277 = tpu.memref_slice %arg11[%dma_wait3A_275, %dma_wait3A_276] : memref<10240x128xf32, #tpu.memory_space<vmem_shared>> -> memref<10240x128xf32, #tpu.memory_space<vmem_shared>>
          tpu.wait_indirect_dma semaphore(%arg15 : memref<!tpu.dma_semaphore, #tpu.memory_space<semaphore_mem>>) src(%arg8 : memref<80x128xf32, #tpu.memory_space<vmem>>) dst(%dma_wait3A_277 : memref<10240x128xf32, #tpu.memory_space<vmem_shared>>)
        } else {
        }
        %add3A_265 = arith.constant 2 : i32
        %add3A_266 = arith.addi %scan3A_192, %add3A_265 : i32
        %lt3A_267 = arith.constant 25 : i32
        %lt3A_268 = arith.cmpi slt, %add3A_266, %lt3A_267 : i32
        %convert_element_type3A_269 = arith.extui %lt3A_268 : i1 to i32
        %cond3A_270 = arith.constant 0 : i32
        %cond3A_271 = arith.cmpi ne, %convert_element_type3A_269, %cond3A_270 : i32
        scf.if %cond3A_271 {
          %add3A_272 = arith.constant 2 : i32
          %add3A_273 = arith.addi %scan3A_192, %add3A_272 : i32
          %dma_start3A_274 = arith.constant 0 : i32
          %dma_start3A_275 = tpu.memref_slice %arg7[%add3A_273, %dma_start3A_274] : memref<25x80xi32, #tpu.memory_space<vmem>> -> memref<1x80xi32, #tpu.memory_space<vmem>>
          %dma_start3A_276 = tpu.memref_squeeze %dma_start3A_275 : memref<1x80xi32, #tpu.memory_space<vmem>> -> memref<80xi32, #tpu.memory_space<vmem>>
          %dma_start3A_277 = arith.constant 0 : i32
          %dma_start3A_278 = arith.constant 0 : i32
          %dma_start3A_279 = tpu.memref_slice %arg2[%dma_start3A_277, %dma_start3A_278] : memref<10000x128xf32, #tpu.memory_space<hbm>> -> memref<10000x128xf32, #tpu.memory_space<hbm>>
          tpu.enqueue_indirect_dma source(%dma_start3A_279 : memref<10000x128xf32, #tpu.memory_space<hbm>>) target(%arg8 : memref<80x128xf32, #tpu.memory_space<vmem>>) offsets(%dma_start3A_276 : memref<80xi32, #tpu.memory_space<vmem>>) semaphore(%arg12 : memref<!tpu.dma_semaphore, #tpu.memory_space<semaphore_mem>>)
        } else {
        }
      } else {
      }
      %jit3A_227 = arith.constant 3 : i32
      %eq3A_228 = arith.constant 0 : i32
      %eq3A_229 = arith.cmpi eq, %jit3A_227, %eq3A_228 : i32
      %jit3A_230 = arith.constant 1 : i32
      %select_n3A_231 = arith.select %eq3A_229, %jit3A_230, %jit3A_227 : i32
      %rem3A_232 = arith.remsi %scan3A_192, %select_n3A_231 : i32
      %ne3A_233 = arith.constant 0 : i32
      %ne3A_234 = arith.cmpi ne, %rem3A_232, %ne3A_233 : i32
      %lt3A_235 = arith.constant 0 : i32
      %lt3A_236 = arith.cmpi slt, %rem3A_232, %lt3A_235 : i32
      %lt3A_237 = arith.constant 0 : i32
      %lt3A_238 = arith.cmpi slt, %select_n3A_231, %lt3A_237 : i32
      %ne3A_239 = arith.xori %lt3A_236, %lt3A_238 : i1
      %and3A_240 = arith.andi %ne3A_239, %ne3A_234 : i1
      %add3A_241 = arith.addi %rem3A_232, %select_n3A_231 : i32
      %select_n3A_242 = arith.select %and3A_240, %add3A_241, %rem3A_232 : i32
      %eq3A_243 = arith.constant 2 : i32
      %eq3A_244 = arith.cmpi eq, %select_n3A_242, %eq3A_243 : i32
      %convert_element_type3A_245 = arith.extui %eq3A_244 : i1 to i32
      %cond3A_246 = arith.constant 0 : i32
      %cond3A_247 = arith.cmpi ne, %convert_element_type3A_245, %cond3A_246 : i32
      scf.if %cond3A_247 {
        %dma_wait3A_249 = arith.constant 0 : i32
        %dma_wait3A_250 = tpu.memref_slice %arg7[%scan3A_192, %dma_wait3A_249] : memref<25x80xi32, #tpu.memory_space<vmem>> -> memref<1x80xi32, #tpu.memory_space<vmem>>
        %dma_wait3A_251 = tpu.memref_squeeze %dma_wait3A_250 : memref<1x80xi32, #tpu.memory_space<vmem>> -> memref<80xi32, #tpu.memory_space<vmem>>
        %dma_wait3A_252 = arith.constant 0 : i32
        %dma_wait3A_253 = arith.constant 0 : i32
        %dma_wait3A_254 = tpu.memref_slice %arg2[%dma_wait3A_252, %dma_wait3A_253] : memref<10000x128xf32, #tpu.memory_space<hbm>> -> memref<10000x128xf32, #tpu.memory_space<hbm>>
        tpu.wait_indirect_dma semaphore(%arg14 : memref<!tpu.dma_semaphore, #tpu.memory_space<semaphore_mem>>) src(%dma_wait3A_254 : memref<10000x128xf32, #tpu.memory_space<hbm>>) dst(%arg10 : memref<80x128xf32, #tpu.memory_space<vmem>>)
        %dma_start3A_255 = arith.constant 0 : i32
        %dma_start3A_256 = tpu.memref_slice %arg6[%scan3A_192, %dma_start3A_255] : memref<25x80xi32, #tpu.memory_space<vmem>> -> memref<1x80xi32, #tpu.memory_space<vmem>>
        %dma_start3A_257 = tpu.memref_squeeze %dma_start3A_256 : memref<1x80xi32, #tpu.memory_space<vmem>> -> memref<80xi32, #tpu.memory_space<vmem>>
        %dma_start3A_258 = arith.constant 0 : i32
        %dma_start3A_259 = arith.constant 0 : i32
        %dma_start3A_260 = tpu.memref_slice %arg11[%dma_start3A_258, %dma_start3A_259] : memref<10240x128xf32, #tpu.memory_space<vmem_shared>> -> memref<10240x128xf32, #tpu.memory_space<vmem_shared>>
        tpu.enqueue_indirect_dma source(%arg10 : memref<80x128xf32, #tpu.memory_space<vmem>>) target(%dma_start3A_260 : memref<10240x128xf32, #tpu.memory_space<vmem_shared>>) offsets(%dma_start3A_257 : memref<80xi32, #tpu.memory_space<vmem>>) semaphore(%arg17 : memref<!tpu.dma_semaphore, #tpu.memory_space<semaphore_mem>>) {add = true}
        %ge3A = arith.constant 1 : i32
        %ge3A_261 = arith.cmpi sge, %scan3A_192, %ge3A : i32
        %convert_element_type3A_262 = arith.extui %ge3A_261 : i1 to i32
        %cond3A_263 = arith.constant 0 : i32
        %cond3A_264 = arith.cmpi ne, %convert_element_type3A_262, %cond3A_263 : i32
        scf.if %cond3A_264 {
          %dma_wait3A_272 = arith.constant 0 : i32
          %dma_wait3A_273 = tpu.memref_slice %arg6[%scan3A_192, %dma_wait3A_272] : memref<25x80xi32, #tpu.memory_space<vmem>> -> memref<1x80xi32, #tpu.memory_space<vmem>>
          %dma_wait3A_274 = tpu.memref_squeeze %dma_wait3A_273 : memref<1x80xi32, #tpu.memory_space<vmem>> -> memref<80xi32, #tpu.memory_space<vmem>>
          %dma_wait3A_275 = arith.constant 0 : i32
          %dma_wait3A_276 = arith.constant 0 : i32
          %dma_wait3A_277 = tpu.memref_slice %arg11[%dma_wait3A_275, %dma_wait3A_276] : memref<10240x128xf32, #tpu.memory_space<vmem_shared>> -> memref<10240x128xf32, #tpu.memory_space<vmem_shared>>
          tpu.wait_indirect_dma semaphore(%arg16 : memref<!tpu.dma_semaphore, #tpu.memory_space<semaphore_mem>>) src(%arg9 : memref<80x128xf32, #tpu.memory_space<vmem>>) dst(%dma_wait3A_277 : memref<10240x128xf32, #tpu.memory_space<vmem_shared>>)
        } else {
        }
        %add3A_265 = arith.constant 2 : i32
        %add3A_266 = arith.addi %scan3A_192, %add3A_265 : i32
        %lt3A_267 = arith.constant 25 : i32
        %lt3A_268 = arith.cmpi slt, %add3A_266, %lt3A_267 : i32
        %convert_element_type3A_269 = arith.extui %lt3A_268 : i1 to i32
        %cond3A_270 = arith.constant 0 : i32
        %cond3A_271 = arith.cmpi ne, %convert_element_type3A_269, %cond3A_270 : i32
        scf.if %cond3A_271 {
          %add3A_272 = arith.constant 2 : i32
          %add3A_273 = arith.addi %scan3A_192, %add3A_272 : i32
          %dma_start3A_274 = arith.constant 0 : i32
          %dma_start3A_275 = tpu.memref_slice %arg7[%add3A_273, %dma_start3A_274] : memref<25x80xi32, #tpu.memory_space<vmem>> -> memref<1x80xi32, #tpu.memory_space<vmem>>
          %dma_start3A_276 = tpu.memref_squeeze %dma_start3A_275 : memref<1x80xi32, #tpu.memory_space<vmem>> -> memref<80xi32, #tpu.memory_space<vmem>>
          %dma_start3A_277 = arith.constant 0 : i32
          %dma_start3A_278 = arith.constant 0 : i32
          %dma_start3A_279 = tpu.memref_slice %arg2[%dma_start3A_277, %dma_start3A_278] : memref<10000x128xf32, #tpu.memory_space<hbm>> -> memref<10000x128xf32, #tpu.memory_space<hbm>>
          tpu.enqueue_indirect_dma source(%dma_start3A_279 : memref<10000x128xf32, #tpu.memory_space<hbm>>) target(%arg9 : memref<80x128xf32, #tpu.memory_space<vmem>>) offsets(%dma_start3A_276 : memref<80xi32, #tpu.memory_space<vmem>>) semaphore(%arg13 : memref<!tpu.dma_semaphore, #tpu.memory_space<semaphore_mem>>)
        } else {
        }
      } else {
      }
      %scan3A_248 = arith.constant 0 : i32
      scf.yield %scan3A_248 : i32
    }
    %scan3A_179 = arith.constant 25 : i32
    %dma_wait3A_180 = arith.constant 0 : i32
    %dma_wait3A_181 = arith.constant 0 : i32
    %dma_wait3A_182 = tpu.memref_slice %arg6[%dma_wait3A_180, %dma_wait3A_181] : memref<25x80xi32, #tpu.memory_space<vmem>> -> memref<1x80xi32, #tpu.memory_space<vmem>>
    %dma_wait3A_183 = tpu.memref_squeeze %dma_wait3A_182 : memref<1x80xi32, #tpu.memory_space<vmem>> -> memref<80xi32, #tpu.memory_space<vmem>>
    %dma_wait3A_184 = arith.constant 0 : i32
    %dma_wait3A_185 = arith.constant 0 : i32
    %dma_wait3A_186 = tpu.memref_slice %arg11[%dma_wait3A_184, %dma_wait3A_185] : memref<10240x128xf32, #tpu.memory_space<vmem_shared>> -> memref<10240x128xf32, #tpu.memory_space<vmem_shared>>
    tpu.wait_indirect_dma semaphore(%arg15 : memref<!tpu.dma_semaphore, #tpu.memory_space<semaphore_mem>>) src(%arg8 : memref<80x128xf32, #tpu.memory_space<vmem>>) dst(%dma_wait3A_186 : memref<10240x128xf32, #tpu.memory_space<vmem_shared>>)
    %barrier3A_187 = arith.constant 0 : index
    tpu.barrier barrier_id(%barrier3A_187)
    %mul3A_188 = arith.constant 640 : i32
    %mul3A_189 = arith.muli %arg1, %mul3A_188 : i32
    %mul3A_190 = arith.constant 640 : i32
    %mul3A_191 = arith.muli %arg1, %mul3A_190 : i32
    "tpu.region"() ({
      %run_scoped3A_192 = tpu.sem_alloc : memref<!tpu.dma_semaphore, #tpu.memory_space<semaphore_mem>>
      %dma_start3A_193 = arith.constant 0 : i32
      %dma_start3A_194 = tpu.memref_slice %arg5[%arg0, %mul3A_191, %dma_start3A_193] : memref<2x10240x128xf32, #tpu.memory_space<hbm>> -> memref<1x640x128xf32, #tpu.memory_space<hbm>>
      %dma_start3A_195 = tpu.memref_squeeze %dma_start3A_194 : memref<1x640x128xf32, #tpu.memory_space<hbm>> -> memref<640x128xf32, #tpu.memory_space<hbm>>
      %dma_start3A_196 = arith.constant 0 : i32
      %dma_start3A_197 = tpu.memref_slice %arg11[%mul3A_189, %dma_start3A_196] : memref<10240x128xf32, #tpu.memory_space<vmem_shared>> -> memref<640x128xf32, #tpu.memory_space<vmem_shared>>
      tpu.enqueue_dma source(%dma_start3A_197 : memref<640x128xf32, #tpu.memory_space<vmem_shared>>) target(%dma_start3A_195 : memref<640x128xf32, #tpu.memory_space<hbm>>) target_semaphore(%run_scoped3A_192 : memref<!tpu.dma_semaphore, #tpu.memory_space<semaphore_mem>>)
      %dma_wait3A_198 = arith.constant 0 : i32
      %dma_wait3A_199 = tpu.memref_slice %arg5[%arg0, %mul3A_191, %dma_wait3A_198] : memref<2x10240x128xf32, #tpu.memory_space<hbm>> -> memref<1x640x128xf32, #tpu.memory_space<hbm>>
      %dma_wait3A_200 = tpu.memref_squeeze %dma_wait3A_199 : memref<1x640x128xf32, #tpu.memory_space<hbm>> -> memref<640x128xf32, #tpu.memory_space<hbm>>
      %dma_wait3A_201 = arith.constant 0 : i32
      %dma_wait3A_202 = tpu.memref_slice %arg11[%mul3A_189, %dma_wait3A_201] : memref<10240x128xf32, #tpu.memory_space<vmem_shared>> -> memref<640x128xf32, #tpu.memory_space<vmem_shared>>
      tpu.wait_dma2 semaphore(%run_scoped3A_192 : memref<!tpu.dma_semaphore, #tpu.memory_space<semaphore_mem>>) src(%dma_wait3A_202 : memref<640x128xf32, #tpu.memory_space<vmem_shared>>) dst(%dma_wait3A_200 : memref<640x128xf32, #tpu.memory_space<hbm>>)
      tpu.yield
    }) : () -> ()
    return
  }
}

module attributes {stable_mosaic.version = 14 : i64} {
  func.func @_scale_body(%arg0: i32, %arg1: memref<2x1000x16xf32, #tpu.memory_space<vmem>>, %arg2: memref<1000x128xf32, #tpu.memory_space<vmem>>, %arg3: memref<1000x128xf32, #tpu.memory_space<vmem>>) attributes {dimension_semantics = [#tpu.dimension_semantics<arbitrary>], iteration_bounds = array<i64: 10>, scalar_prefetch = 0 : i64, scratch_operands = 0 : i64, tpu.core_type = #tpu.core_type<tc>, window_params = [{transform_indices = @transform_0, window_bounds = array<i64: 2, 1000, 16>}, {transform_indices = @transform_1, window_bounds = array<i64: 1000, 128>}, {transform_indices = @transform_2, window_bounds = array<i64: 1000, 128>}]} {
    %get3A = arith.constant 0 : index
    %get3A_0 = arith.constant 0 : index
    %get3A_1 = arith.constant 0 : index
    %get3A_2 = vector.load %arg1[%get3A, %get3A_0, %get3A_1] : memref<2x1000x16xf32, #tpu.memory_space<vmem>>, vector<1x1000x16xf32>
    %get3A_3 = vector.shape_cast %get3A_2 : vector<1x1000x16xf32> to vector<1000x16xf32>
    %get3A_4 = arith.constant 1 : index
    %get3A_5 = arith.constant 0 : index
    %get3A_6 = arith.constant 0 : index
    %get3A_7 = vector.load %arg1[%get3A_4, %get3A_5, %get3A_6] : memref<2x1000x16xf32, #tpu.memory_space<vmem>>, vector<1x1000x16xf32>
    %get3A_8 = vector.shape_cast %get3A_7 : vector<1x1000x16xf32> to vector<1000x16xf32>
    %add3A = arith.addf %get3A_3, %get3A_8 : vector<1000x16xf32>
    %gt3A = arith.constant 0.000000e+00 : f32
    %gt3A_9 = vector.broadcast %gt3A : f32 to vector<1000x16xf32>
    %gt3A_10 = arith.cmpf ogt, %add3A, %gt3A_9 : vector<1000x16xf32>
    %rsqrt3A = math.rsqrt %add3A : vector<1000x16xf32>
    %broadcast_in_dim3A = arith.constant 0.000000e+00 : f32
    %broadcast_in_dim3A_11 = vector.broadcast %broadcast_in_dim3A : f32 to vector<1000x16xf32>
    %select_n3A = arith.select %gt3A_10, %rsqrt3A, %broadcast_in_dim3A_11 : vector<1000x16xi1>, vector<1000x16xf32>
    %get3A_12 = arith.constant 0 : index
    %get3A_13 = arith.constant 0 : index
    %get3A_14 = vector.load %arg2[%get3A_12, %get3A_13] : memref<1000x128xf32, #tpu.memory_space<vmem>>, vector<1000x128xf32>
    %slice3A = vector.extract_strided_slice %select_n3A {offsets = [0, 0], sizes = [1000, 1], strides = [1, 1]} : vector<1000x16xf32> to vector<1000x1xf32>
    %mul3A = vector.broadcast %slice3A : vector<1000x1xf32> to vector<1000x128xf32>
    %mul3A_15 = arith.mulf %get3A_14, %mul3A : vector<1000x128xf32>
    %swap3A = arith.constant 0 : index
    %swap3A_16 = arith.constant 0 : index
    %swap3A_17 = vector.load %arg3[%swap3A, %swap3A_16] : memref<1000x128xf32, #tpu.memory_space<vmem>>, vector<1000x128xf32>
    tpu.vector_store %arg3[%swap3A, %swap3A_16], %mul3A_15 {strides = array<i32>} : memref<1000x128xf32, #tpu.memory_space<vmem>>, vector<1000x128xf32>,
    return
  }
  func.func @transform_0(%arg0: i32) -> (i32, i32, i32) {
    %c0_i32 = arith.constant 0 : i32
    %c0_i32_0 = arith.constant 0 : i32
    %c0_i32_1 = arith.constant 0 : i32
    return %c0_i32, %arg0, %c0_i32_0 : i32, i32, i32
  }
  func.func @transform_1(%arg0: i32) -> (i32, i32) {
    %c0_i32 = arith.constant 0 : i32
    %c0_i32_0 = arith.constant 0 : i32
    return %arg0, %c0_i32 : i32, i32
  }
  func.func @transform_2(%arg0: i32) -> (i32, i32) {
    %c0_i32 = arith.constant 0 : i32
    %c0_i32_0 = arith.constant 0 : i32
    return %arg0, %c0_i32 : i32, i32
  }
}

module attributes {stable_mosaic.version = 14 : i64} {
  func.func @_final_body(%arg0: i32, %arg1: memref<2x1000x128xf32, #tpu.memory_space<vmem>>, %arg2: memref<2x1000x16xf32, #tpu.memory_space<vmem>>, %arg3: memref<1000x128xf32, #tpu.memory_space<vmem>>) attributes {dimension_semantics = [#tpu.dimension_semantics<arbitrary>], iteration_bounds = array<i64: 10>, scalar_prefetch = 0 : i64, scratch_operands = 0 : i64, tpu.core_type = #tpu.core_type<tc>, window_params = [{transform_indices = @transform_0, window_bounds = array<i64: 2, 1000, 128>}, {transform_indices = @transform_1, window_bounds = array<i64: 2, 1000, 16>}, {transform_indices = @transform_2, window_bounds = array<i64: 1000, 128>}]} {
    %get3A = arith.constant 0 : index
    %get3A_0 = arith.constant 0 : index
    %get3A_1 = arith.constant 0 : index
    %get3A_2 = vector.load %arg2[%get3A, %get3A_0, %get3A_1] : memref<2x1000x16xf32, #tpu.memory_space<vmem>>, vector<1x1000x16xf32>
    %get3A_3 = vector.shape_cast %get3A_2 : vector<1x1000x16xf32> to vector<1000x16xf32>
    %get3A_4 = arith.constant 1 : index
    %get3A_5 = arith.constant 0 : index
    %get3A_6 = arith.constant 0 : index
    %get3A_7 = vector.load %arg2[%get3A_4, %get3A_5, %get3A_6] : memref<2x1000x16xf32, #tpu.memory_space<vmem>>, vector<1x1000x16xf32>
    %get3A_8 = vector.shape_cast %get3A_7 : vector<1x1000x16xf32> to vector<1000x16xf32>
    %add3A = arith.addf %get3A_3, %get3A_8 : vector<1000x16xf32>
    %gt3A = arith.constant 0.000000e+00 : f32
    %gt3A_9 = vector.broadcast %gt3A : f32 to vector<1000x16xf32>
    %gt3A_10 = arith.cmpf ogt, %add3A, %gt3A_9 : vector<1000x16xf32>
    %rsqrt3A = math.rsqrt %add3A : vector<1000x16xf32>
    %broadcast_in_dim3A = arith.constant 0.000000e+00 : f32
    %broadcast_in_dim3A_11 = vector.broadcast %broadcast_in_dim3A : f32 to vector<1000x16xf32>
    %select_n3A = arith.select %gt3A_10, %rsqrt3A, %broadcast_in_dim3A_11 : vector<1000x16xi1>, vector<1000x16xf32>
    %get3A_12 = arith.constant 0 : index
    %get3A_13 = arith.constant 0 : index
    %get3A_14 = arith.constant 0 : index
    %get3A_15 = vector.load %arg1[%get3A_12, %get3A_13, %get3A_14] : memref<2x1000x128xf32, #tpu.memory_space<vmem>>, vector<1x1000x128xf32>
    %get3A_16 = vector.shape_cast %get3A_15 : vector<1x1000x128xf32> to vector<1000x128xf32>
    %get3A_17 = arith.constant 1 : index
    %get3A_18 = arith.constant 0 : index
    %get3A_19 = arith.constant 0 : index
    %get3A_20 = vector.load %arg1[%get3A_17, %get3A_18, %get3A_19] : memref<2x1000x128xf32, #tpu.memory_space<vmem>>, vector<1x1000x128xf32>
    %get3A_21 = vector.shape_cast %get3A_20 : vector<1x1000x128xf32> to vector<1000x128xf32>
    %add3A_22 = arith.addf %get3A_16, %get3A_21 : vector<1000x128xf32>
    %slice3A = vector.extract_strided_slice %select_n3A {offsets = [0, 0], sizes = [1000, 1], strides = [1, 1]} : vector<1000x16xf32> to vector<1000x1xf32>
    %mul3A = vector.broadcast %slice3A : vector<1000x1xf32> to vector<1000x128xf32>
    %mul3A_23 = arith.mulf %add3A_22, %mul3A : vector<1000x128xf32>
    %swap3A = arith.constant 0 : index
    %swap3A_24 = arith.constant 0 : index
    %swap3A_25 = vector.load %arg3[%swap3A, %swap3A_24] : memref<1000x128xf32, #tpu.memory_space<vmem>>, vector<1000x128xf32>
    tpu.vector_store %arg3[%swap3A, %swap3A_24], %mul3A_23 {strides = array<i32>} : memref<1000x128xf32, #tpu.memory_space<vmem>>, vector<1000x128xf32>,
    return
  }
  func.func @transform_0(%arg0: i32) -> (i32, i32, i32) {
    %c0_i32 = arith.constant 0 : i32
    %c0_i32_0 = arith.constant 0 : i32
    %c0_i32_1 = arith.constant 0 : i32
    return %c0_i32, %arg0, %c0_i32_0 : i32, i32, i32
  }
  func.func @transform_1(%arg0: i32) -> (i32, i32, i32) {
    %c0_i32 = arith.constant 0 : i32
    %c0_i32_0 = arith.constant 0 : i32
    %c0_i32_1 = arith.constant 0 : i32
    return %c0_i32, %arg0, %c0_i32_0 : i32, i32, i32
  }
  func.func @transform_2(%arg0: i32) -> (i32, i32) {
    %c0_i32 = arith.constant 0 : i32
    %c0_i32_0 = arith.constant 0 : i32
    return %arg0, %c0_i32 : i32, i32
  }
}

</mosaic_0001>

<sc_bundles>
// kernel: kernel.6.cloned.1.call-start
scs
__scs_entry_jumppad:
0x0: {  	(pc) =	sbr.rel $0x88, $3  }
0x1: {  	(tag) =	ssettag $0x0;
	lr =	simm.s32 $0x1  }
0x2: {  	[smem:$0x3F9F] =	sst lr;
	_ =	strace $0xD0000000  }
0x3: {  	_ = 	snop  }
0x4: {  	_ = 	snop  }
0x5: {  	_ = 	snop  }
0x6: {  	_ = 	snop  }
0x7: {  	_ = 	snop  }
__scs_overlays_trampoline_lowered:
0x8: {  	[smem:$0x3FAE] =	sst s0  }
0x9: {  	[smem:$0x3FAF] =	sst s1  }
0xa: {  	[smem:$0x3FB0] =	sst s2  }
0xb: {  	[smem:$0x3FB1] =	sst s3  }
0xc: {  	[smem:$0x3FB2] =	sst s4  }
0xd: {  	[smem:$0x3FB3] =	sst s5  }
0xe: {  	[smem:$0x3FB4] =	sst s6  }
0xf: {  	[smem:$0x3FB5] =	sst s7  }
0x10: {  	[smem:$0x3FB6] =	sst s8  }
0x11: {  	[smem:$0x3FB7] =	sst s9;
	s0 =	simm.s32 @!p0 $0x0  }
0x12: {  	s1 =	sld [smem:$0x3F9D];
	s0 =	simm.s32 @p0 $0x1  }
0x13: {  	[smem:$0x3FB8] =	sst s0;
	s0 =	simm.s32 @!p1 $0x0  }
0x14: {  	s2 =	sld [smem:$0x3F9C];
	s0 =	simm.s32 @p1 $0x1  }
0x15: {  	[smem:$0x3FB9] =	sst s0;
	s0 =	simm.s32 @!p2 $0x0  }
0x16: {  	s3 =	sld [smem:$0x3FDB];
	s0 =	simm.s32 @p2 $0x1  }
0x17: {  	s4 =	simm.s32 $0x1BF5;
	[smem:$0x3FBB] =	sst s0  }
0x18: {  	s0 =	sld [smem:$0x3F9E];
	_ =	swait.ge [sflag:s4], $0x0  }
0x19: {  	s7 =	sld [smem:$0x3F9F]  }
0x1a: {  	s8 =	sadd.s32 $0xFFFFE003, lr  }
0x1b: {  	s9 =	sadd.s32 $0xFFFFFEF7, lr;
	s5 =	simm.s32 $0xFFFFFFFF;
	p2 =	slt.u32 s8, $0xFFFFF086  }
0x1c: {  	p1 =	slt.u32 s9, $0xF7A;
	s5 =	simm.s32 @!p2 $0x0  }
0x1d: {  	s5 =	simm.s32 @p1 $0x1;
	p0 =	seq.s32 s7, s2  }
0x1e: {  	s7 =	smul.u32 @!p0 $0xF7A, s2;
	p2 =	seq.s32 @!p0 s5, $0x0  }
0x1f: {  	s9 =	smul.u32 $0xF7A, s1;
	s8 =	simm.s32 @!p0 $0x1BF5;
	p2 =	por !p2, p0  }
0x20: {  	[sflag:s8] =	ssyncset.s32 @!p0 $0xFFFFF086;
	s6 =	sadd.s32 @!p0 s3, s7;
	s7 =	simm.s32 @!p0 $0x108  }
0x21: {  	s3 =	sadd.s32 s3, s9;
	s6 =	sadd.s32 @!p0 $0x88, s6;
	s7 =	simm.s32 @p2 $0x1082  }
0x22: {  	[simem:s7], [sflag:s8] =	dma.local @!p0 [hbm:s6], $0xF7A  }
0x23: {  	s9 =	sor.u32 $0xD0000000, s2;
	s6 =	simm.s32 $0x108;
	_ =	swait.ge @!p0 [sflag:s8], $0x0  }
0x24: {  	s3 =	sadd.s32 $0x88, s3;
	s6 =	simm.s32 @!p1 $0x1082;
	[sflag:s4] =	ssyncset.s32 $0xFFFFF086  }
0x25: {  	[simem:s6], [sflag:s4] =	dma.local [hbm:s3], $0xF7A  }
0x26: {  	[smem:$0x3F9F] =	sst s1;
	(tag) =	ssettag s2;
	_ =	strace s9  }
0x27: {  	s1 =	sld [smem:$0x3FAF]  }
0x28: {  	s2 =	sld [smem:$0x3FB0]  }
0x29: {  	s4 =	sld [smem:$0x3FB2]  }
0x2a: {  	p0 =	seq.s32 s5, $0x0;
	s5 =	sld [smem:$0x3FB3]  }
0x2b: {  	s6 =	sld [smem:$0x3FB4]  }
0x2c: {  	s7 =	sld [smem:$0x3FB5]  }
0x2d: {  	s3 =	simm.s32 $0x108;
	s8 =	sld [smem:$0x3FB6]  }
0x2e: {  	s3 =	simm.s32 @!p0 $0x1082;
	s9 =	sld [smem:$0x3FB7]  }
0x2f: {  	lr =	sadd.s32 s0, s3;
	s0 =	sld [smem:$0x3FAE]  }
0x30: {  	s3 =	sld [smem:$0x3FB1]  }
0x31: {  	[smem:$0x3FBA] =	sst s10  }
0x32: {  	s10 =	sld [smem:$0x3FB8];
	_ =	sdelay $0x3  }
0x33: {  	p0 =	seq.s32 s10, $0x1;
	s10 =	sld [smem:$0x3FBA];
	_ =	sdelay $0x3  }
0x34: {  	[smem:$0x3FBA] =	sst s10  }
0x35: {  	s10 =	sld [smem:$0x3FB9];
	_ =	sdelay $0x3  }
0x36: {  	p1 =	seq.s32 s10, $0x1;
	s10 =	sld [smem:$0x3FBA];
	_ =	sdelay $0x3  }
0x37: {  	[smem:$0x3FBA] =	sst s10  }
0x38: {  	s10 =	sld [smem:$0x3FBB]  }
0x39: {  	_ = 	snop;
	(pc) =	sbr.ind lr, $3  }
0x3a: {  	_ = 	snop  }
0x3b: {  	_ = 	snop  }
0x3c: {  	p2 =	seq.s32 s10, $0x1;
	s10 =	sld [smem:$0x3FBA]  }
0x3d: {  	_ =	shalt  }
0x3e: {  	_ =	shalt  }
0x3f: {  	_ =	shalt  }
0x40: {  	_ =	shalt  }
0x41: {  	_ =	shalt  }
0x42: {  	_ =	shalt  }
0x43: {  	_ =	shalt  }
0x44: {  	_ =	shalt  }
0x45: {  	_ =	shalt  }
0x46: {  	_ =	shalt  }
0x47: {  	_ =	shalt  }
0x48: {  	_ =	shalt  }
0x49: {  	_ =	shalt  }
0x4a: {  	_ =	shalt  }
0x4b: {  	_ =	shalt  }
0x4c: {  	_ =	shalt  }
0x4d: {  	_ =	shalt  }
0x4e: {  	_ =	shalt  }
0x4f: {  	_ =	shalt  }
0x50: {  	_ =	shalt  }
0x51: {  	_ =	shalt  }
0x52: {  	_ =	shalt  }
0x53: {  	_ =	shalt  }
0x54: {  	_ =	shalt  }
0x55: {  	_ =	shalt  }
0x56: {  	_ =	shalt  }
0x57: {  	_ =	shalt  }
0x58: {  	_ =	shalt  }
0x59: {  	_ =	shalt  }
0x5a: {  	_ =	shalt  }
0x5b: {  	_ =	shalt  }
0x5c: {  	_ =	shalt  }
0x5d: {  	_ =	shalt  }
0x5e: {  	_ =	shalt  }
0x5f: {  	_ =	shalt  }
0x60: {  	_ =	shalt  }
0x61: {  	_ =	shalt  }
0x62: {  	_ =	shalt  }
0x63: {  	_ =	shalt  }
0x64: {  	_ =	shalt  }
0x65: {  	_ =	shalt  }
0x66: {  	_ =	shalt  }
0x67: {  	_ =	shalt  }
0x68: {  	_ =	shalt  }
0x69: {  	_ =	shalt  }
0x6a: {  	_ =	shalt  }
0x6b: {  	_ =	shalt  }
0x6c: {  	_ =	shalt  }
0x6d: {  	_ =	shalt  }
0x6e: {  	_ =	shalt  }
0x6f: {  	_ =	shalt  }
0x70: {  	_ =	shalt  }
0x71: {  	_ =	shalt  }
0x72: {  	_ =	shalt  }
0x73: {  	_ =	shalt  }
0x74: {  	_ =	shalt  }
0x75: {  	_ =	shalt  }
0x76: {  	_ =	shalt  }
0x77: {  	_ =	shalt  }
0x78: {  	_ =	shalt  }
0x79: {  	_ =	shalt  }
0x7a: {  	_ =	shalt  }
0x7b: {  	_ =	shalt  }
0x7c: {  	_ =	shalt  }
0x7d: {  	_ =	shalt  }
0x7e: {  	_ =	shalt  }
0x7f: {  	_ =	shalt  }
0x80: {  	_ =	shalt  }
0x81: {  	_ =	shalt  }
0x82: {  	_ =	shalt  }
0x83: {  	_ =	shalt  }
0x84: {  	_ =	shalt  }
0x85: {  	_ =	shalt  }
0x86: {  	_ =	shalt  }
0x87: {  	_ =	shalt  }
.Lfunc_end0:
.L_simem_size_0:
called_computation_lowered:
.L_overlay_start_0:
0x88: {  	s2 =	sld [smem:$0x3FD9]  }
0x89: {  	s3 =	sld [smem:$0x3FFE];
	_ =	sdelay $0x1  }
0x8a: {  	s1 =	srdreg.scid  }
0x8b: {  	s0 =	sand.u32 $0x1, s1  }
0x8c: {  	s17 =	sshll.u32 s0, $0xA;
	s2 =	sadd.s32 s3, s2  }
0x8d: {  	s2 =	sadd.s32 s2, s17  }
0x8e: {  	[smem:$0x3FC6] =	sst s2  }
0x8f: {  	_ = 	snop  }
0x90: {  	s2 =	sld [smem:$0x3FD0];
	(tm) =	ssettm $0x1  }
0x91: {  	s18 =	sld [smem:$0x3FFB];
	_ =	sdelay $0x3  }
0x92: {  	_ =	strace s18  }
0x93: {  	s3 =	sld [smem:$0x3FFC];
	_ =	sdelay $0x3  }
0x94: {  	_ =	strace s3  }
0x95: {  	s3 =	sld [smem:$0x3FFD];
	_ =	sdelay $0x3  }
0x96: {  	_ =	strace s3  }
0x97: {  	_ =	strace $0x8FFFFFFF  }
0x98: {  	s19 =	sld [smem:$0x3FDB];
	_ =	sdelay $0x1  }
0x99: {  	s4 =	simm.s32 $_scs_section_size  }
0x9a: {  	s5 =	simm.s32 $_size__tile_overlayer_lowered;
	s6 =	simm.s32 $_tile_overlayer_lowered  }
0x9b: {  	s22 =	simm.s32 $0x1BFF;
	s21 =	sshll.u32 s6, $0x1;
	s3 =	sadd.s32 s4, s19  }
0x9c: {  	s7 =	simm.s32 $0x0;
	s20 =	sshll.u32 s5, $0x1;
	s5 =	sadd.s32 s21, s3  }
0x9d: {  	[timem:s7], [sflag:s22] =	dma.local [hbm:s5], s20  }
0x9e: {  	_ =	swait.ge [sflag:s22], s20  }
0x9f: {  	s4 =	ssub.s32 $0x0, s20;
	[sflag:s22] =	ssyncset.done $0x0  }
0xa0: {  	[sflag:s22] =	ssyncadd.s32 s4;
	_ =	sdelay $0x1  }
0xa1: {  	s23 =	simm.s32 $0x1B8B  }
0xa2: {  	_ =	swait.ge [sflag:s23], $0x1  }
0xa3: {  	[sflag:s23] =	ssyncset.done $0x0  }
0xa4: {  	s25 =	simm.s32 $0x1B8E;
	s24 =	sld [smem:$0x3FFE];
	[sflag:s23] =	ssyncadd.s32 $0xFFFFFFFF  }
0xa5: {  	s26 =	simm.s32 $execute0_lowered;
	[smem:$0x3FD2] =	sst s25  }
0xa6: {  	s5 =	sshll.u32 s26, $0x1;
	_ =	strace $0x80000046;
	[dreg:$0x1] =	wrdreg $0xFFFFFFFF  }
0xa7: {  	s28 =	simm.s32 $_size_execute0_lowered;
	s3 =	sadd.s32 s3, s5;
	[dreg:$0x0] =	wrdreg $0x0  }
0xa8: {  	s5 =	sshll.u32 s28, $0x1;
	[dreg:$0x2] =	wrdreg s3  }
0xa9: {  	[dreg:$0x3] =	wrdreg s5  }
0xaa: {  	[dreg:$0x4] =	wrdreg $0xC0  }
0xab: {  	_ =	task [dreg:s7], $0x5FFFF  }
0xac: {  	[dreg:$0x1] =	wrdreg $0xFFFFFFFF  }
0xad: {  	[dreg:$0x0] =	wrdreg $0x60  }
0xae: {  	[dreg:$0x2] =	wrdreg s24  }
0xaf: {  	[dreg:$0x3] =	wrdreg s2  }
0xb0: {  	[dreg:$0x4] =	wrdreg $0x2C100  }
0xb1: {  	[dreg:$0x5] =	wrdreg $0x9  }
0xb2: {  	_ =	task.clear_ibuf [dreg:s7], $0x6FFFF;
	_ =	strace $0x90000046  }
0xb3: {  	s29 =	simm.s32 $0x9;
	_ =	strace $0x80000048  }
0xb4: {  	_ =	swait.ge [sflag:s29], $0x1  }
0xb5: {  	[sflag:s29] =	ssyncadd.s32 $0xFFFFFFFF  }
0xb6: {  	_ =	strace $0x90000048  }
0xb7: {  	_ =	sfence  }
0xb8: {  	s30 =	sld [smem:$0x0];
	_ =	sdelay $0x2  }
0xb9: {  	s31 =	sshll.u32 s1, $0xD;
	s1 =	sshrl.u32 s1, $0x2  }
0xba: {  	s3 =	sand.u32 $0x4000, s31;
	s1 =	sadd.s32 s1, s30  }
0xbb: {  	s0 =	sor.u32 s3, s0;
	s1 =	sshll.u32 s1, $0x11  }
0xbc: {  	s0 =	sor.u32 s1, s0  }
0xbd: {  	s0 =	sadd.s32 $0x8F2B, s0  }
0xbe: {  	[sflag:s0] =	ssyncadd.remote.s32 $0x1  }
0xbf: {  	_ =	sfence.sel $0xFFFF  }
0xc0: {  	[dreg:$0x0] =	wrdreg $0xFFFFFFFF;
	(pc) =	sbr.abs _section_cstart, $3  }
0xc1: {  	[dreg:$0x1] =	wrdreg $0xFFFFFFFF  }
0xc2: {  	_ =	task.clear_ibuf [dreg:s7], $0x2FFFF;
	_ =	strace $0x9FFFFFFF  }
0xc3: {  	(tm) =	ssettm $0x7FFFFFFF  }
tec
execute0_lowered:
.L_overlay_start_1:
0x0: {  	(tag) =	ssettag $0x1  }
0x1: {  	s4 =	rddreg [dreg:$0x0]  }
0x2: {  	s13 =	rddreg [dreg:$0x1]  }
0x3: {  	s0 =	srdreg.scid;
	s2 =	rddreg [dreg:$0x2];
	s3 =	simm.s32 $0x0  }
0x4: {  	s16 =	simm.s32 $0x1;
	s5 =	sand.u32 $0x1, s0;
	s0 =	stileid.u32  }
0x5: {  	s17 =	simm.s32 $0x50;
	[smem:$0x7FF] =	sst s3;
	s8 =	smul.u32 $0xA000, s0  }
0x6: {  	s1 =	sshll.u32 s5, $0x4;
	s7 =	ssub.s32 $0x2, s5;
	s10 =	smul.u32 $0x2800, s0  }
0x7: {  	s15 =	smul.u32 $0x28000, s5;
	s18 =	sshll.u32 s0, $0x6;
	s6 =	sor.u32 s0, s1  }
0x8: {  	s1 =	rddreg [dreg:$0x3];
	_ =	strace $0x80000047;
	s9 =	sshrl.u32 s7, $0x1  }
0x9: {  	s18 =	sor.u32 $0x1C01, s18;
	s6 =	smul.u32 $0x4E2, s6;
	s31 =	sshrl.u32 s8, $0x2  }
0xa: {  	s14 =	ssub.s32 s7, s9;
	s15 =	sadd.s32 s10, s15;
	s11 =	sadd.s32 s31, s2  }
0xb: {  	s15 =	sshrl.u32 s15, $0x3;
	s14 =	smax.u32 s14, $0x1;
	s12 =	sadd.s32 s6, s4  }
0xc: {  	s4 =	sadd.s32 s10, s2;
	s5 =	sadd.s32 $0x500, s11;
	s6 =	sadd.s32 $0xA00, s11  }
0xd: {  	s7 =	sadd.s32 $0xF00, s11;
	s8 =	sadd.s32 $0x1400, s11;
	s9 =	sadd.s32 $0x1900, s11  }
0xe: {  	s10 =	sadd.s32 $0x1E00, s11;
	s11 =	sadd.s32 $0x2300, s11;
	s13 =	sadd.s32 s13, s15  }
0xf: {  	v0 =	vimm.f32 $0.0e+00;
	v1 =	vimm.f32 $1.000000000e+00;
	s15 =	simm.s32 $0x2710;
	s12 =	sadd.s32 $0xAA00, s12;
	s19 =	sshrl.u32 s4, $0x3  }
.LBB2_1:
0x10: {  	s20 =	simm.s32 $0x40;
	s21 =	simm.s32 $0x0  }
.LBB2_2:
0x11: {  	p0 =	sne.s32 s20, $0x13C0;
	[tilespmem:s21+$0x2710] =	vst v0;
	s21 =	smov.u32 s20;
	s20 =	sadd.s32 $0x40, s20  }
.Ltmp0:
0x12: {  	(pc) =	sbr.rel @p0 .LBB2_2-.Ltmp0, $2  }
0x13: {  	_ =	sdelay $0x2  }
0x14: {  	s21 =	sshra.s32 s21, $0x2  }
0x15: {  	[tilespmem:s21+$0x2710] =	vst v0  }
0x16: {  	[spmem:s4] =	stream.linear.scatter [tilespmem:s15], [sflag:$0x1], $0x500, $0x38;
	[tilespmem:$0x5410] =	vst v63  }
0x17: {  	_ =	swait.ge [sflag:s16], $0x500  }
0x18: {  	[sflag:s16] =	ssyncset.done $0x0  }
0x19: {  	[sflag:s16] =	ssyncadd.s32 $0xFFFFFB00  }
0x1a: {  	[spmem:s5] =	stream.linear.scatter [tilespmem:s15], [sflag:$0x1], $0x500, $0x38;
	[tilespmem:$0x5410] =	vst v63  }
0x1b: {  	_ =	swait.ge [sflag:s16], $0x500  }
0x1c: {  	[sflag:s16] =	ssyncset.done $0x0  }
0x1d: {  	[sflag:s16] =	ssyncadd.s32 $0xFFFFFB00  }
0x1e: {  	[spmem:s6] =	stream.linear.scatter [tilespmem:s15], [sflag:$0x1], $0x500, $0x38;
	[tilespmem:$0x5410] =	vst v63  }
0x1f: {  	_ =	swait.ge [sflag:s16], $0x500  }
0x20: {  	[sflag:s16] =	ssyncset.done $0x0  }
0x21: {  	[sflag:s16] =	ssyncadd.s32 $0xFFFFFB00  }
0x22: {  	[spmem:s7] =	stream.linear.scatter [tilespmem:s15], [sflag:$0x1], $0x500, $0x38;
	[tilespmem:$0x5410] =	vst v63  }
0x23: {  	_ =	swait.ge [sflag:s16], $0x500  }
0x24: {  	[sflag:s16] =	ssyncset.done $0x0  }
0x25: {  	[sflag:s16] =	ssyncadd.s32 $0xFFFFFB00  }
0x26: {  	[spmem:s8] =	stream.linear.scatter [tilespmem:s15], [sflag:$0x1], $0x500, $0x38;
	[tilespmem:$0x5410] =	vst v63  }
0x27: {  	_ =	swait.ge [sflag:s16], $0x500  }
0x28: {  	[sflag:s16] =	ssyncset.done $0x0  }
0x29: {  	[sflag:s16] =	ssyncadd.s32 $0xFFFFFB00  }
0x2a: {  	[spmem:s9] =	stream.linear.scatter [tilespmem:s15], [sflag:$0x1], $0x500, $0x38;
	[tilespmem:$0x5410] =	vst v63  }
0x2b: {  	_ =	swait.ge [sflag:s16], $0x500  }
0x2c: {  	[sflag:s16] =	ssyncset.done $0x0  }
0x2d: {  	[sflag:s16] =	ssyncadd.s32 $0xFFFFFB00  }
0x2e: {  	[spmem:s10] =	stream.linear.scatter [tilespmem:s15], [sflag:$0x1], $0x500, $0x38;
	[tilespmem:$0x5410] =	vst v63  }
0x2f: {  	_ =	swait.ge [sflag:s16], $0x500  }
0x30: {  	[sflag:s16] =	ssyncset.done $0x0  }
0x31: {  	[sflag:s16] =	ssyncadd.s32 $0xFFFFFB00  }
0x32: {  	[spmem:s11] =	stream.linear.scatter [tilespmem:s15], [sflag:$0x1], $0x500, $0x38;
	[tilespmem:$0x5410] =	vst v63  }
0x33: {  	_ =	swait.ge [sflag:s16], $0x500  }
0x34: {  	[sflag:s16] =	ssyncset.done $0x0  }
0x35: {  	s20 =	simm.s32 $0x40;
	s21 =	simm.s32 $0x0;
	[sflag:s16] =	ssyncadd.s32 $0xFFFFFB00  }
.LBB2_4:
0x36: {  	p0 =	sne.s32 s20, $0x13C0;
	[tilespmem:s21+$0x2710] =	vst v1;
	s21 =	smov.u32 s20;
	s20 =	sadd.s32 $0x40, s20  }
.Ltmp1:
0x37: {  	(pc) =	sbr.rel @p0 .LBB2_4-.Ltmp1, $2  }
0x38: {  	_ =	sdelay $0x2  }
0x39: {  	s21 =	sshra.s32 s21, $0x2  }
0x3a: {  	[tilespmem:s21+$0x2710] =	vst v1  }
0x3b: {  	s20 =	simm.s32 $0x0;
	[bflag:$0x0] =	sbarrier.arrive $0xFFFF  }
0x3c: {  	[tilespmem:s20], [sflag:$0x1] =	stream.linear.gather [hbm4b:s12+s20], $0x2710, $0x38;
	[tilespmem:$0x5410] =	vst v63  }
0x3d: {  	_ =	swait.ge [sflag:s16], $0x2710  }
0x3e: {  	[sflag:s16] =	ssyncset.done $0x0  }
0x3f: {  	s31 =	simm.s32 $0x0;
	[sflag:s16] =	ssyncadd.s32 $0xFFFFD8F0  }
0x40: {  	[spmem:s2] =	stream.indirect.scatter.add.f32 [tilespmem:s15], [sflag:$0x1], $0x10, s31, s17, $0xb8;
	[tilespmem:$0x5410] =	vst v63  }
0x41: {  	_ =	swait.ge [sflag:s16], $0x500  }
0x42: {  	s20 =	simm.s32 $0x140;
	[sflag:s16] =	ssyncset.done $0x0  }
.LBB2_6:
0x43: {  	s21 =	sshra.s32 s20, $0x2;
	[sflag:s16] =	ssyncadd.s32 $0xFFFFFB00;
	p0 =	sne.s32 s20, $0x9B00  }
0x44: {  	[spmem:s2] =	stream.indirect.scatter.add.f32 [tilespmem:s15], [sflag:$0x1], $0x10, s21, s17, $0xb8;
	[tilespmem:$0x5410] =	vst v63  }
.Ltmp2:
0x45: {  	_ = 	snop;
	(pc) =	sbr.rel @p0 .LBB2_6-.Ltmp2, $4  }
0x46: {  	_ = 	snop  }
0x47: {  	s20 =	sadd.s32 $0x140, s20  }
0x48: {  	_ =	swait.ge [sflag:s16], $0x500  }
0x49: {  	[sflag:s16] =	ssyncset.done $0x0  }
0x4a: {  	s3 =	sadd.s32 $0x1, s3  }
0x4b: {  	[sflag:s16] =	ssyncadd.s32 $0xFFFFFB00;
	p0 =	sne.s32 s3, s14  }
.Ltmp3:
0x4c: {  	[bflag:$0x0] =	sbarrier.arrive $0xFFFF;
	(pc) =	sbr.rel @p0 .LBB2_1-.Ltmp3, $4  }
0x4d: {  	[hbm:s13], [sflag:s18] =	dma.local [spmem:s19], $0x500  }
0x4e: {  	_ =	swait.ge [sflag:s16], $0x500  }
0x4f: {  	[sflag:s16] =	ssyncset.done $0x0  }
0x50: {  	[sflag:s16] =	ssyncadd.s32 $0xFFFFFB00  }
0x51: {  	_ =	sfence.sel $0x180000  }
0x52: {  	[bflag:$0x0] =	sbarrier.arrive $0xFFFF  }
0x53: {  	p0 =	sne.s32 s0, $0x0;
	_ =	strace $0x90000047  }
0x54: {  	s0 =	sadd.s32 @!p0 $0x100000, s1;
	[bflag:$0x2] =	sbarrier.arrive $0xFFFF  }
0x55: {  	[sflag:s0] =	ssyncadd.tile.s32 @!p0 $0x1;
	_ =	shalt  }
.Lfunc_end2:
_tile_overlayer_lowered:
.L_overlay_start_2:
0x56: {  	(tag) =	ssettag $0x2  }
0x57: {  	s0 =	rddreg [dreg:$0x0];
	s2 =	stileid.u32  }
0x58: {  	s1 =	rddreg [dreg:$0x1];
	p0 =	sne.s32 s2, $0x0  }
0x59: {  	s3 =	rddreg [dreg:$0x2];
	[bflag:$0x3] =	sbarrier.arrive $0xFFFF;
	s2 =	simm.s32 @!p0 $0x1C01  }
0x5a: {  	[timem:s3], [sflag:s2] =	dma.local @!p0 [hbm:s0], s1  }
0x5b: {  	s0 =	simm.s32 @!p0 $0x1  }
0x5c: {  	_ =	swait.ge @!p0 [sflag:s0], s1  }
0x5d: {  	s1 =	ssub.s32 @!p0 $0x0, s1;
	[sflag:s0] =	ssyncset.done @!p0 $0x0  }
0x5e: {  	[sflag:s0] =	ssyncadd.s32 @!p0 s1  }
0x5f: {  	[bflag:$0x3] =	sbarrier.arrive $0xFFFF  }
0x60: {  	_ =	shalt  }

// kernel: kernel.9.cloned.1.call-start
scs
__scs_entry_jumppad:
0x0: {  	(pc) =	sbr.rel $0x88, $3  }
0x1: {  	(tag) =	ssettag $0x0;
	lr =	simm.s32 $0x1  }
0x2: {  	[smem:$0x3F9F] =	sst lr;
	_ =	strace $0xD0000000  }
0x3: {  	_ = 	snop  }
0x4: {  	_ = 	snop  }
0x5: {  	_ = 	snop  }
0x6: {  	_ = 	snop  }
0x7: {  	_ = 	snop  }
__scs_overlays_trampoline_lowered:
0x8: {  	[smem:$0x3FAE] =	sst s0  }
0x9: {  	[smem:$0x3FAF] =	sst s1  }
0xa: {  	[smem:$0x3FB0] =	sst s2  }
0xb: {  	[smem:$0x3FB1] =	sst s3  }
0xc: {  	[smem:$0x3FB2] =	sst s4  }
0xd: {  	[smem:$0x3FB3] =	sst s5  }
0xe: {  	[smem:$0x3FB4] =	sst s6  }
0xf: {  	[smem:$0x3FB5] =	sst s7  }
0x10: {  	[smem:$0x3FB6] =	sst s8  }
0x11: {  	[smem:$0x3FB7] =	sst s9;
	s0 =	simm.s32 @!p0 $0x0  }
0x12: {  	s1 =	sld [smem:$0x3F9D];
	s0 =	simm.s32 @p0 $0x1  }
0x13: {  	[smem:$0x3FB8] =	sst s0;
	s0 =	simm.s32 @!p1 $0x0  }
0x14: {  	s2 =	sld [smem:$0x3F9C];
	s0 =	simm.s32 @p1 $0x1  }
0x15: {  	[smem:$0x3FB9] =	sst s0;
	s0 =	simm.s32 @!p2 $0x0  }
0x16: {  	s3 =	sld [smem:$0x3FDB];
	s0 =	simm.s32 @p2 $0x1  }
0x17: {  	s4 =	simm.s32 $0x1BF5;
	[smem:$0x3FBB] =	sst s0  }
0x18: {  	s0 =	sld [smem:$0x3F9E];
	_ =	swait.ge [sflag:s4], $0x0  }
0x19: {  	s7 =	sld [smem:$0x3F9F]  }
0x1a: {  	s8 =	sadd.s32 $0xFFFFE003, lr  }
0x1b: {  	s9 =	sadd.s32 $0xFFFFFEF7, lr;
	s5 =	simm.s32 $0xFFFFFFFF;
	p2 =	slt.u32 s8, $0xFFFFF086  }
0x1c: {  	p1 =	slt.u32 s9, $0xF7A;
	s5 =	simm.s32 @!p2 $0x0  }
0x1d: {  	s5 =	simm.s32 @p1 $0x1;
	p0 =	seq.s32 s7, s2  }
0x1e: {  	s7 =	smul.u32 @!p0 $0xF7A, s2;
	p2 =	seq.s32 @!p0 s5, $0x0  }
0x1f: {  	s9 =	smul.u32 $0xF7A, s1;
	s8 =	simm.s32 @!p0 $0x1BF5;
	p2 =	por !p2, p0  }
0x20: {  	[sflag:s8] =	ssyncset.s32 @!p0 $0xFFFFF086;
	s6 =	sadd.s32 @!p0 s3, s7;
	s7 =	simm.s32 @!p0 $0x108  }
0x21: {  	s3 =	sadd.s32 s3, s9;
	s6 =	sadd.s32 @!p0 $0x88, s6;
	s7 =	simm.s32 @p2 $0x1082  }
0x22: {  	[simem:s7], [sflag:s8] =	dma.local @!p0 [hbm:s6], $0xF7A  }
0x23: {  	s9 =	sor.u32 $0xD0000000, s2;
	s6 =	simm.s32 $0x108;
	_ =	swait.ge @!p0 [sflag:s8], $0x0  }
0x24: {  	s3 =	sadd.s32 $0x88, s3;
	s6 =	simm.s32 @!p1 $0x1082;
	[sflag:s4] =	ssyncset.s32 $0xFFFFF086  }
0x25: {  	[simem:s6], [sflag:s4] =	dma.local [hbm:s3], $0xF7A  }
0x26: {  	[smem:$0x3F9F] =	sst s1;
	(tag) =	ssettag s2;
	_ =	strace s9  }
0x27: {  	s1 =	sld [smem:$0x3FAF]  }
0x28: {  	s2 =	sld [smem:$0x3FB0]  }
0x29: {  	s4 =	sld [smem:$0x3FB2]  }
0x2a: {  	p0 =	seq.s32 s5, $0x0;
	s5 =	sld [smem:$0x3FB3]  }
0x2b: {  	s6 =	sld [smem:$0x3FB4]  }
0x2c: {  	s7 =	sld [smem:$0x3FB5]  }
0x2d: {  	s3 =	simm.s32 $0x108;
	s8 =	sld [smem:$0x3FB6]  }
0x2e: {  	s3 =	simm.s32 @!p0 $0x1082;
	s9 =	sld [smem:$0x3FB7]  }
0x2f: {  	lr =	sadd.s32 s0, s3;
	s0 =	sld [smem:$0x3FAE]  }
0x30: {  	s3 =	sld [smem:$0x3FB1]  }
0x31: {  	[smem:$0x3FBA] =	sst s10  }
0x32: {  	s10 =	sld [smem:$0x3FB8];
	_ =	sdelay $0x3  }
0x33: {  	p0 =	seq.s32 s10, $0x1;
	s10 =	sld [smem:$0x3FBA];
	_ =	sdelay $0x3  }
0x34: {  	[smem:$0x3FBA] =	sst s10  }
0x35: {  	s10 =	sld [smem:$0x3FB9];
	_ =	sdelay $0x3  }
0x36: {  	p1 =	seq.s32 s10, $0x1;
	s10 =	sld [smem:$0x3FBA];
	_ =	sdelay $0x3  }
0x37: {  	[smem:$0x3FBA] =	sst s10  }
0x38: {  	s10 =	sld [smem:$0x3FBB]  }
0x39: {  	_ = 	snop;
	(pc) =	sbr.ind lr, $3  }
0x3a: {  	_ = 	snop  }
0x3b: {  	_ = 	snop  }
0x3c: {  	p2 =	seq.s32 s10, $0x1;
	s10 =	sld [smem:$0x3FBA]  }
0x3d: {  	_ =	shalt  }
0x3e: {  	_ =	shalt  }
0x3f: {  	_ =	shalt  }
0x40: {  	_ =	shalt  }
0x41: {  	_ =	shalt  }
0x42: {  	_ =	shalt  }
0x43: {  	_ =	shalt  }
0x44: {  	_ =	shalt  }
0x45: {  	_ =	shalt  }
0x46: {  	_ =	shalt  }
0x47: {  	_ =	shalt  }
0x48: {  	_ =	shalt  }
0x49: {  	_ =	shalt  }
0x4a: {  	_ =	shalt  }
0x4b: {  	_ =	shalt  }
0x4c: {  	_ =	shalt  }
0x4d: {  	_ =	shalt  }
0x4e: {  	_ =	shalt  }
0x4f: {  	_ =	shalt  }
0x50: {  	_ =	shalt  }
0x51: {  	_ =	shalt  }
0x52: {  	_ =	shalt  }
0x53: {  	_ =	shalt  }
0x54: {  	_ =	shalt  }
0x55: {  	_ =	shalt  }
0x56: {  	_ =	shalt  }
0x57: {  	_ =	shalt  }
0x58: {  	_ =	shalt  }
0x59: {  	_ =	shalt  }
0x5a: {  	_ =	shalt  }
0x5b: {  	_ =	shalt  }
0x5c: {  	_ =	shalt  }
0x5d: {  	_ =	shalt  }
0x5e: {  	_ =	shalt  }
0x5f: {  	_ =	shalt  }
0x60: {  	_ =	shalt  }
0x61: {  	_ =	shalt  }
0x62: {  	_ =	shalt  }
0x63: {  	_ =	shalt  }
0x64: {  	_ =	shalt  }
0x65: {  	_ =	shalt  }
0x66: {  	_ =	shalt  }
0x67: {  	_ =	shalt  }
0x68: {  	_ =	shalt  }
0x69: {  	_ =	shalt  }
0x6a: {  	_ =	shalt  }
0x6b: {  	_ =	shalt  }
0x6c: {  	_ =	shalt  }
0x6d: {  	_ =	shalt  }
0x6e: {  	_ =	shalt  }
0x6f: {  	_ =	shalt  }
0x70: {  	_ =	shalt  }
0x71: {  	_ =	shalt  }
0x72: {  	_ =	shalt  }
0x73: {  	_ =	shalt  }
0x74: {  	_ =	shalt  }
0x75: {  	_ =	shalt  }
0x76: {  	_ =	shalt  }
0x77: {  	_ =	shalt  }
0x78: {  	_ =	shalt  }
0x79: {  	_ =	shalt  }
0x7a: {  	_ =	shalt  }
0x7b: {  	_ =	shalt  }
0x7c: {  	_ =	shalt  }
0x7d: {  	_ =	shalt  }
0x7e: {  	_ =	shalt  }
0x7f: {  	_ =	shalt  }
0x80: {  	_ =	shalt  }
0x81: {  	_ =	shalt  }
0x82: {  	_ =	shalt  }
0x83: {  	_ =	shalt  }
0x84: {  	_ =	shalt  }
0x85: {  	_ =	shalt  }
0x86: {  	_ =	shalt  }
0x87: {  	_ =	shalt  }
.Lfunc_end0:
.L_simem_size_0:
called_computation.1_lowered:
.L_overlay_start_0:
0x88: {  	s2 =	sld [smem:$0x3FD9]  }
0x89: {  	s3 =	sld [smem:$0x3FFE];
	_ =	sdelay $0x1  }
0x8a: {  	s1 =	srdreg.scid  }
0x8b: {  	s0 =	sand.u32 $0x1, s1  }
0x8c: {  	s17 =	sshll.u32 s0, $0xA;
	s2 =	sadd.s32 s3, s2  }
0x8d: {  	s2 =	sadd.s32 s2, s17  }
0x8e: {  	[smem:$0x3FC6] =	sst s2  }
0x8f: {  	_ = 	snop  }
0x90: {  	s2 =	sld [smem:$0x3FD0];
	(tm) =	ssettm $0x1  }
0x91: {  	s18 =	sld [smem:$0x3FFB];
	_ =	sdelay $0x3  }
0x92: {  	_ =	strace s18  }
0x93: {  	s3 =	sld [smem:$0x3FFC];
	_ =	sdelay $0x3  }
0x94: {  	_ =	strace s3  }
0x95: {  	s3 =	sld [smem:$0x3FFD];
	_ =	sdelay $0x3  }
0x96: {  	_ =	strace s3  }
0x97: {  	_ =	strace $0x8FFFFFFF  }
0x98: {  	s19 =	sld [smem:$0x3FDB];
	_ =	sdelay $0x1  }
0x99: {  	s4 =	simm.s32 $_scs_section_size  }
0x9a: {  	s5 =	simm.s32 $_size__tile_overlayer_lowered;
	s6 =	simm.s32 $_tile_overlayer_lowered  }
0x9b: {  	s22 =	simm.s32 $0x1BFF;
	s21 =	sshll.u32 s6, $0x1;
	s3 =	sadd.s32 s4, s19  }
0x9c: {  	s7 =	simm.s32 $0x0;
	s20 =	sshll.u32 s5, $0x1;
	s5 =	sadd.s32 s21, s3  }
0x9d: {  	[timem:s7], [sflag:s22] =	dma.local [hbm:s5], s20  }
0x9e: {  	_ =	swait.ge [sflag:s22], s20  }
0x9f: {  	s4 =	ssub.s32 $0x0, s20;
	[sflag:s22] =	ssyncset.done $0x0  }
0xa0: {  	[sflag:s22] =	ssyncadd.s32 s4;
	_ =	sdelay $0x1  }
0xa1: {  	s23 =	simm.s32 $0x1B8B  }
0xa2: {  	_ =	swait.ge [sflag:s23], $0x1  }
0xa3: {  	[sflag:s23] =	ssyncset.done $0x0  }
0xa4: {  	s25 =	simm.s32 $0x1B8E;
	s24 =	sld [smem:$0x3FFE];
	[sflag:s23] =	ssyncadd.s32 $0xFFFFFFFF  }
0xa5: {  	s26 =	simm.s32 $execute0_lowered;
	[smem:$0x3FD2] =	sst s25  }
0xa6: {  	s5 =	sshll.u32 s26, $0x1;
	_ =	strace $0x80000049;
	[dreg:$0x1] =	wrdreg $0xFFFFFFFF  }
0xa7: {  	s28 =	simm.s32 $_size_execute0_lowered;
	s3 =	sadd.s32 s3, s5;
	[dreg:$0x0] =	wrdreg $0x0  }
0xa8: {  	s5 =	sshll.u32 s28, $0x1;
	[dreg:$0x2] =	wrdreg s3  }
0xa9: {  	[dreg:$0x3] =	wrdreg s5  }
0xaa: {  	[dreg:$0x4] =	wrdreg $0xC0  }
0xab: {  	_ =	task [dreg:s7], $0x5FFFF  }
0xac: {  	[dreg:$0x1] =	wrdreg $0xFFFFFFFF  }
0xad: {  	[dreg:$0x0] =	wrdreg $0x60  }
0xae: {  	[dreg:$0x2] =	wrdreg s2  }
0xaf: {  	[dreg:$0x3] =	wrdreg s24  }
0xb0: {  	[dreg:$0x4] =	wrdreg $0x87A00  }
0xb1: {  	[dreg:$0x5] =	wrdreg $0x9  }
0xb2: {  	_ =	task.clear_ibuf [dreg:s7], $0x6FFFF;
	_ =	strace $0x90000049  }
0xb3: {  	s29 =	simm.s32 $0x9;
	_ =	strace $0x8000004B  }
0xb4: {  	_ =	swait.ge [sflag:s29], $0x1  }
0xb5: {  	[sflag:s29] =	ssyncadd.s32 $0xFFFFFFFF  }
0xb6: {  	_ =	strace $0x9000004B  }
0xb7: {  	_ =	sfence  }
0xb8: {  	s30 =	sld [smem:$0x0];
	_ =	sdelay $0x2  }
0xb9: {  	s31 =	sshll.u32 s1, $0xD;
	s1 =	sshrl.u32 s1, $0x2  }
0xba: {  	s3 =	sand.u32 $0x4000, s31;
	s1 =	sadd.s32 s1, s30  }
0xbb: {  	s0 =	sor.u32 s3, s0;
	s1 =	sshll.u32 s1, $0x11  }
0xbc: {  	s0 =	sor.u32 s1, s0  }
0xbd: {  	s0 =	sadd.s32 $0x8F2B, s0  }
0xbe: {  	[sflag:s0] =	ssyncadd.remote.s32 $0x1  }
0xbf: {  	_ =	sfence.sel $0xFFFF  }
0xc0: {  	[dreg:$0x0] =	wrdreg $0xFFFFFFFF;
	(pc) =	sbr.abs _section_cstart, $3  }
0xc1: {  	[dreg:$0x1] =	wrdreg $0xFFFFFFFF  }
0xc2: {  	_ =	task.clear_ibuf [dreg:s7], $0x2FFFF;
	_ =	strace $0x9FFFFFFF  }
0xc3: {  	(tm) =	ssettm $0x7FFFFFFF  }
tec
execute0_lowered:
.L_overlay_start_1:
0x0: {  	(tag) =	ssettag $0x1  }
0x1: {  	s1 =	rddreg [dreg:$0x0]  }
0x2: {  	s0 =	rddreg [dreg:$0x1]  }
0x3: {  	s3 =	rddreg [dreg:$0x2]  }
0x4: {  	s2 =	srdreg.scid;
	s11 =	stileid.u32;
	s4 =	simm.s32 $0x0  }
0x5: {  	s28 =	simm.s32 $0x7D0;
	s2 =	sand.u32 $0x1, s2;
	s5 =	smul.u32 $0x14000, s11  }
0x6: {  	s29 =	simm.s32 $0x50;
	s30 =	simm.s32 $0x820;
	s6 =	smul.u32 $0x140000, s2  }
0x7: {  	[smem:$0x7FF] =	sst s4;
	s7 =	sadd.s32 $0xAA00, s0;
	s10 =	smul.u32 $0x50000, s11  }
0x8: {  	s8 =	sadd.s32 $0xC00, s0;
	s9 =	ssub.s32 $0x2, s2;
	s6 =	sadd.s32 s5, s6  }
0x9: {  	s14 =	sshrl.u32 s9, $0x1;
	s15 =	sshrl.u32 s10, $0x2;
	s6 =	sshrl.u32 s6, $0x3  }
0xa: {  	s0 =	sadd.s32 s6, s0;
	s6 =	ssub.s32 s9, s14;
	s9 =	sadd.s32 s15, s3  }
0xb: {  	s31 =	simm.s32 $0x37A0;
	_ =	strace $0x8000004A;
	s16 =	sadd.s32 $0x2800, s9  }
0xc: {  	s2 =	sshll.u32 s2, $0x4;
	s17 =	sadd.s32 $0x5000, s9;
	[dreg:$0x4] =	wrdreg s16  }
0xd: {  	s2 =	sor.u32 s11, s2;
	s18 =	sadd.s32 $0x7800, s9;
	[dreg:$0x5] =	wrdreg s17  }
0xe: {  	s2 =	smul.u32 $0x2710, s2;
	s19 =	sadd.s32 $0xA000, s9;
	[dreg:$0x6] =	wrdreg s18  }
0xf: {  	s5 =	sadd.s32 s5, s3;
	s20 =	sadd.s32 $0xC800, s9;
	[dreg:$0x7] =	wrdreg s19  }
0x10: {  	s2 =	sshrl.u32 s2, $0x3;
	s21 =	sadd.s32 $0xF000, s9;
	[dreg:$0x8] =	wrdreg s20  }
0x11: {  	s9 =	sadd.s32 $0x11800, s9;
	s22 =	sadd.s32 s7, s2;
	[dreg:$0x9] =	wrdreg s21  }
0x12: {  	s23 =	sadd.s32 s8, s2;
	s24 =	sadd.s32 $0xFA, s2;
	[dreg:$0xa] =	wrdreg s9  }
0x13: {  	s25 =	sadd.s32 $0x1F4, s2;
	s26 =	sadd.s32 $0x2EE, s2;
	[dreg:$0xb] =	wrdreg s22  }
0x14: {  	s2 =	sadd.s32 $0x3E8, s2;
	[dreg:$0xc] =	wrdreg s23;
	s15 =	sadd.s32 s7, s24  }
0x15: {  	s16 =	sadd.s32 s8, s24;
	s17 =	sadd.s32 s7, s25;
	s18 =	sadd.s32 s8, s25  }
.Ltmp0:
0x16: {  	s19 =	sadd.s32 s7, s26;
	s20 =	sadd.s32 s8, s26;
	(pc) =	sbr.rel .LBB2_1-.Ltmp0, $4  }
0x17: {  	s21 =	sadd.s32 s7, s2;
	s22 =	sadd.s32 s8, s2;
	s23 =	sadd.s32 $0x14800, s0  }
0x18: {  	s24 =	smax.u32 s6, $0x1;
	s25 =	simm.s32 $0xFA0;
	s26 =	simm.s32 $0x7  }
0x19: {  	s0 =	simm.s32 $0x3;
	s2 =	simm.s32 $0x5FA0;
	s6 =	simm.s32 $0x5  }
0x1a: {  	v0 =	vimm.f32 $0.0e+00;
	s7 =	simm.s32 $0x4;
	s8 =	simm.s32 $0x2;
	s9 =	simm.s32 $0x1  }
.LBB2_43:
0x1b: {  	_ =	swait.ge [sflag:s7], $0x2800;
	s10 =	stileid.u32  }
0x1c: {  	s11 =	sshrl.u32 s5, $0x3;
	s4 =	sadd.s32 $0x1, s4;
	[sflag:s7] =	ssyncset.done $0x0  }
0x1d: {  	s10 =	sshll.u32 s10, $0x6;
	p0 =	sne.s32 s4, s24;
	[sflag:s7] =	ssyncadd.s32 $0xFFFFD800  }
.Ltmp1:
0x1e: {  	s10 =	sor.u32 $0x1C07, s10;
	[bflag:$0x0] =	sbarrier.arrive $0xFFFF;
	(pc) =	sbr.rel @!p0 .LBB2_44-.Ltmp1, $4  }
0x1f: {  	[hbm:s23], [sflag:s10] =	dma.local [spmem:s11], $0x2800  }
0x20: {  	_ =	swait.ge [sflag:s26], $0x2800  }
0x21: {  	[sflag:s26] =	ssyncset.done $0x0  }
0x22: {  	[sflag:s26] =	ssyncadd.s32 $0xFFFFD800  }
.LBB2_1:
0x23: {  	s10 =	simm.s32 $0x0;
	s11 =	simm.s32 $0x200  }
.LBB2_2:
0x24: {  	p0 =	sne.s32 s11, $0x9E00;
	[tilespmem:s10+$0x1010] =	vst v0  }
0x25: {  	[tilespmem:s10+$0xFA0] =	vst v0  }
0x26: {  	[tilespmem:s10+$0xFB0] =	vst v0  }
.Ltmp2:
0x27: {  	[tilespmem:s10+$0xFC0] =	vst v0;
	(pc) =	sbr.rel @p0 .LBB2_2-.Ltmp2, $4  }
0x28: {  	[tilespmem:s10+$0xFD0] =	vst v0  }
0x29: {  	[tilespmem:s10+$0xFE0] =	vst v0  }
0x2a: {  	[tilespmem:s10+$0xFF0] =	vst v0  }
0x2b: {  	[tilespmem:s10+$0x1000] =	vst v0;
	s10 =	sshra.s32 s11, $0x2;
	s11 =	sadd.s32 $0x200, s11  }
0x2c: {  	[tilespmem:s10+$0x1010] =	vst v0  }
0x2d: {  	[tilespmem:s10+$0xFA0] =	vst v0  }
0x2e: {  	[tilespmem:s10+$0xFB0] =	vst v0  }
0x2f: {  	[tilespmem:s10+$0xFC0] =	vst v0  }
0x30: {  	[tilespmem:s10+$0xFD0] =	vst v0  }
0x31: {  	[tilespmem:s10+$0xFE0] =	vst v0  }
0x32: {  	[tilespmem:s10+$0xFF0] =	vst v0  }
0x33: {  	[tilespmem:s10+$0x1000] =	vst v0  }
0x34: {  	[spmem:s5] =	stream.linear.scatter [tilespmem:s25], [sflag:$0x7], $0x2800, $0x38;
	[tilespmem:$0x1C7A0] =	vst v63  }
0x35: {  	_ =	swait.ge [sflag:s26], $0x2800  }
0x36: {  	[sflag:s26] =	ssyncset.done $0x0  }
0x37: {  	s11 =	rddreg [dreg:$0x4];
	[sflag:s26] =	ssyncadd.s32 $0xFFFFD800  }
0x38: {  	[spmem:s11] =	stream.linear.scatter [tilespmem:s25], [sflag:$0x7], $0x2800, $0x38;
	[tilespmem:$0x1C7A0] =	vst v63  }
0x39: {  	_ =	swait.ge [sflag:s26], $0x2800  }
0x3a: {  	[sflag:s26] =	ssyncset.done $0x0  }
0x3b: {  	s12 =	rddreg [dreg:$0x5];
	[sflag:s26] =	ssyncadd.s32 $0xFFFFD800  }
0x3c: {  	[spmem:s12] =	stream.linear.scatter [tilespmem:s25], [sflag:$0x7], $0x2800, $0x38;
	[tilespmem:$0x1C7A0] =	vst v63  }
0x3d: {  	_ =	swait.ge [sflag:s26], $0x2800  }
0x3e: {  	[sflag:s26] =	ssyncset.done $0x0  }
0x3f: {  	s13 =	rddreg [dreg:$0x6];
	[sflag:s26] =	ssyncadd.s32 $0xFFFFD800  }
0x40: {  	[spmem:s13] =	stream.linear.scatter [tilespmem:s25], [sflag:$0x7], $0x2800, $0x38;
	[tilespmem:$0x1C7A0] =	vst v63  }
0x41: {  	_ =	swait.ge [sflag:s26], $0x2800  }
0x42: {  	[sflag:s26] =	ssyncset.done $0x0  }
0x43: {  	s14 =	rddreg [dreg:$0x7];
	[sflag:s26] =	ssyncadd.s32 $0xFFFFD800  }
0x44: {  	[spmem:s14] =	stream.linear.scatter [tilespmem:s25], [sflag:$0x7], $0x2800, $0x38;
	[tilespmem:$0x1C7A0] =	vst v63  }
0x45: {  	_ =	swait.ge [sflag:s26], $0x2800  }
0x46: {  	[sflag:s26] =	ssyncset.done $0x0  }
0x47: {  	s11 =	rddreg [dreg:$0x8];
	[sflag:s26] =	ssyncadd.s32 $0xFFFFD800  }
0x48: {  	[spmem:s11] =	stream.linear.scatter [tilespmem:s25], [sflag:$0x7], $0x2800, $0x38;
	[tilespmem:$0x1C7A0] =	vst v63  }
0x49: {  	_ =	swait.ge [sflag:s26], $0x2800  }
0x4a: {  	[sflag:s26] =	ssyncset.done $0x0  }
0x4b: {  	s12 =	rddreg [dreg:$0x9];
	[sflag:s26] =	ssyncadd.s32 $0xFFFFD800  }
0x4c: {  	[spmem:s12] =	stream.linear.scatter [tilespmem:s25], [sflag:$0x7], $0x2800, $0x38;
	[tilespmem:$0x1C7A0] =	vst v63  }
0x4d: {  	_ =	swait.ge [sflag:s26], $0x2800  }
0x4e: {  	[sflag:s26] =	ssyncset.done $0x0  }
0x4f: {  	s13 =	rddreg [dreg:$0xa];
	[sflag:s26] =	ssyncadd.s32 $0xFFFFD800  }
0x50: {  	[spmem:s13] =	stream.linear.scatter [tilespmem:s25], [sflag:$0x7], $0x2800, $0x38;
	[tilespmem:$0x1C7A0] =	vst v63  }
0x51: {  	_ =	swait.ge [sflag:s26], $0x2800  }
0x52: {  	[sflag:s26] =	ssyncset.done $0x0  }
0x53: {  	[sflag:s26] =	ssyncadd.s32 $0xFFFFD800  }
0x54: {  	[bflag:$0x0] =	sbarrier.arrive $0xFFFF  }
0x55: {  	s10 =	simm.s32 $0x0;
	s11 =	rddreg [dreg:$0xb]  }
0x56: {  	[tilespmem:s10], [sflag:$0x7] =	stream.linear.gather [hbm4b:s11+s10], $0x7D0, $0x38;
	[tilespmem:$0x1C7A0] =	vst v63  }
0x57: {  	_ =	swait.ge [sflag:s26], $0x7D0  }
0x58: {  	[sflag:s26] =	ssyncset.done $0x0  }
0x59: {  	s14 =	rddreg [dreg:$0xc];
	[sflag:s26] =	ssyncadd.s32 $0xFFFFF830  }
0x5a: {  	[tilespmem:s28], [sflag:$0x7] =	stream.linear.gather [hbm4b:s14+s10], $0x7D0, $0x38;
	[tilespmem:$0x1C7A0] =	vst v63  }
0x5b: {  	_ =	swait.ge [sflag:s26], $0x7D0  }
.Ltmp3:
0x5c: {  	[sflag:s26] =	ssyncset.done $0x0;
	(pc) =	sbr.rel .LBB2_4-.Ltmp3, $4  }
0x5d: {  	[sflag:s26] =	ssyncadd.s32 $0xFFFFF830  }
0x5e: {  	[tilespmem:s25], [sflag:$0x1] =	stream.indirect.gather [hbm4b:s1+s29], $0x80, s28, s29, $0xb8;
	[tilespmem:$0x1C7A0] =	vst v63  }
0x5f: {  	s12 =	simm.s32 $0x0;
	s11 =	simm.s32 $0x870  }
0x60: {  	[tilespmem:s31], [sflag:$0x2] =	stream.indirect.gather [hbm4b:s1+s29], $0x80, s30, s29, $0xb8;
	[tilespmem:$0x1C7A0] =	vst v63  }
.LBB2_9:
0x61: {  	_ =	swait.ge [sflag:s0], $0x2800  }
0x62: {  	[sflag:s0] =	ssyncset.done $0x0  }
0x63: {  	[sflag:s0] =	ssyncadd.s32 $0xFFFFD800  }
0x64: {  	[spmem:s3] =	stream.indirect.scatter.add.f32 [tilespmem:s2], [sflag:$0x6], $0x80, s10, s29, $0xb8;
	[tilespmem:$0x1C7A0] =	vst v63  }
0x65: {  	_ =	swait.ge [sflag:s6], $0x2800  }
0x66: {  	p0 =	sgt.u32 s12, $0x16;
	[sflag:s6] =	ssyncset.done $0x0  }
0x67: {  	s13 =	simm.s32 @!p0 $0x50;
	s14 =	simm.s32 @!p0 $0x37A0;
	[sflag:s6] =	ssyncadd.s32 $0xFFFFD800  }
0x68: {  	[tilespmem:s14], [sflag:$0x2] =	stream.indirect.gather @!p0 [hbm4b:s1+s13], $0x80, s11, s13, $0xb8;
	[tilespmem:$0x1C7A0] =	vst v63  }
.LBB2_10:
0x69: {  	s12 =	sadd.s32 $0x1, s12  }
0x6a: {  	p0 =	sne.s32 s12, $0x19  }
.Ltmp4:
0x6b: {  	_ = 	snop;
	(pc) =	sbr.rel @!p0 .LBB2_11-.Ltmp4, $2  }
0x6c: {  	_ =	sdelay $0x2  }
0x6d: {  	s11 =	sadd.s32 $0x50, s11;
	s10 =	sadd.s32 $0x50, s10  }
.LBB2_4:
0x6e: {  	s13 =	smul.u32 $0xAB, s12;
	_ =	sdelay $0x1  }
0x6f: {  	s13 =	sshrl.u32 s13, $0x9  }
0x70: {  	s13 =	sand.u32 $0x7F, s13  }
0x71: {  	s13 =	smul.u32 $0x3, s13;
	_ =	sdelay $0x1  }
0x72: {  	s13 =	ssub.s32 s12, s13  }
0x73: {  	s13 =	sand.u32 $0xFF, s13  }
0x74: {  	p0 =	seq.s32 s13, $0x2  }
.Ltmp5:
0x75: {  	_ = 	snop;
	(pc) =	sbr.rel @p0 .LBB2_9-.Ltmp5, $1  }
0x76: {  	_ =	sdelay $0x3  }
0x77: {  	p0 =	seq.s32 s13, $0x1  }
.Ltmp6:
0x78: {  	_ = 	snop;
	(pc) =	sbr.rel @!p0 .LBB2_6-.Ltmp6, $1  }
0x79: {  	_ =	sdelay $0x3  }
0x7a: {  	_ =	swait.ge [sflag:s8], $0x2800  }
0x7b: {  	[sflag:s8] =	ssyncset.done $0x0  }
0x7c: {  	[sflag:s8] =	ssyncadd.s32 $0xFFFFD800  }
0x7d: {  	[spmem:s3] =	stream.indirect.scatter.add.f32 [tilespmem:s31], [sflag:$0x5], $0x80, s10, s29, $0xb8;
	[tilespmem:$0x1C7A0] =	vst v63  }
.Ltmp7:
0x7e: {  	_ = 	snop;
	(pc) =	sbr.rel .LBB2_10-.Ltmp7, $4  }
0x7f: {  	_ =	swait.ge [sflag:s7], $0x2800  }
0x80: {  	p0 =	sgt.u32 s12, $0x16;
	[sflag:s7] =	ssyncset.done $0x0  }
0x81: {  	s13 =	simm.s32 @!p0 $0x50;
	s14 =	simm.s32 @!p0 $0xFA0;
	[sflag:s7] =	ssyncadd.s32 $0xFFFFD800  }
0x82: {  	[tilespmem:s14], [sflag:$0x1] =	stream.indirect.gather @!p0 [hbm4b:s1+s13], $0x80, s11, s13, $0xb8;
	[tilespmem:$0x1C7A0] =	vst v63  }
.LBB2_6:
0x83: {  	p0 =	seq.s32 s12, $0x0  }
0x84: {  	_ =	swait.ge [sflag:s9], $0x2800;
	p1 =	sgt.u32 @!p0 s12, $0x16  }
0x85: {  	[sflag:s9] =	ssyncset.done $0x0;
	p1 =	por p0, !p1  }
.Ltmp8:
0x86: {  	s13 =	simm.s32 @!p0 $0x6;
	[sflag:s9] =	ssyncadd.s32 $0xFFFFD800;
	(pc) =	sbr.rel @!p1 .LBB2_10-.Ltmp8, $4  }
0x87: {  	[spmem:s3] =	stream.indirect.scatter.add.f32 [tilespmem:s25], [sflag:$0x4], $0x80, s10, s29, $0xb8;
	[tilespmem:$0x1C7A0] =	vst v63  }
0x88: {  	_ =	swait.ge @!p0 [sflag:s13], $0x2800  }
0x89: {  	[sflag:s13] =	ssyncset.done @!p0 $0x0  }
0x8a: {  	[sflag:s13] =	ssyncadd.s32 @!p0 $0xFFFFD800  }
.Ltmp9:
0x8b: {  	(pc) =	sbr.rel .LBB2_10-.Ltmp9, $2  }
0x8c: {  	_ =	sdelay $0x2  }
0x8d: {  	[tilespmem:s2], [sflag:$0x3] =	stream.indirect.gather [hbm4b:s1+s29], $0x80, s11, s29, $0xb8;
	[tilespmem:$0x1C7A0] =	vst v63  }
.LBB2_11:
0x8e: {  	_ =	swait.ge [sflag:s7], $0x2800  }
0x8f: {  	[sflag:s7] =	ssyncset.done $0x0  }
0x90: {  	s10 =	simm.s32 $0x0;
	[sflag:s7] =	ssyncadd.s32 $0xFFFFD800  }
0x91: {  	[tilespmem:s10], [sflag:$0x7] =	stream.linear.gather [hbm4b:s15+s10], $0x7D0, $0x38;
	[tilespmem:$0x1C7A0] =	vst v63  }
0x92: {  	_ =	swait.ge [sflag:s26], $0x7D0  }
0x93: {  	[sflag:s26] =	ssyncset.done $0x0  }
0x94: {  	[sflag:s26] =	ssyncadd.s32 $0xFFFFF830  }
0x95: {  	[tilespmem:s28], [sflag:$0x7] =	stream.linear.gather [hbm4b:s16+s10], $0x7D0, $0x38;
	[tilespmem:$0x1C7A0] =	vst v63  }
0x96: {  	_ =	swait.ge [sflag:s26], $0x7D0  }
.Ltmp10:
0x97: {  	[sflag:s26] =	ssyncset.done $0x0;
	(pc) =	sbr.rel .LBB2_12-.Ltmp10, $4  }
0x98: {  	[sflag:s26] =	ssyncadd.s32 $0xFFFFF830  }
0x99: {  	[tilespmem:s25], [sflag:$0x1] =	stream.indirect.gather [hbm4b:s1+s29], $0x80, s28, s29, $0xb8;
	[tilespmem:$0x1C7A0] =	vst v63  }
0x9a: {  	s11 =	simm.s32 $0x870;
	s12 =	simm.s32 $0x0  }
0x9b: {  	[tilespmem:s31], [sflag:$0x2] =	stream.indirect.gather [hbm4b:s1+s29], $0x80, s30, s29, $0xb8;
	[tilespmem:$0x1C7A0] =	vst v63  }
.LBB2_17:
0x9c: {  	_ =	swait.ge [sflag:s0], $0x2800  }
0x9d: {  	[sflag:s0] =	ssyncset.done $0x0  }
0x9e: {  	[sflag:s0] =	ssyncadd.s32 $0xFFFFD800  }
0x9f: {  	[spmem:s3] =	stream.indirect.scatter.add.f32 [tilespmem:s2], [sflag:$0x6], $0x80, s10, s29, $0xb8;
	[tilespmem:$0x1C7A0] =	vst v63  }
0xa0: {  	_ =	swait.ge [sflag:s6], $0x2800  }
0xa1: {  	p0 =	sgt.u32 s12, $0x16;
	[sflag:s6] =	ssyncset.done $0x0  }
0xa2: {  	s13 =	simm.s32 @!p0 $0x50;
	s14 =	simm.s32 @!p0 $0x37A0;
	[sflag:s6] =	ssyncadd.s32 $0xFFFFD800  }
0xa3: {  	[tilespmem:s14], [sflag:$0x2] =	stream.indirect.gather @!p0 [hbm4b:s1+s13], $0x80, s11, s13, $0xb8;
	[tilespmem:$0x1C7A0] =	vst v63  }
.LBB2_18:
0xa4: {  	s12 =	sadd.s32 $0x1, s12  }
0xa5: {  	p0 =	sne.s32 s12, $0x19  }
.Ltmp11:
0xa6: {  	_ = 	snop;
	(pc) =	sbr.rel @!p0 .LBB2_19-.Ltmp11, $2  }
0xa7: {  	_ =	sdelay $0x2  }
0xa8: {  	s11 =	sadd.s32 $0x50, s11;
	s10 =	sadd.s32 $0x50, s10  }
.LBB2_12:
0xa9: {  	s13 =	smul.u32 $0xAB, s12;
	_ =	sdelay $0x1  }
0xaa: {  	s13 =	sshrl.u32 s13, $0x9  }
0xab: {  	s13 =	sand.u32 $0x7F, s13  }
0xac: {  	s13 =	smul.u32 $0x3, s13;
	_ =	sdelay $0x1  }
0xad: {  	s13 =	ssub.s32 s12, s13  }
0xae: {  	s13 =	sand.u32 $0xFF, s13  }
0xaf: {  	p0 =	seq.s32 s13, $0x2  }
.Ltmp12:
0xb0: {  	_ = 	snop;
	(pc) =	sbr.rel @p0 .LBB2_17-.Ltmp12, $1  }
0xb1: {  	_ =	sdelay $0x3  }
0xb2: {  	p0 =	seq.s32 s13, $0x1  }
.Ltmp13:
0xb3: {  	_ = 	snop;
	(pc) =	sbr.rel @!p0 .LBB2_14-.Ltmp13, $1  }
0xb4: {  	_ =	sdelay $0x3  }
0xb5: {  	_ =	swait.ge [sflag:s8], $0x2800  }
0xb6: {  	[sflag:s8] =	ssyncset.done $0x0  }
0xb7: {  	[sflag:s8] =	ssyncadd.s32 $0xFFFFD800  }
0xb8: {  	[spmem:s3] =	stream.indirect.scatter.add.f32 [tilespmem:s31], [sflag:$0x5], $0x80, s10, s29, $0xb8;
	[tilespmem:$0x1C7A0] =	vst v63  }
.Ltmp14:
0xb9: {  	_ = 	snop;
	(pc) =	sbr.rel .LBB2_18-.Ltmp14, $4  }
0xba: {  	_ =	swait.ge [sflag:s7], $0x2800  }
0xbb: {  	p0 =	sgt.u32 s12, $0x16;
	[sflag:s7] =	ssyncset.done $0x0  }
0xbc: {  	s13 =	simm.s32 @!p0 $0x50;
	s14 =	simm.s32 @!p0 $0xFA0;
	[sflag:s7] =	ssyncadd.s32 $0xFFFFD800  }
0xbd: {  	[tilespmem:s14], [sflag:$0x1] =	stream.indirect.gather @!p0 [hbm4b:s1+s13], $0x80, s11, s13, $0xb8;
	[tilespmem:$0x1C7A0] =	vst v63  }
.LBB2_14:
0xbe: {  	p0 =	seq.s32 s12, $0x0  }
0xbf: {  	_ =	swait.ge [sflag:s9], $0x2800;
	p1 =	sgt.u32 @!p0 s12, $0x16  }
0xc0: {  	[sflag:s9] =	ssyncset.done $0x0;
	p1 =	por p0, !p1  }
.Ltmp15:
0xc1: {  	s13 =	simm.s32 @!p0 $0x6;
	[sflag:s9] =	ssyncadd.s32 $0xFFFFD800;
	(pc) =	sbr.rel @!p1 .LBB2_18-.Ltmp15, $4  }
0xc2: {  	[spmem:s3] =	stream.indirect.scatter.add.f32 [tilespmem:s25], [sflag:$0x4], $0x80, s10, s29, $0xb8;
	[tilespmem:$0x1C7A0] =	vst v63  }
0xc3: {  	_ =	swait.ge @!p0 [sflag:s13], $0x2800  }
0xc4: {  	[sflag:s13] =	ssyncset.done @!p0 $0x0  }
0xc5: {  	[sflag:s13] =	ssyncadd.s32 @!p0 $0xFFFFD800  }
.Ltmp16:
0xc6: {  	(pc) =	sbr.rel .LBB2_18-.Ltmp16, $2  }
0xc7: {  	_ =	sdelay $0x2  }
0xc8: {  	[tilespmem:s2], [sflag:$0x3] =	stream.indirect.gather [hbm4b:s1+s29], $0x80, s11, s29, $0xb8;
	[tilespmem:$0x1C7A0] =	vst v63  }
.LBB2_19:
0xc9: {  	_ =	swait.ge [sflag:s7], $0x2800  }
0xca: {  	[sflag:s7] =	ssyncset.done $0x0  }
0xcb: {  	s10 =	simm.s32 $0x0;
	[sflag:s7] =	ssyncadd.s32 $0xFFFFD800  }
0xcc: {  	[tilespmem:s10], [sflag:$0x7] =	stream.linear.gather [hbm4b:s17+s10], $0x7D0, $0x38;
	[tilespmem:$0x1C7A0] =	vst v63  }
0xcd: {  	_ =	swait.ge [sflag:s26], $0x7D0  }
0xce: {  	[sflag:s26] =	ssyncset.done $0x0  }
0xcf: {  	[sflag:s26] =	ssyncadd.s32 $0xFFFFF830  }
0xd0: {  	[tilespmem:s28], [sflag:$0x7] =	stream.linear.gather [hbm4b:s18+s10], $0x7D0, $0x38;
	[tilespmem:$0x1C7A0] =	vst v63  }
0xd1: {  	_ =	swait.ge [sflag:s26], $0x7D0  }
.Ltmp17:
0xd2: {  	[sflag:s26] =	ssyncset.done $0x0;
	(pc) =	sbr.rel .LBB2_20-.Ltmp17, $4  }
0xd3: {  	[sflag:s26] =	ssyncadd.s32 $0xFFFFF830  }
0xd4: {  	[tilespmem:s25], [sflag:$0x1] =	stream.indirect.gather [hbm4b:s1+s29], $0x80, s28, s29, $0xb8;
	[tilespmem:$0x1C7A0] =	vst v63  }
0xd5: {  	s11 =	simm.s32 $0x870;
	s12 =	simm.s32 $0x0  }
0xd6: {  	[tilespmem:s31], [sflag:$0x2] =	stream.indirect.gather [hbm4b:s1+s29], $0x80, s30, s29, $0xb8;
	[tilespmem:$0x1C7A0] =	vst v63  }
.LBB2_25:
0xd7: {  	_ =	swait.ge [sflag:s0], $0x2800  }
0xd8: {  	[sflag:s0] =	ssyncset.done $0x0  }
0xd9: {  	[sflag:s0] =	ssyncadd.s32 $0xFFFFD800  }
0xda: {  	[spmem:s3] =	stream.indirect.scatter.add.f32 [tilespmem:s2], [sflag:$0x6], $0x80, s10, s29, $0xb8;
	[tilespmem:$0x1C7A0] =	vst v63  }
0xdb: {  	_ =	swait.ge [sflag:s6], $0x2800  }
0xdc: {  	p0 =	sgt.u32 s12, $0x16;
	[sflag:s6] =	ssyncset.done $0x0  }
0xdd: {  	s13 =	simm.s32 @!p0 $0x50;
	s14 =	simm.s32 @!p0 $0x37A0;
	[sflag:s6] =	ssyncadd.s32 $0xFFFFD800  }
0xde: {  	[tilespmem:s14], [sflag:$0x2] =	stream.indirect.gather @!p0 [hbm4b:s1+s13], $0x80, s11, s13, $0xb8;
	[tilespmem:$0x1C7A0] =	vst v63  }
.LBB2_26:
0xdf: {  	s12 =	sadd.s32 $0x1, s12  }
0xe0: {  	p0 =	sne.s32 s12, $0x19  }
.Ltmp18:
0xe1: {  	_ = 	snop;
	(pc) =	sbr.rel @!p0 .LBB2_27-.Ltmp18, $2  }
0xe2: {  	_ =	sdelay $0x2  }
0xe3: {  	s11 =	sadd.s32 $0x50, s11;
	s10 =	sadd.s32 $0x50, s10  }
.LBB2_20:
0xe4: {  	s13 =	smul.u32 $0xAB, s12;
	_ =	sdelay $0x1  }
0xe5: {  	s13 =	sshrl.u32 s13, $0x9  }
0xe6: {  	s13 =	sand.u32 $0x7F, s13  }
0xe7: {  	s13 =	smul.u32 $0x3, s13;
	_ =	sdelay $0x1  }
0xe8: {  	s13 =	ssub.s32 s12, s13  }
0xe9: {  	s13 =	sand.u32 $0xFF, s13  }
0xea: {  	p0 =	seq.s32 s13, $0x2  }
.Ltmp19:
0xeb: {  	_ = 	snop;
	(pc) =	sbr.rel @p0 .LBB2_25-.Ltmp19, $1  }
0xec: {  	_ =	sdelay $0x3  }
0xed: {  	p0 =	seq.s32 s13, $0x1  }
.Ltmp20:
0xee: {  	_ = 	snop;
	(pc) =	sbr.rel @!p0 .LBB2_22-.Ltmp20, $1  }
0xef: {  	_ =	sdelay $0x3  }
0xf0: {  	_ =	swait.ge [sflag:s8], $0x2800  }
0xf1: {  	[sflag:s8] =	ssyncset.done $0x0  }
0xf2: {  	[sflag:s8] =	ssyncadd.s32 $0xFFFFD800  }
0xf3: {  	[spmem:s3] =	stream.indirect.scatter.add.f32 [tilespmem:s31], [sflag:$0x5], $0x80, s10, s29, $0xb8;
	[tilespmem:$0x1C7A0] =	vst v63  }
.Ltmp21:
0xf4: {  	_ = 	snop;
	(pc) =	sbr.rel .LBB2_26-.Ltmp21, $4  }
0xf5: {  	_ =	swait.ge [sflag:s7], $0x2800  }
0xf6: {  	p0 =	sgt.u32 s12, $0x16;
	[sflag:s7] =	ssyncset.done $0x0  }
0xf7: {  	s13 =	simm.s32 @!p0 $0x50;
	s14 =	simm.s32 @!p0 $0xFA0;
	[sflag:s7] =	ssyncadd.s32 $0xFFFFD800  }
0xf8: {  	[tilespmem:s14], [sflag:$0x1] =	stream.indirect.gather @!p0 [hbm4b:s1+s13], $0x80, s11, s13, $0xb8;
	[tilespmem:$0x1C7A0] =	vst v63  }
.LBB2_22:
0xf9: {  	p0 =	seq.s32 s12, $0x0  }
0xfa: {  	_ =	swait.ge [sflag:s9], $0x2800;
	p1 =	sgt.u32 @!p0 s12, $0x16  }
0xfb: {  	[sflag:s9] =	ssyncset.done $0x0;
	p1 =	por p0, !p1  }
.Ltmp22:
0xfc: {  	s13 =	simm.s32 @!p0 $0x6;
	[sflag:s9] =	ssyncadd.s32 $0xFFFFD800;
	(pc) =	sbr.rel @!p1 .LBB2_26-.Ltmp22, $4  }
0xfd: {  	[spmem:s3] =	stream.indirect.scatter.add.f32 [tilespmem:s25], [sflag:$0x4], $0x80, s10, s29, $0xb8;
	[tilespmem:$0x1C7A0] =	vst v63  }
0xfe: {  	_ =	swait.ge @!p0 [sflag:s13], $0x2800  }
0xff: {  	[sflag:s13] =	ssyncset.done @!p0 $0x0  }
0x100: {  	[sflag:s13] =	ssyncadd.s32 @!p0 $0xFFFFD800  }
.Ltmp23:
0x101: {  	(pc) =	sbr.rel .LBB2_26-.Ltmp23, $2  }
0x102: {  	_ =	sdelay $0x2  }
0x103: {  	[tilespmem:s2], [sflag:$0x3] =	stream.indirect.gather [hbm4b:s1+s29], $0x80, s11, s29, $0xb8;
	[tilespmem:$0x1C7A0] =	vst v63  }
.LBB2_27:
0x104: {  	_ =	swait.ge [sflag:s7], $0x2800  }
0x105: {  	[sflag:s7] =	ssyncset.done $0x0  }
0x106: {  	s10 =	simm.s32 $0x0;
	[sflag:s7] =	ssyncadd.s32 $0xFFFFD800  }
0x107: {  	[tilespmem:s10], [sflag:$0x7] =	stream.linear.gather [hbm4b:s19+s10], $0x7D0, $0x38;
	[tilespmem:$0x1C7A0] =	vst v63  }
0x108: {  	_ =	swait.ge [sflag:s26], $0x7D0  }
0x109: {  	[sflag:s26] =	ssyncset.done $0x0  }
0x10a: {  	[sflag:s26] =	ssyncadd.s32 $0xFFFFF830  }
0x10b: {  	[tilespmem:s28], [sflag:$0x7] =	stream.linear.gather [hbm4b:s20+s10], $0x7D0, $0x38;
	[tilespmem:$0x1C7A0] =	vst v63  }
0x10c: {  	_ =	swait.ge [sflag:s26], $0x7D0  }
.Ltmp24:
0x10d: {  	[sflag:s26] =	ssyncset.done $0x0;
	(pc) =	sbr.rel .LBB2_28-.Ltmp24, $4  }
0x10e: {  	[sflag:s26] =	ssyncadd.s32 $0xFFFFF830  }
0x10f: {  	[tilespmem:s25], [sflag:$0x1] =	stream.indirect.gather [hbm4b:s1+s29], $0x80, s28, s29, $0xb8;
	[tilespmem:$0x1C7A0] =	vst v63  }
0x110: {  	s11 =	simm.s32 $0x870;
	s12 =	simm.s32 $0x0  }
0x111: {  	[tilespmem:s31], [sflag:$0x2] =	stream.indirect.gather [hbm4b:s1+s29], $0x80, s30, s29, $0xb8;
	[tilespmem:$0x1C7A0] =	vst v63  }
.LBB2_33:
0x112: {  	_ =	swait.ge [sflag:s0], $0x2800  }
0x113: {  	[sflag:s0] =	ssyncset.done $0x0  }
0x114: {  	[sflag:s0] =	ssyncadd.s32 $0xFFFFD800  }
0x115: {  	[spmem:s3] =	stream.indirect.scatter.add.f32 [tilespmem:s2], [sflag:$0x6], $0x80, s10, s29, $0xb8;
	[tilespmem:$0x1C7A0] =	vst v63  }
0x116: {  	_ =	swait.ge [sflag:s6], $0x2800  }
0x117: {  	p0 =	sgt.u32 s12, $0x16;
	[sflag:s6] =	ssyncset.done $0x0  }
0x118: {  	s13 =	simm.s32 @!p0 $0x50;
	s14 =	simm.s32 @!p0 $0x37A0;
	[sflag:s6] =	ssyncadd.s32 $0xFFFFD800  }
0x119: {  	[tilespmem:s14], [sflag:$0x2] =	stream.indirect.gather @!p0 [hbm4b:s1+s13], $0x80, s11, s13, $0xb8;
	[tilespmem:$0x1C7A0] =	vst v63  }
.LBB2_34:
0x11a: {  	s12 =	sadd.s32 $0x1, s12  }
0x11b: {  	p0 =	sne.s32 s12, $0x19  }
.Ltmp25:
0x11c: {  	_ = 	snop;
	(pc) =	sbr.rel @!p0 .LBB2_35-.Ltmp25, $2  }
0x11d: {  	_ =	sdelay $0x2  }
0x11e: {  	s11 =	sadd.s32 $0x50, s11;
	s10 =	sadd.s32 $0x50, s10  }
.LBB2_28:
0x11f: {  	s13 =	smul.u32 $0xAB, s12;
	_ =	sdelay $0x1  }
0x120: {  	s13 =	sshrl.u32 s13, $0x9  }
0x121: {  	s13 =	sand.u32 $0x7F, s13  }
0x122: {  	s13 =	smul.u32 $0x3, s13;
	_ =	sdelay $0x1  }
0x123: {  	s13 =	ssub.s32 s12, s13  }
0x124: {  	s13 =	sand.u32 $0xFF, s13  }
0x125: {  	p0 =	seq.s32 s13, $0x2  }
.Ltmp26:
0x126: {  	_ = 	snop;
	(pc) =	sbr.rel @p0 .LBB2_33-.Ltmp26, $1  }
0x127: {  	_ =	sdelay $0x3  }
0x128: {  	p0 =	seq.s32 s13, $0x1  }
.Ltmp27:
0x129: {  	_ = 	snop;
	(pc) =	sbr.rel @!p0 .LBB2_30-.Ltmp27, $1  }
0x12a: {  	_ =	sdelay $0x3  }
0x12b: {  	_ =	swait.ge [sflag:s8], $0x2800  }
0x12c: {  	[sflag:s8] =	ssyncset.done $0x0  }
0x12d: {  	[sflag:s8] =	ssyncadd.s32 $0xFFFFD800  }
0x12e: {  	[spmem:s3] =	stream.indirect.scatter.add.f32 [tilespmem:s31], [sflag:$0x5], $0x80, s10, s29, $0xb8;
	[tilespmem:$0x1C7A0] =	vst v63  }
.Ltmp28:
0x12f: {  	_ = 	snop;
	(pc) =	sbr.rel .LBB2_34-.Ltmp28, $4  }
0x130: {  	_ =	swait.ge [sflag:s7], $0x2800  }
0x131: {  	p0 =	sgt.u32 s12, $0x16;
	[sflag:s7] =	ssyncset.done $0x0  }
0x132: {  	s13 =	simm.s32 @!p0 $0x50;
	s14 =	simm.s32 @!p0 $0xFA0;
	[sflag:s7] =	ssyncadd.s32 $0xFFFFD800  }
0x133: {  	[tilespmem:s14], [sflag:$0x1] =	stream.indirect.gather @!p0 [hbm4b:s1+s13], $0x80, s11, s13, $0xb8;
	[tilespmem:$0x1C7A0] =	vst v63  }
.LBB2_30:
0x134: {  	p0 =	seq.s32 s12, $0x0  }
0x135: {  	_ =	swait.ge [sflag:s9], $0x2800;
	p1 =	sgt.u32 @!p0 s12, $0x16  }
0x136: {  	[sflag:s9] =	ssyncset.done $0x0;
	p1 =	por p0, !p1  }
.Ltmp29:
0x137: {  	s13 =	simm.s32 @!p0 $0x6;
	[sflag:s9] =	ssyncadd.s32 $0xFFFFD800;
	(pc) =	sbr.rel @!p1 .LBB2_34-.Ltmp29, $4  }
0x138: {  	[spmem:s3] =	stream.indirect.scatter.add.f32 [tilespmem:s25], [sflag:$0x4], $0x80, s10, s29, $0xb8;
	[tilespmem:$0x1C7A0] =	vst v63  }
0x139: {  	_ =	swait.ge @!p0 [sflag:s13], $0x2800  }
0x13a: {  	[sflag:s13] =	ssyncset.done @!p0 $0x0  }
0x13b: {  	[sflag:s13] =	ssyncadd.s32 @!p0 $0xFFFFD800  }
.Ltmp30:
0x13c: {  	(pc) =	sbr.rel .LBB2_34-.Ltmp30, $2  }
0x13d: {  	_ =	sdelay $0x2  }
0x13e: {  	[tilespmem:s2], [sflag:$0x3] =	stream.indirect.gather [hbm4b:s1+s29], $0x80, s11, s29, $0xb8;
	[tilespmem:$0x1C7A0] =	vst v63  }
.LBB2_35:
0x13f: {  	_ =	swait.ge [sflag:s7], $0x2800  }
0x140: {  	[sflag:s7] =	ssyncset.done $0x0  }
0x141: {  	s10 =	simm.s32 $0x0;
	[sflag:s7] =	ssyncadd.s32 $0xFFFFD800  }
0x142: {  	[tilespmem:s10], [sflag:$0x7] =	stream.linear.gather [hbm4b:s21+s10], $0x7D0, $0x38;
	[tilespmem:$0x1C7A0] =	vst v63  }
0x143: {  	_ =	swait.ge [sflag:s26], $0x7D0  }
0x144: {  	[sflag:s26] =	ssyncset.done $0x0  }
0x145: {  	[sflag:s26] =	ssyncadd.s32 $0xFFFFF830  }
0x146: {  	[tilespmem:s28], [sflag:$0x7] =	stream.linear.gather [hbm4b:s22+s10], $0x7D0, $0x38;
	[tilespmem:$0x1C7A0] =	vst v63  }
0x147: {  	_ =	swait.ge [sflag:s26], $0x7D0  }
.Ltmp31:
0x148: {  	[sflag:s26] =	ssyncset.done $0x0;
	(pc) =	sbr.rel .LBB2_36-.Ltmp31, $4  }
0x149: {  	[sflag:s26] =	ssyncadd.s32 $0xFFFFF830  }
0x14a: {  	[tilespmem:s25], [sflag:$0x1] =	stream.indirect.gather [hbm4b:s1+s29], $0x80, s28, s29, $0xb8;
	[tilespmem:$0x1C7A0] =	vst v63  }
0x14b: {  	s11 =	simm.s32 $0x870;
	s12 =	simm.s32 $0x0  }
0x14c: {  	[tilespmem:s31], [sflag:$0x2] =	stream.indirect.gather [hbm4b:s1+s29], $0x80, s30, s29, $0xb8;
	[tilespmem:$0x1C7A0] =	vst v63  }
.LBB2_41:
0x14d: {  	_ =	swait.ge [sflag:s0], $0x2800  }
0x14e: {  	[sflag:s0] =	ssyncset.done $0x0  }
0x14f: {  	[sflag:s0] =	ssyncadd.s32 $0xFFFFD800  }
0x150: {  	[spmem:s3] =	stream.indirect.scatter.add.f32 [tilespmem:s2], [sflag:$0x6], $0x80, s10, s29, $0xb8;
	[tilespmem:$0x1C7A0] =	vst v63  }
0x151: {  	_ =	swait.ge [sflag:s6], $0x2800  }
0x152: {  	p0 =	sgt.u32 s12, $0x16;
	[sflag:s6] =	ssyncset.done $0x0  }
0x153: {  	s13 =	simm.s32 @!p0 $0x50;
	s14 =	simm.s32 @!p0 $0x37A0;
	[sflag:s6] =	ssyncadd.s32 $0xFFFFD800  }
0x154: {  	[tilespmem:s14], [sflag:$0x2] =	stream.indirect.gather @!p0 [hbm4b:s1+s13], $0x80, s11, s13, $0xb8;
	[tilespmem:$0x1C7A0] =	vst v63  }
.LBB2_42:
0x155: {  	s12 =	sadd.s32 $0x1, s12  }
0x156: {  	p0 =	sne.s32 s12, $0x19  }
.Ltmp32:
0x157: {  	_ = 	snop;
	(pc) =	sbr.rel @!p0 .LBB2_43-.Ltmp32, $2  }
0x158: {  	_ =	sdelay $0x2  }
0x159: {  	s11 =	sadd.s32 $0x50, s11;
	s10 =	sadd.s32 $0x50, s10  }
.LBB2_36:
0x15a: {  	s13 =	smul.u32 $0xAB, s12;
	_ =	sdelay $0x1  }
0x15b: {  	s13 =	sshrl.u32 s13, $0x9  }
0x15c: {  	s13 =	sand.u32 $0x7F, s13  }
0x15d: {  	s13 =	smul.u32 $0x3, s13;
	_ =	sdelay $0x1  }
0x15e: {  	s13 =	ssub.s32 s12, s13  }
0x15f: {  	s13 =	sand.u32 $0xFF, s13  }
0x160: {  	p0 =	seq.s32 s13, $0x2  }
.Ltmp33:
0x161: {  	_ = 	snop;
	(pc) =	sbr.rel @p0 .LBB2_41-.Ltmp33, $1  }
0x162: {  	_ =	sdelay $0x3  }
0x163: {  	p0 =	seq.s32 s13, $0x1  }
.Ltmp34:
0x164: {  	_ = 	snop;
	(pc) =	sbr.rel @!p0 .LBB2_38-.Ltmp34, $1  }
0x165: {  	_ =	sdelay $0x3  }
0x166: {  	_ =	swait.ge [sflag:s8], $0x2800  }
0x167: {  	[sflag:s8] =	ssyncset.done $0x0  }
0x168: {  	[sflag:s8] =	ssyncadd.s32 $0xFFFFD800  }
0x169: {  	[spmem:s3] =	stream.indirect.scatter.add.f32 [tilespmem:s31], [sflag:$0x5], $0x80, s10, s29, $0xb8;
	[tilespmem:$0x1C7A0] =	vst v63  }
.Ltmp35:
0x16a: {  	_ = 	snop;
	(pc) =	sbr.rel .LBB2_42-.Ltmp35, $4  }
0x16b: {  	_ =	swait.ge [sflag:s7], $0x2800  }
0x16c: {  	p0 =	sgt.u32 s12, $0x16;
	[sflag:s7] =	ssyncset.done $0x0  }
0x16d: {  	s13 =	simm.s32 @!p0 $0x50;
	s14 =	simm.s32 @!p0 $0xFA0;
	[sflag:s7] =	ssyncadd.s32 $0xFFFFD800  }
0x16e: {  	[tilespmem:s14], [sflag:$0x1] =	stream.indirect.gather @!p0 [hbm4b:s1+s13], $0x80, s11, s13, $0xb8;
	[tilespmem:$0x1C7A0] =	vst v63  }
.LBB2_38:
0x16f: {  	p0 =	seq.s32 s12, $0x0  }
0x170: {  	_ =	swait.ge [sflag:s9], $0x2800;
	p1 =	sgt.u32 @!p0 s12, $0x16  }
0x171: {  	[sflag:s9] =	ssyncset.done $0x0;
	p1 =	por p0, !p1  }
.Ltmp36:
0x172: {  	s13 =	simm.s32 @!p0 $0x6;
	[sflag:s9] =	ssyncadd.s32 $0xFFFFD800;
	(pc) =	sbr.rel @!p1 .LBB2_42-.Ltmp36, $4  }
0x173: {  	[spmem:s3] =	stream.indirect.scatter.add.f32 [tilespmem:s25], [sflag:$0x4], $0x80, s10, s29, $0xb8;
	[tilespmem:$0x1C7A0] =	vst v63  }
0x174: {  	_ =	swait.ge @!p0 [sflag:s13], $0x2800  }
0x175: {  	[sflag:s13] =	ssyncset.done @!p0 $0x0  }
0x176: {  	[sflag:s13] =	ssyncadd.s32 @!p0 $0xFFFFD800  }
.Ltmp37:
0x177: {  	(pc) =	sbr.rel .LBB2_42-.Ltmp37, $2  }
0x178: {  	_ =	sdelay $0x2  }
0x179: {  	[tilespmem:s2], [sflag:$0x3] =	stream.indirect.gather [hbm4b:s1+s29], $0x80, s11, s29, $0xb8;
	[tilespmem:$0x1C7A0] =	vst v63  }
.LBB2_44:
0x17a: {  	_ =	sfence.sel $0x180000  }
0x17b: {  	[bflag:$0x0] =	sbarrier.arrive $0xFFFF  }
0x17c: {  	_ =	strace $0x9000004A  }
0x17d: {  	s0 =	stileid.u32;
	[bflag:$0x2] =	sbarrier.arrive $0xFFFF  }
0x17e: {  	p0 =	sne.s32 s0, $0x0;
	s0 =	rddreg [dreg:$0x3]  }
0x17f: {  	s0 =	sadd.s32 @!p0 $0x100000, s0  }
0x180: {  	[sflag:s0] =	ssyncadd.tile.s32 @!p0 $0x1;
	_ =	shalt  }
.Lfunc_end2:
_tile_overlayer_lowered:
.L_overlay_start_2:
0x181: {  	(tag) =	ssettag $0x2  }
0x182: {  	s0 =	rddreg [dreg:$0x0];
	s2 =	stileid.u32  }
0x183: {  	s1 =	rddreg [dreg:$0x1];
	p0 =	sne.s32 s2, $0x0  }
0x184: {  	s3 =	rddreg [dreg:$0x2];
	[bflag:$0x3] =	sbarrier.arrive $0xFFFF;
	s2 =	simm.s32 @!p0 $0x1C07  }
0x185: {  	[timem:s3], [sflag:s2] =	dma.local @!p0 [hbm:s0], s1  }
0x186: {  	s0 =	simm.s32 @!p0 $0x7  }
0x187: {  	_ =	swait.ge @!p0 [sflag:s0], s1  }
0x188: {  	s1 =	ssub.s32 @!p0 $0x0, s1;
	[sflag:s0] =	ssyncset.done @!p0 $0x0  }
0x189: {  	[sflag:s0] =	ssyncadd.s32 @!p0 s1  }
0x18a: {  	[bflag:$0x3] =	sbarrier.arrive $0xFFFF  }
0x18b: {  	_ =	shalt  }

</sc_bundles>
